<compile_context>
chip_gen: v7x
topology: tpu7x:2x2x1
jax: 0.10.2.dev20260603
libtpu: 0.0.44.dev20260713+nightly
codegen_flags: <defaults>
</compile_context>

<pallas_src>
import functools

import jax
import jax.numpy as jnp
from jax import lax
from jax.experimental import pallas as pl
from jax.experimental.pallas import tpu as pltpu, tpu_sc as plsc


B, N, S, D1, D2 = 8, 4096, 1024, 256, 256
B2 = B // 2
H0, H1 = 512, 256
TN = 256
NT = N // TN
CNT = float(B * N)
EPS = 1e-5
BIG = 3.0e38

NC, NS, L = 2, 16, 16
NW = NC * NS
QPW = (B2 * N) // NW
Q = 64
NCHUNK = QPW // Q


def _k1_body(xyz1_ref, xyz2_ref, p2_ref,
             wa_ref, wb_ref, wc_ref, ga_ref, gb_ref, gc_ref, p2t_ref):
    b = pl.program_id(0)
    nt = pl.program_id(1)

    x1 = xyz1_ref[0]
    x2 = xyz2_ref[0]

    x1r = x1.astype(jnp.bfloat16)
    x2r = x2.astype(jnp.bfloat16)
    x1sq = jnp.sum(x1 * x1, axis=0, keepdims=True)
    cross = lax.dot_general(x2r, x1r, (((0,), (0,)), ((), ())),
                            preferred_element_type=jnp.float32)
    x2sq_col = lax.dot_general(
        x2 * x2, jnp.ones((3, 1), jnp.float32), (((0,), (0,)), ((), ())),
        preferred_element_type=jnp.float32,
        precision=lax.Precision.HIGHEST)
    dT = (x1sq + x2sq_col) - 2.0 * cross

    iota = lax.broadcasted_iota(jnp.int32, (S, TN), 0)

    m1 = jnp.min(dT, axis=0, keepdims=True)
    i1 = jnp.min(jnp.where(dT == m1, iota, S), axis=0, keepdims=True)
    d2 = jnp.where(iota == i1, BIG, dT)
    m2 = jnp.min(d2, axis=0, keepdims=True)
    i2 = jnp.min(jnp.where(d2 == m2, iota, S), axis=0, keepdims=True)
    d3 = jnp.where(iota == i2, BIG, d2)
    m3 = jnp.min(d3, axis=0, keepdims=True)
    i3 = jnp.min(jnp.where(d3 == m3, iota, S), axis=0, keepdims=True)

    r1 = 1.0 / jnp.maximum(m1, 1e-8)
    r2 = 1.0 / jnp.maximum(m2, 1e-8)
    r3 = 1.0 / jnp.maximum(m3, 1e-8)
    norm = jnp.maximum(r1 + r2 + r3, 1e-8)

    wa_ref[0] = r1 / norm
    wb_ref[0] = r2 / norm
    wc_ref[0] = r3 / norm
    off = b * S
    ga_ref[0] = i1 + off
    gb_ref[0] = i2 + off
    gc_ref[0] = i3 + off

    @pl.when(nt == 0)
    def _():
        p2t_ref[...] = jnp.transpose(p2_ref[0], (1, 0))


def _sc_body(wa_hbm, wb_hbm, wc_hbm, ga_hbm, gb_hbm, gc_hbm, tbl_hbm,
             out_hbm, i0_v, i1_v, i2_v, w0_v, w1_v, w2_v, rows_v, out_v, sem):
    wid = lax.axis_index("s") * NC + lax.axis_index("c")
    qbase0 = wid * QPW

    pltpu.sync_copy(ga_hbm.at[pl.ds(qbase0, QPW)], i0_v)
    pltpu.sync_copy(gb_hbm.at[pl.ds(qbase0, QPW)], i1_v)
    pltpu.sync_copy(gc_hbm.at[pl.ds(qbase0, QPW)], i2_v)
    pltpu.sync_copy(wa_hbm.at[pl.ds(qbase0, QPW)], w0_v.at[pl.ds(0, QPW)])
    pltpu.sync_copy(wb_hbm.at[pl.ds(qbase0, QPW)], w1_v.at[pl.ds(0, QPW)])
    pltpu.sync_copy(wc_hbm.at[pl.ds(qbase0, QPW)], w2_v.at[pl.ds(0, QPW)])

    def chunk(c, carry):
        qbase = qbase0 + c * Q
        q0 = c * Q
        cp0 = pltpu.async_copy(tbl_hbm.at[i0_v.at[pl.ds(q0, Q)]],
                               rows_v.at[0], sem)
        cp1 = pltpu.async_copy(tbl_hbm.at[i1_v.at[pl.ds(q0, Q)]],
                               rows_v.at[1], sem)
        cp2 = pltpu.async_copy(tbl_hbm.at[i2_v.at[pl.ds(q0, Q)]],
                               rows_v.at[2], sem)
        cp0.wait()
        cp1.wait()
        cp2.wait()

        def per_q(q, carry2):
            w0 = w0_v[pl.ds(q0 + q, L)][0]
            w1 = w1_v[pl.ds(q0 + q, L)][0]
            w2 = w2_v[pl.ds(q0 + q, L)][0]
            for dd in range(D2 // L):
                sl = pl.ds(dd * L, L)
                acc = (w0 * rows_v[0, q, sl] + w1 * rows_v[1, q, sl]
                       + w2 * rows_v[2, q, sl])
                out_v[q, sl] = acc
            return carry2

        lax.fori_loop(0, Q, per_q, 0)
        pltpu.sync_copy(out_v, out_hbm.at[pl.ds(qbase, Q)])
        return carry

    lax.fori_loop(0, NCHUNK, chunk, 0)


def _k2_body(p1_ref, it_ref, w0_ref, z0_ref, s0_ref, q0_ref):
    b = pl.program_id(0)
    nt = pl.program_id(1)
    w0a = w0_ref[...][:, :D1]
    w0b = w0_ref[...][:, D1:]
    z0 = jnp.dot(w0a, p1_ref[0], preferred_element_type=jnp.float32)
    z0 = z0 + lax.dot_general(w0b, it_ref[...], (((1,), (1,)), ((), ())),
                              preferred_element_type=jnp.float32)
    z0_ref[0] = z0

    @pl.when(jnp.logical_and(b == 0, nt == 0))
    def _():
        s0_ref[...] = jnp.zeros_like(s0_ref)
        q0_ref[...] = jnp.zeros_like(q0_ref)

    s0_ref[...] += jnp.sum(z0, axis=1, keepdims=True)
    q0_ref[...] += jnp.sum(z0 * z0, axis=1, keepdims=True)


def _k3_body(z0_ref, s0a_ref, q0a_ref, s0b_ref, q0b_ref, g0_ref, b0_ref,
             w1_ref, z1_ref, s1_ref, q1_ref):
    b = pl.program_id(0)
    nt = pl.program_id(1)
    mean = (s0a_ref[...] + s0b_ref[...]) * (1.0 / CNT)
    var = (q0a_ref[...] + q0b_ref[...]) * (1.0 / CNT) - mean * mean
    a = g0_ref[...] * lax.rsqrt(var + EPS)
    c = b0_ref[...] - mean * a
    h = jnp.maximum(z0_ref[0] * a + c, 0.0)
    z1 = jnp.dot(w1_ref[...], h, preferred_element_type=jnp.float32)
    z1_ref[0] = z1

    @pl.when(jnp.logical_and(b == 0, nt == 0))
    def _():
        s1_ref[...] = jnp.zeros_like(s1_ref)
        q1_ref[...] = jnp.zeros_like(q1_ref)

    s1_ref[...] += jnp.sum(z1, axis=1, keepdims=True)
    q1_ref[...] += jnp.sum(z1 * z1, axis=1, keepdims=True)


def _k4_body(z1_ref, s1a_ref, q1a_ref, s1b_ref, q1b_ref, g1_ref, b1_ref,
             out_ref):
    mean = (s1a_ref[...] + s1b_ref[...]) * (1.0 / CNT)
    var = (q1a_ref[...] + q1b_ref[...]) * (1.0 / CNT) - mean * mean
    a = g1_ref[...] * lax.rsqrt(var + EPS)
    c = b1_ref[...] - mean * a
    out_ref[0] = jnp.maximum(z1_ref[0] * a + c, 0.0)


def _front_half(xyz1h, xyz2h, p2h):
    wa, wb, wc, ga, gb, gc, p2t = pl.pallas_call(
        _k1_body,
        grid=(B2, NT),
        in_specs=[
            pl.BlockSpec((1, 3, TN), lambda b, n: (b, 0, n)),
            pl.BlockSpec((1, 3, S), lambda b, n: (b, 0, 0)),
            pl.BlockSpec((1, D2, S), lambda b, n: (b, 0, 0)),
        ],
        out_specs=[
            pl.BlockSpec((1, 1, TN), lambda b, n: (b, 0, n)),
            pl.BlockSpec((1, 1, TN), lambda b, n: (b, 0, n)),
            pl.BlockSpec((1, 1, TN), lambda b, n: (b, 0, n)),
            pl.BlockSpec((1, 1, TN), lambda b, n: (b, 0, n)),
            pl.BlockSpec((1, 1, TN), lambda b, n: (b, 0, n)),
            pl.BlockSpec((1, 1, TN), lambda b, n: (b, 0, n)),
            pl.BlockSpec((S, D2), lambda b, n: (b, 0)),
        ],
        out_shape=[
            jax.ShapeDtypeStruct((B2, 1, N), jnp.float32),
            jax.ShapeDtypeStruct((B2, 1, N), jnp.float32),
            jax.ShapeDtypeStruct((B2, 1, N), jnp.float32),
            jax.ShapeDtypeStruct((B2, 1, N), jnp.int32),
            jax.ShapeDtypeStruct((B2, 1, N), jnp.int32),
            jax.ShapeDtypeStruct((B2, 1, N), jnp.int32),
            jax.ShapeDtypeStruct((B2 * S, D2), jnp.float32),
        ],
    )(xyz1h, xyz2h, p2h)

    mesh = plsc.VectorSubcoreMesh(core_axis_name="c", subcore_axis_name="s")
    interp = pl.kernel(
        _sc_body,
        mesh=mesh,
        out_type=jax.ShapeDtypeStruct((B2 * N, D2), jnp.float32),
        scratch_types=[
            pltpu.VMEM((QPW,), jnp.int32),
            pltpu.VMEM((QPW,), jnp.int32),
            pltpu.VMEM((QPW,), jnp.int32),
            pltpu.VMEM((QPW + L,), jnp.float32),
            pltpu.VMEM((QPW + L,), jnp.float32),
            pltpu.VMEM((QPW + L,), jnp.float32),
            pltpu.VMEM((3, Q, D2), jnp.float32),
            pltpu.VMEM((Q, D2), jnp.float32),
            pltpu.SemaphoreType.DMA,
        ],
    )(wa.reshape(B2 * N), wb.reshape(B2 * N), wc.reshape(B2 * N),
      ga.reshape(B2 * N), gb.reshape(B2 * N), gc.reshape(B2 * N), p2t)
    return interp


def _layer0_half(p1h, interp, W0):
    return pl.pallas_call(
        _k2_body,
        grid=(B2, NT),
        in_specs=[
            pl.BlockSpec((1, D1, TN), lambda b, n: (b, 0, n)),
            pl.BlockSpec((TN, D2), lambda b, n: (b * NT + n, 0)),
            pl.BlockSpec((H0, D1 + D2), lambda b, n: (0, 0)),
        ],
        out_specs=[
            pl.BlockSpec((1, H0, TN), lambda b, n: (b, 0, n)),
            pl.BlockSpec((H0, 1), lambda b, n: (0, 0)),
            pl.BlockSpec((H0, 1), lambda b, n: (0, 0)),
        ],
        out_shape=[
            jax.ShapeDtypeStruct((B2, H0, N), jnp.float32),
            jax.ShapeDtypeStruct((H0, 1), jnp.float32),
            jax.ShapeDtypeStruct((H0, 1), jnp.float32),
        ],
    )(p1h, interp, W0)


def _layer1_half(z0h, s0a, q0a, s0b, q0b, g0c, b0c, W1):
    return pl.pallas_call(
        _k3_body,
        grid=(B2, NT),
        in_specs=[
            pl.BlockSpec((1, H0, TN), lambda b, n: (b, 0, n)),
            pl.BlockSpec((H0, 1), lambda b, n: (0, 0)),
            pl.BlockSpec((H0, 1), lambda b, n: (0, 0)),
            pl.BlockSpec((H0, 1), lambda b, n: (0, 0)),
            pl.BlockSpec((H0, 1), lambda b, n: (0, 0)),
            pl.BlockSpec((H0, 1), lambda b, n: (0, 0)),
            pl.BlockSpec((H0, 1), lambda b, n: (0, 0)),
            pl.BlockSpec((H1, H0), lambda b, n: (0, 0)),
        ],
        out_specs=[
            pl.BlockSpec((1, H1, TN), lambda b, n: (b, 0, n)),
            pl.BlockSpec((H1, 1), lambda b, n: (0, 0)),
            pl.BlockSpec((H1, 1), lambda b, n: (0, 0)),
        ],
        out_shape=[
            jax.ShapeDtypeStruct((B2, H1, N), jnp.float32),
            jax.ShapeDtypeStruct((H1, 1), jnp.float32),
            jax.ShapeDtypeStruct((H1, 1), jnp.float32),
        ],
    )(z0h, s0a, q0a, s0b, q0b, g0c, b0c, W1)


def _out_half(z1h, s1a, q1a, s1b, q1b, g1c, b1c):
    return pl.pallas_call(
        _k4_body,
        grid=(B2, NT),
        in_specs=[
            pl.BlockSpec((1, H1, TN), lambda b, n: (b, 0, n)),
            pl.BlockSpec((H1, 1), lambda b, n: (0, 0)),
            pl.BlockSpec((H1, 1), lambda b, n: (0, 0)),
            pl.BlockSpec((H1, 1), lambda b, n: (0, 0)),
            pl.BlockSpec((H1, 1), lambda b, n: (0, 0)),
            pl.BlockSpec((H1, 1), lambda b, n: (0, 0)),
            pl.BlockSpec((H1, 1), lambda b, n: (0, 0)),
        ],
        out_specs=pl.BlockSpec((1, H1, TN), lambda b, n: (b, 0, n)),
        out_shape=jax.ShapeDtypeStruct((B2, H1, N), jnp.float32),
    )(z1h, s1a, q1a, s1b, q1b, g1c, b1c)


@jax.jit
def kernel(xyz1, xyz2, points1, points2, W0, g0, b0, W1, g1, b1):
    g0c = g0.reshape(H0, 1)
    b0c = b0.reshape(H0, 1)
    g1c = g1.reshape(H1, 1)
    b1c = b1.reshape(H1, 1)

    interp_a = _front_half(xyz1[:B2], xyz2[:B2], points2[:B2])
    interp_b = _front_half(xyz1[B2:], xyz2[B2:], points2[B2:])

    z0a, s0a, q0a = _layer0_half(points1[:B2], interp_a, W0)
    z0b, s0b, q0b = _layer0_half(points1[B2:], interp_b, W0)

    z1a, s1a, q1a = _layer1_half(z0a, s0a, q0a, s0b, q0b, g0c, b0c, W1)
    z1b, s1b, q1b = _layer1_half(z0b, s0a, q0a, s0b, q0b, g0c, b0c, W1)

    outa = _out_half(z1a, s1a, q1a, s1b, q1b, g1c, b1c)
    outb = _out_half(z1b, s1a, q1a, s1b, q1b, g1c, b1c)

    return jnp.concatenate([outa, outb], axis=0)

# --- scband reference (transcript-rebuilt; emitter-appended) ---
"""Pipeline reference for scband-point-net-feature-propagation-pytorch3-d-81733227643085 (READ-ONLY COPY).

The authoritative reference and input builder live on the scoring server;
editing this copy changes nothing except your own understanding.
"""

import jax, jax.numpy as jnp
import numpy as np


def setup_inputs(seed: int = 0) -> dict:
    key = jax.random.key(seed)
    ks = jax.random.split(key, 8)
    B, N, S, D1, D2 = 8, 4096, 1024, 256, 256
    mlp = [512, 256]
    in_ch = D1 + D2
    return {
        "xyz1": jax.random.normal(ks[0], (B, 3, N), dtype=jnp.float32),
        "xyz2": jax.random.normal(ks[1], (B, 3, S), dtype=jnp.float32),
        "points1": jax.random.normal(ks[2], (B, D1, N), dtype=jnp.float32),
        "points2": jax.random.normal(ks[3], (B, D2, S), dtype=jnp.float32),
        "W0": jax.random.normal(ks[4], (mlp[0], in_ch), dtype=jnp.float32) * 0.05,
        "g0": jnp.ones((mlp[0],), dtype=jnp.float32),
        "b0": jnp.zeros((mlp[0],), dtype=jnp.float32),
        "W1": jax.random.normal(ks[5], (mlp[1], mlp[0]), dtype=jnp.float32) * 0.05,
        "g1": jnp.ones((mlp[1],), dtype=jnp.float32),
        "b1": jnp.zeros((mlp[1],), dtype=jnp.float32),
    }


def _bn_train(x, g, b, eps=1e-5):
    # BatchNorm1d in training mode: per-channel batch stats over (B, N)
    mean = jnp.mean(x, axis=(0, 2), keepdims=True)
    var = jnp.mean((x - mean) ** 2, axis=(0, 2), keepdims=True)
    return g[None, :, None] * (x - mean) / jnp.sqrt(var + eps) + b[None, :, None]


def reference(xyz1, xyz2, points1, points2, W0, g0, b0, W1, g1, b1):
    K = 3
    x1 = jnp.transpose(xyz1, (0, 2, 1))  # [B, N, 3]
    x2 = jnp.transpose(xyz2, (0, 2, 1))  # [B, S, 3]
    # pairwise squared distances [B, N, S] (pytorch3d knn_points returns squared dists)
    d = (jnp.sum(x1 ** 2, axis=-1, keepdims=True)
         + jnp.sum(x2 ** 2, axis=-1)[:, None, :]
         - 2.0 * jnp.einsum('bnd,bsd->bns', x1, x2))
    neg_d, idx = jax.lax.top_k(-d, K)  # 3 nearest neighbors
    dists = -neg_d  # [B, N, K]
    dist_recip = 1.0 / jnp.maximum(dists, 1e-8)
    norm = jnp.sum(dist_recip, axis=2, keepdims=True)
    weight = dist_recip / jnp.maximum(norm, 1e-8)  # [B, N, K]
    p2 = jnp.transpose(points2, (0, 2, 1))  # [B, S, D2]
    gathered = jax.vmap(lambda p, i: p[i])(p2, idx)  # knn_gather -> [B, N, K, D2]
    interp = jnp.sum(gathered * weight[..., None], axis=2)  # [B, N, D2]
    interp = jnp.transpose(interp, (0, 2, 1))  # [B, D2, N]
    new_points = jnp.concatenate([points1, interp], axis=1)  # [B, D1+D2, N]
    h = jax.nn.relu(_bn_train(jnp.einsum('oc,bcn->bon', W0, new_points), g0, b0))
    h = jax.nn.relu(_bn_train(jnp.einsum('oc,bcn->bon', W1, h), g1, b1))
    return h

if __name__ == "__main__":
    import jax
    _d = setup_inputs()
    print(jax.jit(kernel)(*tuple(_d.values())))

</pallas_src>

<mosaic_0001>
#map = affine_map<(d0, d1) -> (0)>
#map1 = affine_map<(d0, d1) -> (0, 0)>
module attributes {stable_mosaic.version = 14 : i64} {
  func.func @_sc_body(%arg0: i32, %arg1: i32, %arg2: memref<16384xf32, #tpu.memory_space<hbm>>, %arg3: memref<16384xf32, #tpu.memory_space<hbm>>, %arg4: memref<16384xf32, #tpu.memory_space<hbm>>, %arg5: memref<16384xi32, #tpu.memory_space<hbm>>, %arg6: memref<16384xi32, #tpu.memory_space<hbm>>, %arg7: memref<16384xi32, #tpu.memory_space<hbm>>, %arg8: memref<4096x256xf32, #tpu.memory_space<hbm>>, %arg9: memref<16384x256xf32, #tpu.memory_space<hbm>>, %arg10: memref<512xi32, #tpu.memory_space<vmem>>, %arg11: memref<512xi32, #tpu.memory_space<vmem>>, %arg12: memref<512xi32, #tpu.memory_space<vmem>>, %arg13: memref<528xf32, #tpu.memory_space<vmem>>, %arg14: memref<528xf32, #tpu.memory_space<vmem>>, %arg15: memref<528xf32, #tpu.memory_space<vmem>>, %arg16: memref<3x64x256xf32, #tpu.memory_space<vmem>>, %arg17: memref<64x256xf32, #tpu.memory_space<vmem>>, %arg18: memref<!tpu.dma_semaphore, #tpu.memory_space<semaphore_mem>>) attributes {dimension_semantics = [#tpu.dimension_semantics<core_parallel>, #tpu.dimension_semantics<subcore_parallel>], iteration_bounds = array<i64: 2, 16>, scalar_prefetch = 0 : i64, scratch_operands = 9 : i64, tpu.core_type = #tpu.core_type<sc_vector_subcore>, window_params = [{transform_indices = #map}, {transform_indices = #map}, {transform_indices = #map}, {transform_indices = #map}, {transform_indices = #map}, {transform_indices = #map}, {transform_indices = #map1}, {transform_indices = #map1}]} {
    %mul3A = arith.constant 2 : i32
    %mul3A_0 = arith.muli %arg1, %mul3A : i32
    %add3A = arith.addi %mul3A_0, %arg0 : i32
    %mul3A_1 = arith.constant 512 : i32
    %mul3A_2 = arith.muli %add3A, %mul3A_1 : i32
    "tpu.region"() ({
      %run_scoped3A = tpu.sem_alloc : memref<!tpu.dma_semaphore, #tpu.memory_space<semaphore_mem>>
      %dma_start3A = tpu.memref_slice %arg5[%mul3A_2] : memref<16384xi32, #tpu.memory_space<hbm>> -> memref<512xi32, #tpu.memory_space<hbm>>
      %dma_start3A_8 = tpu.memref_slice %arg5[%mul3A_2] : memref<16384xi32, #tpu.memory_space<hbm>> -> memref<512xi32, #tpu.memory_space<hbm>>
      tpu.enqueue_dma source(%dma_start3A_8 : memref<512xi32, #tpu.memory_space<hbm>>) target(%arg10 : memref<512xi32, #tpu.memory_space<vmem>>) target_semaphore(%run_scoped3A : memref<!tpu.dma_semaphore, #tpu.memory_space<semaphore_mem>>)
      %dma_wait3A = tpu.memref_slice %arg5[%mul3A_2] : memref<16384xi32, #tpu.memory_space<hbm>> -> memref<512xi32, #tpu.memory_space<hbm>>
      %dma_wait3A_9 = tpu.memref_slice %arg5[%mul3A_2] : memref<16384xi32, #tpu.memory_space<hbm>> -> memref<512xi32, #tpu.memory_space<hbm>>
      tpu.wait_dma2 semaphore(%run_scoped3A : memref<!tpu.dma_semaphore, #tpu.memory_space<semaphore_mem>>) src(%dma_wait3A_9 : memref<512xi32, #tpu.memory_space<hbm>>) dst(%arg10 : memref<512xi32, #tpu.memory_space<vmem>>)
      tpu.yield
    }) : () -> ()
    "tpu.region"() ({
      %run_scoped3A = tpu.sem_alloc : memref<!tpu.dma_semaphore, #tpu.memory_space<semaphore_mem>>
      %dma_start3A = tpu.memref_slice %arg6[%mul3A_2] : memref<16384xi32, #tpu.memory_space<hbm>> -> memref<512xi32, #tpu.memory_space<hbm>>
      %dma_start3A_8 = tpu.memref_slice %arg6[%mul3A_2] : memref<16384xi32, #tpu.memory_space<hbm>> -> memref<512xi32, #tpu.memory_space<hbm>>
      tpu.enqueue_dma source(%dma_start3A_8 : memref<512xi32, #tpu.memory_space<hbm>>) target(%arg11 : memref<512xi32, #tpu.memory_space<vmem>>) target_semaphore(%run_scoped3A : memref<!tpu.dma_semaphore, #tpu.memory_space<semaphore_mem>>)
      %dma_wait3A = tpu.memref_slice %arg6[%mul3A_2] : memref<16384xi32, #tpu.memory_space<hbm>> -> memref<512xi32, #tpu.memory_space<hbm>>
      %dma_wait3A_9 = tpu.memref_slice %arg6[%mul3A_2] : memref<16384xi32, #tpu.memory_space<hbm>> -> memref<512xi32, #tpu.memory_space<hbm>>
      tpu.wait_dma2 semaphore(%run_scoped3A : memref<!tpu.dma_semaphore, #tpu.memory_space<semaphore_mem>>) src(%dma_wait3A_9 : memref<512xi32, #tpu.memory_space<hbm>>) dst(%arg11 : memref<512xi32, #tpu.memory_space<vmem>>)
      tpu.yield
    }) : () -> ()
    "tpu.region"() ({
      %run_scoped3A = tpu.sem_alloc : memref<!tpu.dma_semaphore, #tpu.memory_space<semaphore_mem>>
      %dma_start3A = tpu.memref_slice %arg7[%mul3A_2] : memref<16384xi32, #tpu.memory_space<hbm>> -> memref<512xi32, #tpu.memory_space<hbm>>
      %dma_start3A_8 = tpu.memref_slice %arg7[%mul3A_2] : memref<16384xi32, #tpu.memory_space<hbm>> -> memref<512xi32, #tpu.memory_space<hbm>>
      tpu.enqueue_dma source(%dma_start3A_8 : memref<512xi32, #tpu.memory_space<hbm>>) target(%arg12 : memref<512xi32, #tpu.memory_space<vmem>>) target_semaphore(%run_scoped3A : memref<!tpu.dma_semaphore, #tpu.memory_space<semaphore_mem>>)
      %dma_wait3A = tpu.memref_slice %arg7[%mul3A_2] : memref<16384xi32, #tpu.memory_space<hbm>> -> memref<512xi32, #tpu.memory_space<hbm>>
      %dma_wait3A_9 = tpu.memref_slice %arg7[%mul3A_2] : memref<16384xi32, #tpu.memory_space<hbm>> -> memref<512xi32, #tpu.memory_space<hbm>>
      tpu.wait_dma2 semaphore(%run_scoped3A : memref<!tpu.dma_semaphore, #tpu.memory_space<semaphore_mem>>) src(%dma_wait3A_9 : memref<512xi32, #tpu.memory_space<hbm>>) dst(%arg12 : memref<512xi32, #tpu.memory_space<vmem>>)
      tpu.yield
    }) : () -> ()
    "tpu.region"() ({
      %run_scoped3A = tpu.sem_alloc : memref<!tpu.dma_semaphore, #tpu.memory_space<semaphore_mem>>
      %dma_start3A = arith.constant 0 : i32
      %dma_start3A_8 = tpu.memref_slice %arg13[%dma_start3A] : memref<528xf32, #tpu.memory_space<vmem>> -> memref<512xf32, #tpu.memory_space<vmem>>
      %dma_start3A_9 = tpu.memref_slice %arg2[%mul3A_2] : memref<16384xf32, #tpu.memory_space<hbm>> -> memref<512xf32, #tpu.memory_space<hbm>>
      %dma_start3A_10 = arith.constant 0 : i32
      %dma_start3A_11 = tpu.memref_slice %arg13[%dma_start3A_10] : memref<528xf32, #tpu.memory_space<vmem>> -> memref<512xf32, #tpu.memory_space<vmem>>
      %dma_start3A_12 = tpu.memref_slice %arg2[%mul3A_2] : memref<16384xf32, #tpu.memory_space<hbm>> -> memref<512xf32, #tpu.memory_space<hbm>>
      tpu.enqueue_dma source(%dma_start3A_12 : memref<512xf32, #tpu.memory_space<hbm>>) target(%dma_start3A_11 : memref<512xf32, #tpu.memory_space<vmem>>) target_semaphore(%run_scoped3A : memref<!tpu.dma_semaphore, #tpu.memory_space<semaphore_mem>>)
      %dma_wait3A = arith.constant 0 : i32
      %dma_wait3A_13 = tpu.memref_slice %arg13[%dma_wait3A] : memref<528xf32, #tpu.memory_space<vmem>> -> memref<512xf32, #tpu.memory_space<vmem>>
      %dma_wait3A_14 = tpu.memref_slice %arg2[%mul3A_2] : memref<16384xf32, #tpu.memory_space<hbm>> -> memref<512xf32, #tpu.memory_space<hbm>>
      %dma_wait3A_15 = arith.constant 0 : i32
      %dma_wait3A_16 = tpu.memref_slice %arg13[%dma_wait3A_15] : memref<528xf32, #tpu.memory_space<vmem>> -> memref<512xf32, #tpu.memory_space<vmem>>
      %dma_wait3A_17 = tpu.memref_slice %arg2[%mul3A_2] : memref<16384xf32, #tpu.memory_space<hbm>> -> memref<512xf32, #tpu.memory_space<hbm>>
      tpu.wait_dma2 semaphore(%run_scoped3A : memref<!tpu.dma_semaphore, #tpu.memory_space<semaphore_mem>>) src(%dma_wait3A_17 : memref<512xf32, #tpu.memory_space<hbm>>) dst(%dma_wait3A_16 : memref<512xf32, #tpu.memory_space<vmem>>)
      tpu.yield
    }) : () -> ()
    "tpu.region"() ({
      %run_scoped3A = tpu.sem_alloc : memref<!tpu.dma_semaphore, #tpu.memory_space<semaphore_mem>>
      %dma_start3A = arith.constant 0 : i32
      %dma_start3A_8 = tpu.memref_slice %arg14[%dma_start3A] : memref<528xf32, #tpu.memory_space<vmem>> -> memref<512xf32, #tpu.memory_space<vmem>>
      %dma_start3A_9 = tpu.memref_slice %arg3[%mul3A_2] : memref<16384xf32, #tpu.memory_space<hbm>> -> memref<512xf32, #tpu.memory_space<hbm>>
      %dma_start3A_10 = arith.constant 0 : i32
      %dma_start3A_11 = tpu.memref_slice %arg14[%dma_start3A_10] : memref<528xf32, #tpu.memory_space<vmem>> -> memref<512xf32, #tpu.memory_space<vmem>>
      %dma_start3A_12 = tpu.memref_slice %arg3[%mul3A_2] : memref<16384xf32, #tpu.memory_space<hbm>> -> memref<512xf32, #tpu.memory_space<hbm>>
      tpu.enqueue_dma source(%dma_start3A_12 : memref<512xf32, #tpu.memory_space<hbm>>) target(%dma_start3A_11 : memref<512xf32, #tpu.memory_space<vmem>>) target_semaphore(%run_scoped3A : memref<!tpu.dma_semaphore, #tpu.memory_space<semaphore_mem>>)
      %dma_wait3A = arith.constant 0 : i32
      %dma_wait3A_13 = tpu.memref_slice %arg14[%dma_wait3A] : memref<528xf32, #tpu.memory_space<vmem>> -> memref<512xf32, #tpu.memory_space<vmem>>
      %dma_wait3A_14 = tpu.memref_slice %arg3[%mul3A_2] : memref<16384xf32, #tpu.memory_space<hbm>> -> memref<512xf32, #tpu.memory_space<hbm>>
      %dma_wait3A_15 = arith.constant 0 : i32
      %dma_wait3A_16 = tpu.memref_slice %arg14[%dma_wait3A_15] : memref<528xf32, #tpu.memory_space<vmem>> -> memref<512xf32, #tpu.memory_space<vmem>>
      %dma_wait3A_17 = tpu.memref_slice %arg3[%mul3A_2] : memref<16384xf32, #tpu.memory_space<hbm>> -> memref<512xf32, #tpu.memory_space<hbm>>
      tpu.wait_dma2 semaphore(%run_scoped3A : memref<!tpu.dma_semaphore, #tpu.memory_space<semaphore_mem>>) src(%dma_wait3A_17 : memref<512xf32, #tpu.memory_space<hbm>>) dst(%dma_wait3A_16 : memref<512xf32, #tpu.memory_space<vmem>>)
      tpu.yield
    }) : () -> ()
    "tpu.region"() ({
      %run_scoped3A = tpu.sem_alloc : memref<!tpu.dma_semaphore, #tpu.memory_space<semaphore_mem>>
      %dma_start3A = arith.constant 0 : i32
      %dma_start3A_8 = tpu.memref_slice %arg15[%dma_start3A] : memref<528xf32, #tpu.memory_space<vmem>> -> memref<512xf32, #tpu.memory_space<vmem>>
      %dma_start3A_9 = tpu.memref_slice %arg4[%mul3A_2] : memref<16384xf32, #tpu.memory_space<hbm>> -> memref<512xf32, #tpu.memory_space<hbm>>
      %dma_start3A_10 = arith.constant 0 : i32
      %dma_start3A_11 = tpu.memref_slice %arg15[%dma_start3A_10] : memref<528xf32, #tpu.memory_space<vmem>> -> memref<512xf32, #tpu.memory_space<vmem>>
      %dma_start3A_12 = tpu.memref_slice %arg4[%mul3A_2] : memref<16384xf32, #tpu.memory_space<hbm>> -> memref<512xf32, #tpu.memory_space<hbm>>
      tpu.enqueue_dma source(%dma_start3A_12 : memref<512xf32, #tpu.memory_space<hbm>>) target(%dma_start3A_11 : memref<512xf32, #tpu.memory_space<vmem>>) target_semaphore(%run_scoped3A : memref<!tpu.dma_semaphore, #tpu.memory_space<semaphore_mem>>)
      %dma_wait3A = arith.constant 0 : i32
      %dma_wait3A_13 = tpu.memref_slice %arg15[%dma_wait3A] : memref<528xf32, #tpu.memory_space<vmem>> -> memref<512xf32, #tpu.memory_space<vmem>>
      %dma_wait3A_14 = tpu.memref_slice %arg4[%mul3A_2] : memref<16384xf32, #tpu.memory_space<hbm>> -> memref<512xf32, #tpu.memory_space<hbm>>
      %dma_wait3A_15 = arith.constant 0 : i32
      %dma_wait3A_16 = tpu.memref_slice %arg15[%dma_wait3A_15] : memref<528xf32, #tpu.memory_space<vmem>> -> memref<512xf32, #tpu.memory_space<vmem>>
      %dma_wait3A_17 = tpu.memref_slice %arg4[%mul3A_2] : memref<16384xf32, #tpu.memory_space<hbm>> -> memref<512xf32, #tpu.memory_space<hbm>>
      tpu.wait_dma2 semaphore(%run_scoped3A : memref<!tpu.dma_semaphore, #tpu.memory_space<semaphore_mem>>) src(%dma_wait3A_17 : memref<512xf32, #tpu.memory_space<hbm>>) dst(%dma_wait3A_16 : memref<512xf32, #tpu.memory_space<vmem>>)
      tpu.yield
    }) : () -> ()
    %scan3A = arith.constant 0 : i32
    %scan3A_3 = arith.constant 0 : i32
    %scan3A_4 = arith.constant 8 : i32
    %scan3A_5 = arith.addi %scan3A_3, %scan3A_4 : i32
    %scan3A_6 = arith.constant 1 : i32
    scf.for %scan3A_8 = %scan3A_3 to %scan3A_5 step %scan3A_6  : i32 {
      %mul3A_9 = arith.constant 64 : i32
      %mul3A_10 = arith.muli %scan3A_8, %mul3A_9 : i32
      %add3A_11 = arith.addi %mul3A_2, %mul3A_10 : i32
      %mul3A_12 = arith.constant 64 : i32
      %mul3A_13 = arith.muli %scan3A_8, %mul3A_12 : i32
      %dma_start3A = arith.constant 0 : i32
      %dma_start3A_14 = arith.constant 0 : i32
      %dma_start3A_15 = arith.constant 0 : i32
      %dma_start3A_16 = tpu.memref_slice %arg16[%dma_start3A, %dma_start3A_14, %dma_start3A_15] : memref<3x64x256xf32, #tpu.memory_space<vmem>> -> memref<1x64x256xf32, #tpu.memory_space<vmem>>
      %dma_start3A_17 = tpu.memref_squeeze %dma_start3A_16 : memref<1x64x256xf32, #tpu.memory_space<vmem>> -> memref<64x256xf32, #tpu.memory_space<vmem>>
      %dma_start3A_18 = tpu.memref_slice %arg10[%mul3A_13] : memref<512xi32, #tpu.memory_space<vmem>> -> memref<64xi32, #tpu.memory_space<vmem>>
      %dma_start3A_19 = arith.constant 0 : i32
      %dma_start3A_20 = arith.constant 0 : i32
      %dma_start3A_21 = tpu.memref_slice %arg8[%dma_start3A_19, %dma_start3A_20] : memref<4096x256xf32, #tpu.memory_space<hbm>> -> memref<4096x256xf32, #tpu.memory_space<hbm>>
      tpu.enqueue_indirect_dma source(%dma_start3A_21 : memref<4096x256xf32, #tpu.memory_space<hbm>>) target(%dma_start3A_17 : memref<64x256xf32, #tpu.memory_space<vmem>>) offsets(%dma_start3A_18 : memref<64xi32, #tpu.memory_space<vmem>>) semaphore(%arg18 : memref<!tpu.dma_semaphore, #tpu.memory_space<semaphore_mem>>)
      %dma_start3A_22 = arith.constant 1 : i32
      %dma_start3A_23 = arith.constant 0 : i32
      %dma_start3A_24 = arith.constant 0 : i32
      %dma_start3A_25 = tpu.memref_slice %arg16[%dma_start3A_22, %dma_start3A_23, %dma_start3A_24] : memref<3x64x256xf32, #tpu.memory_space<vmem>> -> memref<1x64x256xf32, #tpu.memory_space<vmem>>
      %dma_start3A_26 = tpu.memref_squeeze %dma_start3A_25 : memref<1x64x256xf32, #tpu.memory_space<vmem>> -> memref<64x256xf32, #tpu.memory_space<vmem>>
      %dma_start3A_27 = tpu.memref_slice %arg11[%mul3A_13] : memref<512xi32, #tpu.memory_space<vmem>> -> memref<64xi32, #tpu.memory_space<vmem>>
      %dma_start3A_28 = arith.constant 0 : i32
      %dma_start3A_29 = arith.constant 0 : i32
      %dma_start3A_30 = tpu.memref_slice %arg8[%dma_start3A_28, %dma_start3A_29] : memref<4096x256xf32, #tpu.memory_space<hbm>> -> memref<4096x256xf32, #tpu.memory_space<hbm>>
      tpu.enqueue_indirect_dma source(%dma_start3A_30 : memref<4096x256xf32, #tpu.memory_space<hbm>>) target(%dma_start3A_26 : memref<64x256xf32, #tpu.memory_space<vmem>>) offsets(%dma_start3A_27 : memref<64xi32, #tpu.memory_space<vmem>>) semaphore(%arg18 : memref<!tpu.dma_semaphore, #tpu.memory_space<semaphore_mem>>)
      %dma_start3A_31 = arith.constant 2 : i32
      %dma_start3A_32 = arith.constant 0 : i32
      %dma_start3A_33 = arith.constant 0 : i32
      %dma_start3A_34 = tpu.memref_slice %arg16[%dma_start3A_31, %dma_start3A_32, %dma_start3A_33] : memref<3x64x256xf32, #tpu.memory_space<vmem>> -> memref<1x64x256xf32, #tpu.memory_space<vmem>>
      %dma_start3A_35 = tpu.memref_squeeze %dma_start3A_34 : memref<1x64x256xf32, #tpu.memory_space<vmem>> -> memref<64x256xf32, #tpu.memory_space<vmem>>
      %dma_start3A_36 = tpu.memref_slice %arg12[%mul3A_13] : memref<512xi32, #tpu.memory_space<vmem>> -> memref<64xi32, #tpu.memory_space<vmem>>
      %dma_start3A_37 = arith.constant 0 : i32
      %dma_start3A_38 = arith.constant 0 : i32
      %dma_start3A_39 = tpu.memref_slice %arg8[%dma_start3A_37, %dma_start3A_38] : memref<4096x256xf32, #tpu.memory_space<hbm>> -> memref<4096x256xf32, #tpu.memory_space<hbm>>
      tpu.enqueue_indirect_dma source(%dma_start3A_39 : memref<4096x256xf32, #tpu.memory_space<hbm>>) target(%dma_start3A_35 : memref<64x256xf32, #tpu.memory_space<vmem>>) offsets(%dma_start3A_36 : memref<64xi32, #tpu.memory_space<vmem>>) semaphore(%arg18 : memref<!tpu.dma_semaphore, #tpu.memory_space<semaphore_mem>>)
      %dma_wait3A = arith.constant 0 : i32
      %dma_wait3A_40 = arith.constant 0 : i32
      %dma_wait3A_41 = arith.constant 0 : i32
      %dma_wait3A_42 = tpu.memref_slice %arg16[%dma_wait3A, %dma_wait3A_40, %dma_wait3A_41] : memref<3x64x256xf32, #tpu.memory_space<vmem>> -> memref<1x64x256xf32, #tpu.memory_space<vmem>>
      %dma_wait3A_43 = tpu.memref_squeeze %dma_wait3A_42 : memref<1x64x256xf32, #tpu.memory_space<vmem>> -> memref<64x256xf32, #tpu.memory_space<vmem>>
      %dma_wait3A_44 = tpu.memref_slice %arg10[%mul3A_13] : memref<512xi32, #tpu.memory_space<vmem>> -> memref<64xi32, #tpu.memory_space<vmem>>
      %dma_wait3A_45 = arith.constant 0 : i32
      %dma_wait3A_46 = arith.constant 0 : i32
      %dma_wait3A_47 = tpu.memref_slice %arg8[%dma_wait3A_45, %dma_wait3A_46] : memref<4096x256xf32, #tpu.memory_space<hbm>> -> memref<4096x256xf32, #tpu.memory_space<hbm>>
      tpu.wait_indirect_dma semaphore(%arg18 : memref<!tpu.dma_semaphore, #tpu.memory_space<semaphore_mem>>) src(%dma_wait3A_47 : memref<4096x256xf32, #tpu.memory_space<hbm>>) dst(%dma_wait3A_43 : memref<64x256xf32, #tpu.memory_space<vmem>>)
      %dma_wait3A_48 = arith.constant 1 : i32
      %dma_wait3A_49 = arith.constant 0 : i32
      %dma_wait3A_50 = arith.constant 0 : i32
      %dma_wait3A_51 = tpu.memref_slice %arg16[%dma_wait3A_48, %dma_wait3A_49, %dma_wait3A_50] : memref<3x64x256xf32, #tpu.memory_space<vmem>> -> memref<1x64x256xf32, #tpu.memory_space<vmem>>
      %dma_wait3A_52 = tpu.memref_squeeze %dma_wait3A_51 : memref<1x64x256xf32, #tpu.memory_space<vmem>> -> memref<64x256xf32, #tpu.memory_space<vmem>>
      %dma_wait3A_53 = tpu.memref_slice %arg11[%mul3A_13] : memref<512xi32, #tpu.memory_space<vmem>> -> memref<64xi32, #tpu.memory_space<vmem>>
      %dma_wait3A_54 = arith.constant 0 : i32
      %dma_wait3A_55 = arith.constant 0 : i32
      %dma_wait3A_56 = tpu.memref_slice %arg8[%dma_wait3A_54, %dma_wait3A_55] : memref<4096x256xf32, #tpu.memory_space<hbm>> -> memref<4096x256xf32, #tpu.memory_space<hbm>>
      tpu.wait_indirect_dma semaphore(%arg18 : memref<!tpu.dma_semaphore, #tpu.memory_space<semaphore_mem>>) src(%dma_wait3A_56 : memref<4096x256xf32, #tpu.memory_space<hbm>>) dst(%dma_wait3A_52 : memref<64x256xf32, #tpu.memory_space<vmem>>)
      %dma_wait3A_57 = arith.constant 2 : i32
      %dma_wait3A_58 = arith.constant 0 : i32
      %dma_wait3A_59 = arith.constant 0 : i32
      %dma_wait3A_60 = tpu.memref_slice %arg16[%dma_wait3A_57, %dma_wait3A_58, %dma_wait3A_59] : memref<3x64x256xf32, #tpu.memory_space<vmem>> -> memref<1x64x256xf32, #tpu.memory_space<vmem>>
      %dma_wait3A_61 = tpu.memref_squeeze %dma_wait3A_60 : memref<1x64x256xf32, #tpu.memory_space<vmem>> -> memref<64x256xf32, #tpu.memory_space<vmem>>
      %dma_wait3A_62 = tpu.memref_slice %arg12[%mul3A_13] : memref<512xi32, #tpu.memory_space<vmem>> -> memref<64xi32, #tpu.memory_space<vmem>>
      %dma_wait3A_63 = arith.constant 0 : i32
      %dma_wait3A_64 = arith.constant 0 : i32
      %dma_wait3A_65 = tpu.memref_slice %arg8[%dma_wait3A_63, %dma_wait3A_64] : memref<4096x256xf32, #tpu.memory_space<hbm>> -> memref<4096x256xf32, #tpu.memory_space<hbm>>
      tpu.wait_indirect_dma semaphore(%arg18 : memref<!tpu.dma_semaphore, #tpu.memory_space<semaphore_mem>>) src(%dma_wait3A_65 : memref<4096x256xf32, #tpu.memory_space<hbm>>) dst(%dma_wait3A_61 : memref<64x256xf32, #tpu.memory_space<vmem>>)
      %scan3A_66 = arith.constant 0 : i32
      %scan3A_67 = arith.constant 0 : i32
      %scan3A_68 = arith.constant 64 : i32
      %scan3A_69 = arith.addi %scan3A_67, %scan3A_68 : i32
      %scan3A_70 = arith.constant 1 : i32
      scf.for %scan3A_72 = %scan3A_67 to %scan3A_69 step %scan3A_70  : i32 {
        %add3A_73 = arith.addi %mul3A_13, %scan3A_72 : i32
        %get3A = arith.index_cast %add3A_73 : i32 to index
        %get3A_74 = tpu.vector_load %arg13[%get3A] {strides = array<i32>} : memref<528xf32, #tpu.memory_space<vmem>>, vector<16xf32>,
        %get3A_75 = vector.shape_cast %get3A_74 : vector<16xf32> to vector<16xf32>
        %slice3A = vector.extract_strided_slice %get3A_75 {offsets = [0], sizes = [1], strides = [1]} : vector<16xf32> to vector<1xf32>
        %squeeze3A = vector.extract %slice3A[0] : f32 from vector<1xf32>
        %add3A_76 = arith.addi %mul3A_13, %scan3A_72 : i32
        %get3A_77 = arith.index_cast %add3A_76 : i32 to index
        %get3A_78 = tpu.vector_load %arg14[%get3A_77] {strides = array<i32>} : memref<528xf32, #tpu.memory_space<vmem>>, vector<16xf32>,
        %get3A_79 = vector.shape_cast %get3A_78 : vector<16xf32> to vector<16xf32>
        %slice3A_80 = vector.extract_strided_slice %get3A_79 {offsets = [0], sizes = [1], strides = [1]} : vector<16xf32> to vector<1xf32>
        %squeeze3A_81 = vector.extract %slice3A_80[0] : f32 from vector<1xf32>
        %add3A_82 = arith.addi %mul3A_13, %scan3A_72 : i32
        %get3A_83 = arith.index_cast %add3A_82 : i32 to index
        %get3A_84 = tpu.vector_load %arg15[%get3A_83] {strides = array<i32>} : memref<528xf32, #tpu.memory_space<vmem>>, vector<16xf32>,
        %get3A_85 = vector.shape_cast %get3A_84 : vector<16xf32> to vector<16xf32>
        %slice3A_86 = vector.extract_strided_slice %get3A_85 {offsets = [0], sizes = [1], strides = [1]} : vector<16xf32> to vector<1xf32>
        %squeeze3A_87 = vector.extract %slice3A_86[0] : f32 from vector<1xf32>
        %get3A_88 = arith.constant 0 : i32
        %get3A_89 = arith.index_cast %get3A_88 : i32 to index
        %get3A_90 = arith.index_cast %scan3A_72 : i32 to index
        %get3A_91 = arith.constant 0 : index
        %get3A_92 = tpu.vector_load %arg16[%get3A_89, %get3A_90, %get3A_91] {strides = array<i32>} : memref<3x64x256xf32, #tpu.memory_space<vmem>>, vector<1x1x16xf32>,
        %get3A_93 = vector.shape_cast %get3A_92 : vector<1x1x16xf32> to vector<16xf32>
        %mul3A_94 = vector.broadcast %squeeze3A : f32 to vector<16xf32>
        %mul3A_95 = arith.mulf %mul3A_94, %get3A_93 : vector<16xf32>
        %get3A_96 = arith.constant 1 : i32
        %get3A_97 = arith.index_cast %get3A_96 : i32 to index
        %get3A_98 = arith.index_cast %scan3A_72 : i32 to index
        %get3A_99 = arith.constant 0 : index
        %get3A_100 = tpu.vector_load %arg16[%get3A_97, %get3A_98, %get3A_99] {strides = array<i32>} : memref<3x64x256xf32, #tpu.memory_space<vmem>>, vector<1x1x16xf32>,
        %get3A_101 = vector.shape_cast %get3A_100 : vector<1x1x16xf32> to vector<16xf32>
        %mul3A_102 = vector.broadcast %squeeze3A_81 : f32 to vector<16xf32>
        %mul3A_103 = arith.mulf %mul3A_102, %get3A_101 : vector<16xf32>
        %add3A_104 = arith.addf %mul3A_95, %mul3A_103 : vector<16xf32>
        %get3A_105 = arith.constant 2 : i32
        %get3A_106 = arith.index_cast %get3A_105 : i32 to index
        %get3A_107 = arith.index_cast %scan3A_72 : i32 to index
        %get3A_108 = arith.constant 0 : index
        %get3A_109 = tpu.vector_load %arg16[%get3A_106, %get3A_107, %get3A_108] {strides = array<i32>} : memref<3x64x256xf32, #tpu.memory_space<vmem>>, vector<1x1x16xf32>,
        %get3A_110 = vector.shape_cast %get3A_109 : vector<1x1x16xf32> to vector<16xf32>
        %mul3A_111 = vector.broadcast %squeeze3A_87 : f32 to vector<16xf32>
        %mul3A_112 = arith.mulf %mul3A_111, %get3A_110 : vector<16xf32>
        %add3A_113 = arith.addf %add3A_104, %mul3A_112 : vector<16xf32>
        %swap3A = arith.index_cast %scan3A_72 : i32 to index
        %swap3A_114 = arith.constant 0 : index
        %swap3A_115 = tpu.vector_load %arg17[%swap3A, %swap3A_114] {strides = array<i32>} : memref<64x256xf32, #tpu.memory_space<vmem>>, vector<1x16xf32>,
        %swap3A_116 = vector.shape_cast %swap3A_115 : vector<1x16xf32> to vector<16xf32>
        %swap3A_117 = vector.shape_cast %add3A_113 : vector<16xf32> to vector<1x16xf32>
        tpu.vector_store %arg17[%swap3A, %swap3A_114], %swap3A_117 {strides = array<i32>} : memref<64x256xf32, #tpu.memory_space<vmem>>, vector<1x16xf32>,
        %get3A_118 = arith.constant 0 : i32
        %get3A_119 = arith.index_cast %get3A_118 : i32 to index
        %get3A_120 = arith.index_cast %scan3A_72 : i32 to index
        %get3A_121 = arith.constant 16 : index
        %get3A_122 = tpu.vector_load %arg16[%get3A_119, %get3A_120, %get3A_121] {strides = array<i32>} : memref<3x64x256xf32, #tpu.memory_space<vmem>>, vector<1x1x16xf32>,
        %get3A_123 = vector.shape_cast %get3A_122 : vector<1x1x16xf32> to vector<16xf32>
        %mul3A_124 = vector.broadcast %squeeze3A : f32 to vector<16xf32>
        %mul3A_125 = arith.mulf %mul3A_124, %get3A_123 : vector<16xf32>
        %get3A_126 = arith.constant 1 : i32
        %get3A_127 = arith.index_cast %get3A_126 : i32 to index
        %get3A_128 = arith.index_cast %scan3A_72 : i32 to index
        %get3A_129 = arith.constant 16 : index
        %get3A_130 = tpu.vector_load %arg16[%get3A_127, %get3A_128, %get3A_129] {strides = array<i32>} : memref<3x64x256xf32, #tpu.memory_space<vmem>>, vector<1x1x16xf32>,
        %get3A_131 = vector.shape_cast %get3A_130 : vector<1x1x16xf32> to vector<16xf32>
        %mul3A_132 = vector.broadcast %squeeze3A_81 : f32 to vector<16xf32>
        %mul3A_133 = arith.mulf %mul3A_132, %get3A_131 : vector<16xf32>
        %add3A_134 = arith.addf %mul3A_125, %mul3A_133 : vector<16xf32>
        %get3A_135 = arith.constant 2 : i32
        %get3A_136 = arith.index_cast %get3A_135 : i32 to index
        %get3A_137 = arith.index_cast %scan3A_72 : i32 to index
        %get3A_138 = arith.constant 16 : index
        %get3A_139 = tpu.vector_load %arg16[%get3A_136, %get3A_137, %get3A_138] {strides = array<i32>} : memref<3x64x256xf32, #tpu.memory_space<vmem>>, vector<1x1x16xf32>,
        %get3A_140 = vector.shape_cast %get3A_139 : vector<1x1x16xf32> to vector<16xf32>
        %mul3A_141 = vector.broadcast %squeeze3A_87 : f32 to vector<16xf32>
        %mul3A_142 = arith.mulf %mul3A_141, %get3A_140 : vector<16xf32>
        %add3A_143 = arith.addf %add3A_134, %mul3A_142 : vector<16xf32>
        %swap3A_144 = arith.index_cast %scan3A_72 : i32 to index
        %swap3A_145 = arith.constant 16 : index
        %swap3A_146 = tpu.vector_load %arg17[%swap3A_144, %swap3A_145] {strides = array<i32>} : memref<64x256xf32, #tpu.memory_space<vmem>>, vector<1x16xf32>,
        %swap3A_147 = vector.shape_cast %swap3A_146 : vector<1x16xf32> to vector<16xf32>
        %swap3A_148 = vector.shape_cast %add3A_143 : vector<16xf32> to vector<1x16xf32>
        tpu.vector_store %arg17[%swap3A_144, %swap3A_145], %swap3A_148 {strides = array<i32>} : memref<64x256xf32, #tpu.memory_space<vmem>>, vector<1x16xf32>,
        %get3A_149 = arith.constant 0 : i32
        %get3A_150 = arith.index_cast %get3A_149 : i32 to index
        %get3A_151 = arith.index_cast %scan3A_72 : i32 to index
        %get3A_152 = arith.constant 32 : index
        %get3A_153 = tpu.vector_load %arg16[%get3A_150, %get3A_151, %get3A_152] {strides = array<i32>} : memref<3x64x256xf32, #tpu.memory_space<vmem>>, vector<1x1x16xf32>,
        %get3A_154 = vector.shape_cast %get3A_153 : vector<1x1x16xf32> to vector<16xf32>
        %mul3A_155 = vector.broadcast %squeeze3A : f32 to vector<16xf32>
        %mul3A_156 = arith.mulf %mul3A_155, %get3A_154 : vector<16xf32>
        %get3A_157 = arith.constant 1 : i32
        %get3A_158 = arith.index_cast %get3A_157 : i32 to index
        %get3A_159 = arith.index_cast %scan3A_72 : i32 to index
        %get3A_160 = arith.constant 32 : index
        %get3A_161 = tpu.vector_load %arg16[%get3A_158, %get3A_159, %get3A_160] {strides = array<i32>} : memref<3x64x256xf32, #tpu.memory_space<vmem>>, vector<1x1x16xf32>,
        %get3A_162 = vector.shape_cast %get3A_161 : vector<1x1x16xf32> to vector<16xf32>
        %mul3A_163 = vector.broadcast %squeeze3A_81 : f32 to vector<16xf32>
        %mul3A_164 = arith.mulf %mul3A_163, %get3A_162 : vector<16xf32>
        %add3A_165 = arith.addf %mul3A_156, %mul3A_164 : vector<16xf32>
        %get3A_166 = arith.constant 2 : i32
        %get3A_167 = arith.index_cast %get3A_166 : i32 to index
        %get3A_168 = arith.index_cast %scan3A_72 : i32 to index
        %get3A_169 = arith.constant 32 : index
        %get3A_170 = tpu.vector_load %arg16[%get3A_167, %get3A_168, %get3A_169] {strides = array<i32>} : memref<3x64x256xf32, #tpu.memory_space<vmem>>, vector<1x1x16xf32>,
        %get3A_171 = vector.shape_cast %get3A_170 : vector<1x1x16xf32> to vector<16xf32>
        %mul3A_172 = vector.broadcast %squeeze3A_87 : f32 to vector<16xf32>
        %mul3A_173 = arith.mulf %mul3A_172, %get3A_171 : vector<16xf32>
        %add3A_174 = arith.addf %add3A_165, %mul3A_173 : vector<16xf32>
        %swap3A_175 = arith.index_cast %scan3A_72 : i32 to index
        %swap3A_176 = arith.constant 32 : index
        %swap3A_177 = tpu.vector_load %arg17[%swap3A_175, %swap3A_176] {strides = array<i32>} : memref<64x256xf32, #tpu.memory_space<vmem>>, vector<1x16xf32>,
        %swap3A_178 = vector.shape_cast %swap3A_177 : vector<1x16xf32> to vector<16xf32>
        %swap3A_179 = vector.shape_cast %add3A_174 : vector<16xf32> to vector<1x16xf32>
        tpu.vector_store %arg17[%swap3A_175, %swap3A_176], %swap3A_179 {strides = array<i32>} : memref<64x256xf32, #tpu.memory_space<vmem>>, vector<1x16xf32>,
        %get3A_180 = arith.constant 0 : i32
        %get3A_181 = arith.index_cast %get3A_180 : i32 to index
        %get3A_182 = arith.index_cast %scan3A_72 : i32 to index
        %get3A_183 = arith.constant 48 : index
        %get3A_184 = tpu.vector_load %arg16[%get3A_181, %get3A_182, %get3A_183] {strides = array<i32>} : memref<3x64x256xf32, #tpu.memory_space<vmem>>, vector<1x1x16xf32>,
        %get3A_185 = vector.shape_cast %get3A_184 : vector<1x1x16xf32> to vector<16xf32>
        %mul3A_186 = vector.broadcast %squeeze3A : f32 to vector<16xf32>
        %mul3A_187 = arith.mulf %mul3A_186, %get3A_185 : vector<16xf32>
        %get3A_188 = arith.constant 1 : i32
        %get3A_189 = arith.index_cast %get3A_188 : i32 to index
        %get3A_190 = arith.index_cast %scan3A_72 : i32 to index
        %get3A_191 = arith.constant 48 : index
        %get3A_192 = tpu.vector_load %arg16[%get3A_189, %get3A_190, %get3A_191] {strides = array<i32>} : memref<3x64x256xf32, #tpu.memory_space<vmem>>, vector<1x1x16xf32>,
        %get3A_193 = vector.shape_cast %get3A_192 : vector<1x1x16xf32> to vector<16xf32>
        %mul3A_194 = vector.broadcast %squeeze3A_81 : f32 to vector<16xf32>
        %mul3A_195 = arith.mulf %mul3A_194, %get3A_193 : vector<16xf32>
        %add3A_196 = arith.addf %mul3A_187, %mul3A_195 : vector<16xf32>
        %get3A_197 = arith.constant 2 : i32
        %get3A_198 = arith.index_cast %get3A_197 : i32 to index
        %get3A_199 = arith.index_cast %scan3A_72 : i32 to index
        %get3A_200 = arith.constant 48 : index
        %get3A_201 = tpu.vector_load %arg16[%get3A_198, %get3A_199, %get3A_200] {strides = array<i32>} : memref<3x64x256xf32, #tpu.memory_space<vmem>>, vector<1x1x16xf32>,
        %get3A_202 = vector.shape_cast %get3A_201 : vector<1x1x16xf32> to vector<16xf32>
        %mul3A_203 = vector.broadcast %squeeze3A_87 : f32 to vector<16xf32>
        %mul3A_204 = arith.mulf %mul3A_203, %get3A_202 : vector<16xf32>
        %add3A_205 = arith.addf %add3A_196, %mul3A_204 : vector<16xf32>
        %swap3A_206 = arith.index_cast %scan3A_72 : i32 to index
        %swap3A_207 = arith.constant 48 : index
        %swap3A_208 = tpu.vector_load %arg17[%swap3A_206, %swap3A_207] {strides = array<i32>} : memref<64x256xf32, #tpu.memory_space<vmem>>, vector<1x16xf32>,
        %swap3A_209 = vector.shape_cast %swap3A_208 : vector<1x16xf32> to vector<16xf32>
        %swap3A_210 = vector.shape_cast %add3A_205 : vector<16xf32> to vector<1x16xf32>
        tpu.vector_store %arg17[%swap3A_206, %swap3A_207], %swap3A_210 {strides = array<i32>} : memref<64x256xf32, #tpu.memory_space<vmem>>, vector<1x16xf32>,
        %get3A_211 = arith.constant 0 : i32
        %get3A_212 = arith.index_cast %get3A_211 : i32 to index
        %get3A_213 = arith.index_cast %scan3A_72 : i32 to index
        %get3A_214 = arith.constant 64 : index
        %get3A_215 = tpu.vector_load %arg16[%get3A_212, %get3A_213, %get3A_214] {strides = array<i32>} : memref<3x64x256xf32, #tpu.memory_space<vmem>>, vector<1x1x16xf32>,
        %get3A_216 = vector.shape_cast %get3A_215 : vector<1x1x16xf32> to vector<16xf32>
        %mul3A_217 = vector.broadcast %squeeze3A : f32 to vector<16xf32>
        %mul3A_218 = arith.mulf %mul3A_217, %get3A_216 : vector<16xf32>
        %get3A_219 = arith.constant 1 : i32
        %get3A_220 = arith.index_cast %get3A_219 : i32 to index
        %get3A_221 = arith.index_cast %scan3A_72 : i32 to index
        %get3A_222 = arith.constant 64 : index
        %get3A_223 = tpu.vector_load %arg16[%get3A_220, %get3A_221, %get3A_222] {strides = array<i32>} : memref<3x64x256xf32, #tpu.memory_space<vmem>>, vector<1x1x16xf32>,
        %get3A_224 = vector.shape_cast %get3A_223 : vector<1x1x16xf32> to vector<16xf32>
        %mul3A_225 = vector.broadcast %squeeze3A_81 : f32 to vector<16xf32>
        %mul3A_226 = arith.mulf %mul3A_225, %get3A_224 : vector<16xf32>
        %add3A_227 = arith.addf %mul3A_218, %mul3A_226 : vector<16xf32>
        %get3A_228 = arith.constant 2 : i32
        %get3A_229 = arith.index_cast %get3A_228 : i32 to index
        %get3A_230 = arith.index_cast %scan3A_72 : i32 to index
        %get3A_231 = arith.constant 64 : index
        %get3A_232 = tpu.vector_load %arg16[%get3A_229, %get3A_230, %get3A_231] {strides = array<i32>} : memref<3x64x256xf32, #tpu.memory_space<vmem>>, vector<1x1x16xf32>,
        %get3A_233 = vector.shape_cast %get3A_232 : vector<1x1x16xf32> to vector<16xf32>
        %mul3A_234 = vector.broadcast %squeeze3A_87 : f32 to vector<16xf32>
        %mul3A_235 = arith.mulf %mul3A_234, %get3A_233 : vector<16xf32>
        %add3A_236 = arith.addf %add3A_227, %mul3A_235 : vector<16xf32>
        %swap3A_237 = arith.index_cast %scan3A_72 : i32 to index
        %swap3A_238 = arith.constant 64 : index
        %swap3A_239 = tpu.vector_load %arg17[%swap3A_237, %swap3A_238] {strides = array<i32>} : memref<64x256xf32, #tpu.memory_space<vmem>>, vector<1x16xf32>,
        %swap3A_240 = vector.shape_cast %swap3A_239 : vector<1x16xf32> to vector<16xf32>
        %swap3A_241 = vector.shape_cast %add3A_236 : vector<16xf32> to vector<1x16xf32>
        tpu.vector_store %arg17[%swap3A_237, %swap3A_238], %swap3A_241 {strides = array<i32>} : memref<64x256xf32, #tpu.memory_space<vmem>>, vector<1x16xf32>,
        %get3A_242 = arith.constant 0 : i32
        %get3A_243 = arith.index_cast %get3A_242 : i32 to index
        %get3A_244 = arith.index_cast %scan3A_72 : i32 to index
        %get3A_245 = arith.constant 80 : index
        %get3A_246 = tpu.vector_load %arg16[%get3A_243, %get3A_244, %get3A_245] {strides = array<i32>} : memref<3x64x256xf32, #tpu.memory_space<vmem>>, vector<1x1x16xf32>,
        %get3A_247 = vector.shape_cast %get3A_246 : vector<1x1x16xf32> to vector<16xf32>
        %mul3A_248 = vector.broadcast %squeeze3A : f32 to vector<16xf32>
        %mul3A_249 = arith.mulf %mul3A_248, %get3A_247 : vector<16xf32>
        %get3A_250 = arith.constant 1 : i32
        %get3A_251 = arith.index_cast %get3A_250 : i32 to index
        %get3A_252 = arith.index_cast %scan3A_72 : i32 to index
        %get3A_253 = arith.constant 80 : index
        %get3A_254 = tpu.vector_load %arg16[%get3A_251, %get3A_252, %get3A_253] {strides = array<i32>} : memref<3x64x256xf32, #tpu.memory_space<vmem>>, vector<1x1x16xf32>,
        %get3A_255 = vector.shape_cast %get3A_254 : vector<1x1x16xf32> to vector<16xf32>
        %mul3A_256 = vector.broadcast %squeeze3A_81 : f32 to vector<16xf32>
        %mul3A_257 = arith.mulf %mul3A_256, %get3A_255 : vector<16xf32>
        %add3A_258 = arith.addf %mul3A_249, %mul3A_257 : vector<16xf32>
        %get3A_259 = arith.constant 2 : i32
        %get3A_260 = arith.index_cast %get3A_259 : i32 to index
        %get3A_261 = arith.index_cast %scan3A_72 : i32 to index
        %get3A_262 = arith.constant 80 : index
        %get3A_263 = tpu.vector_load %arg16[%get3A_260, %get3A_261, %get3A_262] {strides = array<i32>} : memref<3x64x256xf32, #tpu.memory_space<vmem>>, vector<1x1x16xf32>,
        %get3A_264 = vector.shape_cast %get3A_263 : vector<1x1x16xf32> to vector<16xf32>
        %mul3A_265 = vector.broadcast %squeeze3A_87 : f32 to vector<16xf32>
        %mul3A_266 = arith.mulf %mul3A_265, %get3A_264 : vector<16xf32>
        %add3A_267 = arith.addf %add3A_258, %mul3A_266 : vector<16xf32>
        %swap3A_268 = arith.index_cast %scan3A_72 : i32 to index
        %swap3A_269 = arith.constant 80 : index
        %swap3A_270 = tpu.vector_load %arg17[%swap3A_268, %swap3A_269] {strides = array<i32>} : memref<64x256xf32, #tpu.memory_space<vmem>>, vector<1x16xf32>,
        %swap3A_271 = vector.shape_cast %swap3A_270 : vector<1x16xf32> to vector<16xf32>
        %swap3A_272 = vector.shape_cast %add3A_267 : vector<16xf32> to vector<1x16xf32>
        tpu.vector_store %arg17[%swap3A_268, %swap3A_269], %swap3A_272 {strides = array<i32>} : memref<64x256xf32, #tpu.memory_space<vmem>>, vector<1x16xf32>,
        %get3A_273 = arith.constant 0 : i32
        %get3A_274 = arith.index_cast %get3A_273 : i32 to index
        %get3A_275 = arith.index_cast %scan3A_72 : i32 to index
        %get3A_276 = arith.constant 96 : index
        %get3A_277 = tpu.vector_load %arg16[%get3A_274, %get3A_275, %get3A_276] {strides = array<i32>} : memref<3x64x256xf32, #tpu.memory_space<vmem>>, vector<1x1x16xf32>,
        %get3A_278 = vector.shape_cast %get3A_277 : vector<1x1x16xf32> to vector<16xf32>
        %mul3A_279 = vector.broadcast %squeeze3A : f32 to vector<16xf32>
        %mul3A_280 = arith.mulf %mul3A_279, %get3A_278 : vector<16xf32>
        %get3A_281 = arith.constant 1 : i32
        %get3A_282 = arith.index_cast %get3A_281 : i32 to index
        %get3A_283 = arith.index_cast %scan3A_72 : i32 to index
        %get3A_284 = arith.constant 96 : index
        %get3A_285 = tpu.vector_load %arg16[%get3A_282, %get3A_283, %get3A_284] {strides = array<i32>} : memref<3x64x256xf32, #tpu.memory_space<vmem>>, vector<1x1x16xf32>,
        %get3A_286 = vector.shape_cast %get3A_285 : vector<1x1x16xf32> to vector<16xf32>
        %mul3A_287 = vector.broadcast %squeeze3A_81 : f32 to vector<16xf32>
        %mul3A_288 = arith.mulf %mul3A_287, %get3A_286 : vector<16xf32>
        %add3A_289 = arith.addf %mul3A_280, %mul3A_288 : vector<16xf32>
        %get3A_290 = arith.constant 2 : i32
        %get3A_291 = arith.index_cast %get3A_290 : i32 to index
        %get3A_292 = arith.index_cast %scan3A_72 : i32 to index
        %get3A_293 = arith.constant 96 : index
        %get3A_294 = tpu.vector_load %arg16[%get3A_291, %get3A_292, %get3A_293] {strides = array<i32>} : memref<3x64x256xf32, #tpu.memory_space<vmem>>, vector<1x1x16xf32>,
        %get3A_295 = vector.shape_cast %get3A_294 : vector<1x1x16xf32> to vector<16xf32>
        %mul3A_296 = vector.broadcast %squeeze3A_87 : f32 to vector<16xf32>
        %mul3A_297 = arith.mulf %mul3A_296, %get3A_295 : vector<16xf32>
        %add3A_298 = arith.addf %add3A_289, %mul3A_297 : vector<16xf32>
        %swap3A_299 = arith.index_cast %scan3A_72 : i32 to index
        %swap3A_300 = arith.constant 96 : index
        %swap3A_301 = tpu.vector_load %arg17[%swap3A_299, %swap3A_300] {strides = array<i32>} : memref<64x256xf32, #tpu.memory_space<vmem>>, vector<1x16xf32>,
        %swap3A_302 = vector.shape_cast %swap3A_301 : vector<1x16xf32> to vector<16xf32>
        %swap3A_303 = vector.shape_cast %add3A_298 : vector<16xf32> to vector<1x16xf32>
        tpu.vector_store %arg17[%swap3A_299, %swap3A_300], %swap3A_303 {strides = array<i32>} : memref<64x256xf32, #tpu.memory_space<vmem>>, vector<1x16xf32>,
        %get3A_304 = arith.constant 0 : i32
        %get3A_305 = arith.index_cast %get3A_304 : i32 to index
        %get3A_306 = arith.index_cast %scan3A_72 : i32 to index
        %get3A_307 = arith.constant 112 : index
        %get3A_308 = tpu.vector_load %arg16[%get3A_305, %get3A_306, %get3A_307] {strides = array<i32>} : memref<3x64x256xf32, #tpu.memory_space<vmem>>, vector<1x1x16xf32>,
        %get3A_309 = vector.shape_cast %get3A_308 : vector<1x1x16xf32> to vector<16xf32>
        %mul3A_310 = vector.broadcast %squeeze3A : f32 to vector<16xf32>
        %mul3A_311 = arith.mulf %mul3A_310, %get3A_309 : vector<16xf32>
        %get3A_312 = arith.constant 1 : i32
        %get3A_313 = arith.index_cast %get3A_312 : i32 to index
        %get3A_314 = arith.index_cast %scan3A_72 : i32 to index
        %get3A_315 = arith.constant 112 : index
        %get3A_316 = tpu.vector_load %arg16[%get3A_313, %get3A_314, %get3A_315] {strides = array<i32>} : memref<3x64x256xf32, #tpu.memory_space<vmem>>, vector<1x1x16xf32>,
        %get3A_317 = vector.shape_cast %get3A_316 : vector<1x1x16xf32> to vector<16xf32>
        %mul3A_318 = vector.broadcast %squeeze3A_81 : f32 to vector<16xf32>
        %mul3A_319 = arith.mulf %mul3A_318, %get3A_317 : vector<16xf32>
        %add3A_320 = arith.addf %mul3A_311, %mul3A_319 : vector<16xf32>
        %get3A_321 = arith.constant 2 : i32
        %get3A_322 = arith.index_cast %get3A_321 : i32 to index
        %get3A_323 = arith.index_cast %scan3A_72 : i32 to index
        %get3A_324 = arith.constant 112 : index
        %get3A_325 = tpu.vector_load %arg16[%get3A_322, %get3A_323, %get3A_324] {strides = array<i32>} : memref<3x64x256xf32, #tpu.memory_space<vmem>>, vector<1x1x16xf32>,
        %get3A_326 = vector.shape_cast %get3A_325 : vector<1x1x16xf32> to vector<16xf32>
        %mul3A_327 = vector.broadcast %squeeze3A_87 : f32 to vector<16xf32>
        %mul3A_328 = arith.mulf %mul3A_327, %get3A_326 : vector<16xf32>
        %add3A_329 = arith.addf %add3A_320, %mul3A_328 : vector<16xf32>
        %swap3A_330 = arith.index_cast %scan3A_72 : i32 to index
        %swap3A_331 = arith.constant 112 : index
        %swap3A_332 = tpu.vector_load %arg17[%swap3A_330, %swap3A_331] {strides = array<i32>} : memref<64x256xf32, #tpu.memory_space<vmem>>, vector<1x16xf32>,
        %swap3A_333 = vector.shape_cast %swap3A_332 : vector<1x16xf32> to vector<16xf32>
        %swap3A_334 = vector.shape_cast %add3A_329 : vector<16xf32> to vector<1x16xf32>
        tpu.vector_store %arg17[%swap3A_330, %swap3A_331], %swap3A_334 {strides = array<i32>} : memref<64x256xf32, #tpu.memory_space<vmem>>, vector<1x16xf32>,
        %get3A_335 = arith.constant 0 : i32
        %get3A_336 = arith.index_cast %get3A_335 : i32 to index
        %get3A_337 = arith.index_cast %scan3A_72 : i32 to index
        %get3A_338 = arith.constant 128 : index
        %get3A_339 = tpu.vector_load %arg16[%get3A_336, %get3A_337, %get3A_338] {strides = array<i32>} : memref<3x64x256xf32, #tpu.memory_space<vmem>>, vector<1x1x16xf32>,
        %get3A_340 = vector.shape_cast %get3A_339 : vector<1x1x16xf32> to vector<16xf32>
        %mul3A_341 = vector.broadcast %squeeze3A : f32 to vector<16xf32>
        %mul3A_342 = arith.mulf %mul3A_341, %get3A_340 : vector<16xf32>
        %get3A_343 = arith.constant 1 : i32
        %get3A_344 = arith.index_cast %get3A_343 : i32 to index
        %get3A_345 = arith.index_cast %scan3A_72 : i32 to index
        %get3A_346 = arith.constant 128 : index
        %get3A_347 = tpu.vector_load %arg16[%get3A_344, %get3A_345, %get3A_346] {strides = array<i32>} : memref<3x64x256xf32, #tpu.memory_space<vmem>>, vector<1x1x16xf32>,
        %get3A_348 = vector.shape_cast %get3A_347 : vector<1x1x16xf32> to vector<16xf32>
        %mul3A_349 = vector.broadcast %squeeze3A_81 : f32 to vector<16xf32>
        %mul3A_350 = arith.mulf %mul3A_349, %get3A_348 : vector<16xf32>
        %add3A_351 = arith.addf %mul3A_342, %mul3A_350 : vector<16xf32>
        %get3A_352 = arith.constant 2 : i32
        %get3A_353 = arith.index_cast %get3A_352 : i32 to index
        %get3A_354 = arith.index_cast %scan3A_72 : i32 to index
        %get3A_355 = arith.constant 128 : index
        %get3A_356 = tpu.vector_load %arg16[%get3A_353, %get3A_354, %get3A_355] {strides = array<i32>} : memref<3x64x256xf32, #tpu.memory_space<vmem>>, vector<1x1x16xf32>,
        %get3A_357 = vector.shape_cast %get3A_356 : vector<1x1x16xf32> to vector<16xf32>
        %mul3A_358 = vector.broadcast %squeeze3A_87 : f32 to vector<16xf32>
        %mul3A_359 = arith.mulf %mul3A_358, %get3A_357 : vector<16xf32>
        %add3A_360 = arith.addf %add3A_351, %mul3A_359 : vector<16xf32>
        %swap3A_361 = arith.index_cast %scan3A_72 : i32 to index
        %swap3A_362 = arith.constant 128 : index
        %swap3A_363 = tpu.vector_load %arg17[%swap3A_361, %swap3A_362] {strides = array<i32>} : memref<64x256xf32, #tpu.memory_space<vmem>>, vector<1x16xf32>,
        %swap3A_364 = vector.shape_cast %swap3A_363 : vector<1x16xf32> to vector<16xf32>
        %swap3A_365 = vector.shape_cast %add3A_360 : vector<16xf32> to vector<1x16xf32>
        tpu.vector_store %arg17[%swap3A_361, %swap3A_362], %swap3A_365 {strides = array<i32>} : memref<64x256xf32, #tpu.memory_space<vmem>>, vector<1x16xf32>,
        %get3A_366 = arith.constant 0 : i32
        %get3A_367 = arith.index_cast %get3A_366 : i32 to index
        %get3A_368 = arith.index_cast %scan3A_72 : i32 to index
        %get3A_369 = arith.constant 144 : index
        %get3A_370 = tpu.vector_load %arg16[%get3A_367, %get3A_368, %get3A_369] {strides = array<i32>} : memref<3x64x256xf32, #tpu.memory_space<vmem>>, vector<1x1x16xf32>,
        %get3A_371 = vector.shape_cast %get3A_370 : vector<1x1x16xf32> to vector<16xf32>
        %mul3A_372 = vector.broadcast %squeeze3A : f32 to vector<16xf32>
        %mul3A_373 = arith.mulf %mul3A_372, %get3A_371 : vector<16xf32>
        %get3A_374 = arith.constant 1 : i32
        %get3A_375 = arith.index_cast %get3A_374 : i32 to index
        %get3A_376 = arith.index_cast %scan3A_72 : i32 to index
        %get3A_377 = arith.constant 144 : index
        %get3A_378 = tpu.vector_load %arg16[%get3A_375, %get3A_376, %get3A_377] {strides = array<i32>} : memref<3x64x256xf32, #tpu.memory_space<vmem>>, vector<1x1x16xf32>,
        %get3A_379 = vector.shape_cast %get3A_378 : vector<1x1x16xf32> to vector<16xf32>
        %mul3A_380 = vector.broadcast %squeeze3A_81 : f32 to vector<16xf32>
        %mul3A_381 = arith.mulf %mul3A_380, %get3A_379 : vector<16xf32>
        %add3A_382 = arith.addf %mul3A_373, %mul3A_381 : vector<16xf32>
        %get3A_383 = arith.constant 2 : i32
        %get3A_384 = arith.index_cast %get3A_383 : i32 to index
        %get3A_385 = arith.index_cast %scan3A_72 : i32 to index
        %get3A_386 = arith.constant 144 : index
        %get3A_387 = tpu.vector_load %arg16[%get3A_384, %get3A_385, %get3A_386] {strides = array<i32>} : memref<3x64x256xf32, #tpu.memory_space<vmem>>, vector<1x1x16xf32>,
        %get3A_388 = vector.shape_cast %get3A_387 : vector<1x1x16xf32> to vector<16xf32>
        %mul3A_389 = vector.broadcast %squeeze3A_87 : f32 to vector<16xf32>
        %mul3A_390 = arith.mulf %mul3A_389, %get3A_388 : vector<16xf32>
        %add3A_391 = arith.addf %add3A_382, %mul3A_390 : vector<16xf32>
        %swap3A_392 = arith.index_cast %scan3A_72 : i32 to index
        %swap3A_393 = arith.constant 144 : index
        %swap3A_394 = tpu.vector_load %arg17[%swap3A_392, %swap3A_393] {strides = array<i32>} : memref<64x256xf32, #tpu.memory_space<vmem>>, vector<1x16xf32>,
        %swap3A_395 = vector.shape_cast %swap3A_394 : vector<1x16xf32> to vector<16xf32>
        %swap3A_396 = vector.shape_cast %add3A_391 : vector<16xf32> to vector<1x16xf32>
        tpu.vector_store %arg17[%swap3A_392, %swap3A_393], %swap3A_396 {strides = array<i32>} : memref<64x256xf32, #tpu.memory_space<vmem>>, vector<1x16xf32>,
        %get3A_397 = arith.constant 0 : i32
        %get3A_398 = arith.index_cast %get3A_397 : i32 to index
        %get3A_399 = arith.index_cast %scan3A_72 : i32 to index
        %get3A_400 = arith.constant 160 : index
        %get3A_401 = tpu.vector_load %arg16[%get3A_398, %get3A_399, %get3A_400] {strides = array<i32>} : memref<3x64x256xf32, #tpu.memory_space<vmem>>, vector<1x1x16xf32>,
        %get3A_402 = vector.shape_cast %get3A_401 : vector<1x1x16xf32> to vector<16xf32>
        %mul3A_403 = vector.broadcast %squeeze3A : f32 to vector<16xf32>
        %mul3A_404 = arith.mulf %mul3A_403, %get3A_402 : vector<16xf32>
        %get3A_405 = arith.constant 1 : i32
        %get3A_406 = arith.index_cast %get3A_405 : i32 to index
        %get3A_407 = arith.index_cast %scan3A_72 : i32 to index
        %get3A_408 = arith.constant 160 : index
        %get3A_409 = tpu.vector_load %arg16[%get3A_406, %get3A_407, %get3A_408] {strides = array<i32>} : memref<3x64x256xf32, #tpu.memory_space<vmem>>, vector<1x1x16xf32>,
        %get3A_410 = vector.shape_cast %get3A_409 : vector<1x1x16xf32> to vector<16xf32>
        %mul3A_411 = vector.broadcast %squeeze3A_81 : f32 to vector<16xf32>
        %mul3A_412 = arith.mulf %mul3A_411, %get3A_410 : vector<16xf32>
        %add3A_413 = arith.addf %mul3A_404, %mul3A_412 : vector<16xf32>
        %get3A_414 = arith.constant 2 : i32
        %get3A_415 = arith.index_cast %get3A_414 : i32 to index
        %get3A_416 = arith.index_cast %scan3A_72 : i32 to index
        %get3A_417 = arith.constant 160 : index
        %get3A_418 = tpu.vector_load %arg16[%get3A_415, %get3A_416, %get3A_417] {strides = array<i32>} : memref<3x64x256xf32, #tpu.memory_space<vmem>>, vector<1x1x16xf32>,
        %get3A_419 = vector.shape_cast %get3A_418 : vector<1x1x16xf32> to vector<16xf32>
        %mul3A_420 = vector.broadcast %squeeze3A_87 : f32 to vector<16xf32>
        %mul3A_421 = arith.mulf %mul3A_420, %get3A_419 : vector<16xf32>
        %add3A_422 = arith.addf %add3A_413, %mul3A_421 : vector<16xf32>
        %swap3A_423 = arith.index_cast %scan3A_72 : i32 to index
        %swap3A_424 = arith.constant 160 : index
        %swap3A_425 = tpu.vector_load %arg17[%swap3A_423, %swap3A_424] {strides = array<i32>} : memref<64x256xf32, #tpu.memory_space<vmem>>, vector<1x16xf32>,
        %swap3A_426 = vector.shape_cast %swap3A_425 : vector<1x16xf32> to vector<16xf32>
        %swap3A_427 = vector.shape_cast %add3A_422 : vector<16xf32> to vector<1x16xf32>
        tpu.vector_store %arg17[%swap3A_423, %swap3A_424], %swap3A_427 {strides = array<i32>} : memref<64x256xf32, #tpu.memory_space<vmem>>, vector<1x16xf32>,
        %get3A_428 = arith.constant 0 : i32
        %get3A_429 = arith.index_cast %get3A_428 : i32 to index
        %get3A_430 = arith.index_cast %scan3A_72 : i32 to index
        %get3A_431 = arith.constant 176 : index
        %get3A_432 = tpu.vector_load %arg16[%get3A_429, %get3A_430, %get3A_431] {strides = array<i32>} : memref<3x64x256xf32, #tpu.memory_space<vmem>>, vector<1x1x16xf32>,
        %get3A_433 = vector.shape_cast %get3A_432 : vector<1x1x16xf32> to vector<16xf32>
        %mul3A_434 = vector.broadcast %squeeze3A : f32 to vector<16xf32>
        %mul3A_435 = arith.mulf %mul3A_434, %get3A_433 : vector<16xf32>
        %get3A_436 = arith.constant 1 : i32
        %get3A_437 = arith.index_cast %get3A_436 : i32 to index
        %get3A_438 = arith.index_cast %scan3A_72 : i32 to index
        %get3A_439 = arith.constant 176 : index
        %get3A_440 = tpu.vector_load %arg16[%get3A_437, %get3A_438, %get3A_439] {strides = array<i32>} : memref<3x64x256xf32, #tpu.memory_space<vmem>>, vector<1x1x16xf32>,
        %get3A_441 = vector.shape_cast %get3A_440 : vector<1x1x16xf32> to vector<16xf32>
        %mul3A_442 = vector.broadcast %squeeze3A_81 : f32 to vector<16xf32>
        %mul3A_443 = arith.mulf %mul3A_442, %get3A_441 : vector<16xf32>
        %add3A_444 = arith.addf %mul3A_435, %mul3A_443 : vector<16xf32>
        %get3A_445 = arith.constant 2 : i32
        %get3A_446 = arith.index_cast %get3A_445 : i32 to index
        %get3A_447 = arith.index_cast %scan3A_72 : i32 to index
        %get3A_448 = arith.constant 176 : index
        %get3A_449 = tpu.vector_load %arg16[%get3A_446, %get3A_447, %get3A_448] {strides = array<i32>} : memref<3x64x256xf32, #tpu.memory_space<vmem>>, vector<1x1x16xf32>,
        %get3A_450 = vector.shape_cast %get3A_449 : vector<1x1x16xf32> to vector<16xf32>
        %mul3A_451 = vector.broadcast %squeeze3A_87 : f32 to vector<16xf32>
        %mul3A_452 = arith.mulf %mul3A_451, %get3A_450 : vector<16xf32>
        %add3A_453 = arith.addf %add3A_444, %mul3A_452 : vector<16xf32>
        %swap3A_454 = arith.index_cast %scan3A_72 : i32 to index
        %swap3A_455 = arith.constant 176 : index
        %swap3A_456 = tpu.vector_load %arg17[%swap3A_454, %swap3A_455] {strides = array<i32>} : memref<64x256xf32, #tpu.memory_space<vmem>>, vector<1x16xf32>,
        %swap3A_457 = vector.shape_cast %swap3A_456 : vector<1x16xf32> to vector<16xf32>
        %swap3A_458 = vector.shape_cast %add3A_453 : vector<16xf32> to vector<1x16xf32>
        tpu.vector_store %arg17[%swap3A_454, %swap3A_455], %swap3A_458 {strides = array<i32>} : memref<64x256xf32, #tpu.memory_space<vmem>>, vector<1x16xf32>,
        %get3A_459 = arith.constant 0 : i32
        %get3A_460 = arith.index_cast %get3A_459 : i32 to index
        %get3A_461 = arith.index_cast %scan3A_72 : i32 to index
        %get3A_462 = arith.constant 192 : index
        %get3A_463 = tpu.vector_load %arg16[%get3A_460, %get3A_461, %get3A_462] {strides = array<i32>} : memref<3x64x256xf32, #tpu.memory_space<vmem>>, vector<1x1x16xf32>,
        %get3A_464 = vector.shape_cast %get3A_463 : vector<1x1x16xf32> to vector<16xf32>
        %mul3A_465 = vector.broadcast %squeeze3A : f32 to vector<16xf32>
        %mul3A_466 = arith.mulf %mul3A_465, %get3A_464 : vector<16xf32>
        %get3A_467 = arith.constant 1 : i32
        %get3A_468 = arith.index_cast %get3A_467 : i32 to index
        %get3A_469 = arith.index_cast %scan3A_72 : i32 to index
        %get3A_470 = arith.constant 192 : index
        %get3A_471 = tpu.vector_load %arg16[%get3A_468, %get3A_469, %get3A_470] {strides = array<i32>} : memref<3x64x256xf32, #tpu.memory_space<vmem>>, vector<1x1x16xf32>,
        %get3A_472 = vector.shape_cast %get3A_471 : vector<1x1x16xf32> to vector<16xf32>
        %mul3A_473 = vector.broadcast %squeeze3A_81 : f32 to vector<16xf32>
        %mul3A_474 = arith.mulf %mul3A_473, %get3A_472 : vector<16xf32>
        %add3A_475 = arith.addf %mul3A_466, %mul3A_474 : vector<16xf32>
        %get3A_476 = arith.constant 2 : i32
        %get3A_477 = arith.index_cast %get3A_476 : i32 to index
        %get3A_478 = arith.index_cast %scan3A_72 : i32 to index
        %get3A_479 = arith.constant 192 : index
        %get3A_480 = tpu.vector_load %arg16[%get3A_477, %get3A_478, %get3A_479] {strides = array<i32>} : memref<3x64x256xf32, #tpu.memory_space<vmem>>, vector<1x1x16xf32>,
        %get3A_481 = vector.shape_cast %get3A_480 : vector<1x1x16xf32> to vector<16xf32>
        %mul3A_482 = vector.broadcast %squeeze3A_87 : f32 to vector<16xf32>
        %mul3A_483 = arith.mulf %mul3A_482, %get3A_481 : vector<16xf32>
        %add3A_484 = arith.addf %add3A_475, %mul3A_483 : vector<16xf32>
        %swap3A_485 = arith.index_cast %scan3A_72 : i32 to index
        %swap3A_486 = arith.constant 192 : index
        %swap3A_487 = tpu.vector_load %arg17[%swap3A_485, %swap3A_486] {strides = array<i32>} : memref<64x256xf32, #tpu.memory_space<vmem>>, vector<1x16xf32>,
        %swap3A_488 = vector.shape_cast %swap3A_487 : vector<1x16xf32> to vector<16xf32>
        %swap3A_489 = vector.shape_cast %add3A_484 : vector<16xf32> to vector<1x16xf32>
        tpu.vector_store %arg17[%swap3A_485, %swap3A_486], %swap3A_489 {strides = array<i32>} : memref<64x256xf32, #tpu.memory_space<vmem>>, vector<1x16xf32>,
        %get3A_490 = arith.constant 0 : i32
        %get3A_491 = arith.index_cast %get3A_490 : i32 to index
        %get3A_492 = arith.index_cast %scan3A_72 : i32 to index
        %get3A_493 = arith.constant 208 : index
        %get3A_494 = tpu.vector_load %arg16[%get3A_491, %get3A_492, %get3A_493] {strides = array<i32>} : memref<3x64x256xf32, #tpu.memory_space<vmem>>, vector<1x1x16xf32>,
        %get3A_495 = vector.shape_cast %get3A_494 : vector<1x1x16xf32> to vector<16xf32>
        %mul3A_496 = vector.broadcast %squeeze3A : f32 to vector<16xf32>
        %mul3A_497 = arith.mulf %mul3A_496, %get3A_495 : vector<16xf32>
        %get3A_498 = arith.constant 1 : i32
        %get3A_499 = arith.index_cast %get3A_498 : i32 to index
        %get3A_500 = arith.index_cast %scan3A_72 : i32 to index
        %get3A_501 = arith.constant 208 : index
        %get3A_502 = tpu.vector_load %arg16[%get3A_499, %get3A_500, %get3A_501] {strides = array<i32>} : memref<3x64x256xf32, #tpu.memory_space<vmem>>, vector<1x1x16xf32>,
        %get3A_503 = vector.shape_cast %get3A_502 : vector<1x1x16xf32> to vector<16xf32>
        %mul3A_504 = vector.broadcast %squeeze3A_81 : f32 to vector<16xf32>
        %mul3A_505 = arith.mulf %mul3A_504, %get3A_503 : vector<16xf32>
        %add3A_506 = arith.addf %mul3A_497, %mul3A_505 : vector<16xf32>
        %get3A_507 = arith.constant 2 : i32
        %get3A_508 = arith.index_cast %get3A_507 : i32 to index
        %get3A_509 = arith.index_cast %scan3A_72 : i32 to index
        %get3A_510 = arith.constant 208 : index
        %get3A_511 = tpu.vector_load %arg16[%get3A_508, %get3A_509, %get3A_510] {strides = array<i32>} : memref<3x64x256xf32, #tpu.memory_space<vmem>>, vector<1x1x16xf32>,
        %get3A_512 = vector.shape_cast %get3A_511 : vector<1x1x16xf32> to vector<16xf32>
        %mul3A_513 = vector.broadcast %squeeze3A_87 : f32 to vector<16xf32>
        %mul3A_514 = arith.mulf %mul3A_513, %get3A_512 : vector<16xf32>
        %add3A_515 = arith.addf %add3A_506, %mul3A_514 : vector<16xf32>
        %swap3A_516 = arith.index_cast %scan3A_72 : i32 to index
        %swap3A_517 = arith.constant 208 : index
        %swap3A_518 = tpu.vector_load %arg17[%swap3A_516, %swap3A_517] {strides = array<i32>} : memref<64x256xf32, #tpu.memory_space<vmem>>, vector<1x16xf32>,
        %swap3A_519 = vector.shape_cast %swap3A_518 : vector<1x16xf32> to vector<16xf32>
        %swap3A_520 = vector.shape_cast %add3A_515 : vector<16xf32> to vector<1x16xf32>
        tpu.vector_store %arg17[%swap3A_516, %swap3A_517], %swap3A_520 {strides = array<i32>} : memref<64x256xf32, #tpu.memory_space<vmem>>, vector<1x16xf32>,
        %get3A_521 = arith.constant 0 : i32
        %get3A_522 = arith.index_cast %get3A_521 : i32 to index
        %get3A_523 = arith.index_cast %scan3A_72 : i32 to index
        %get3A_524 = arith.constant 224 : index
        %get3A_525 = tpu.vector_load %arg16[%get3A_522, %get3A_523, %get3A_524] {strides = array<i32>} : memref<3x64x256xf32, #tpu.memory_space<vmem>>, vector<1x1x16xf32>,
        %get3A_526 = vector.shape_cast %get3A_525 : vector<1x1x16xf32> to vector<16xf32>
        %mul3A_527 = vector.broadcast %squeeze3A : f32 to vector<16xf32>
        %mul3A_528 = arith.mulf %mul3A_527, %get3A_526 : vector<16xf32>
        %get3A_529 = arith.constant 1 : i32
        %get3A_530 = arith.index_cast %get3A_529 : i32 to index
        %get3A_531 = arith.index_cast %scan3A_72 : i32 to index
        %get3A_532 = arith.constant 224 : index
        %get3A_533 = tpu.vector_load %arg16[%get3A_530, %get3A_531, %get3A_532] {strides = array<i32>} : memref<3x64x256xf32, #tpu.memory_space<vmem>>, vector<1x1x16xf32>,
        %get3A_534 = vector.shape_cast %get3A_533 : vector<1x1x16xf32> to vector<16xf32>
        %mul3A_535 = vector.broadcast %squeeze3A_81 : f32 to vector<16xf32>
        %mul3A_536 = arith.mulf %mul3A_535, %get3A_534 : vector<16xf32>
        %add3A_537 = arith.addf %mul3A_528, %mul3A_536 : vector<16xf32>
        %get3A_538 = arith.constant 2 : i32
        %get3A_539 = arith.index_cast %get3A_538 : i32 to index
        %get3A_540 = arith.index_cast %scan3A_72 : i32 to index
        %get3A_541 = arith.constant 224 : index
        %get3A_542 = tpu.vector_load %arg16[%get3A_539, %get3A_540, %get3A_541] {strides = array<i32>} : memref<3x64x256xf32, #tpu.memory_space<vmem>>, vector<1x1x16xf32>,
        %get3A_543 = vector.shape_cast %get3A_542 : vector<1x1x16xf32> to vector<16xf32>
        %mul3A_544 = vector.broadcast %squeeze3A_87 : f32 to vector<16xf32>
        %mul3A_545 = arith.mulf %mul3A_544, %get3A_543 : vector<16xf32>
        %add3A_546 = arith.addf %add3A_537, %mul3A_545 : vector<16xf32>
        %swap3A_547 = arith.index_cast %scan3A_72 : i32 to index
        %swap3A_548 = arith.constant 224 : index
        %swap3A_549 = tpu.vector_load %arg17[%swap3A_547, %swap3A_548] {strides = array<i32>} : memref<64x256xf32, #tpu.memory_space<vmem>>, vector<1x16xf32>,
        %swap3A_550 = vector.shape_cast %swap3A_549 : vector<1x16xf32> to vector<16xf32>
        %swap3A_551 = vector.shape_cast %add3A_546 : vector<16xf32> to vector<1x16xf32>
        tpu.vector_store %arg17[%swap3A_547, %swap3A_548], %swap3A_551 {strides = array<i32>} : memref<64x256xf32, #tpu.memory_space<vmem>>, vector<1x16xf32>,
        %get3A_552 = arith.constant 0 : i32
        %get3A_553 = arith.index_cast %get3A_552 : i32 to index
        %get3A_554 = arith.index_cast %scan3A_72 : i32 to index
        %get3A_555 = arith.constant 240 : index
        %get3A_556 = tpu.vector_load %arg16[%get3A_553, %get3A_554, %get3A_555] {strides = array<i32>} : memref<3x64x256xf32, #tpu.memory_space<vmem>>, vector<1x1x16xf32>,
        %get3A_557 = vector.shape_cast %get3A_556 : vector<1x1x16xf32> to vector<16xf32>
        %mul3A_558 = vector.broadcast %squeeze3A : f32 to vector<16xf32>
        %mul3A_559 = arith.mulf %mul3A_558, %get3A_557 : vector<16xf32>
        %get3A_560 = arith.constant 1 : i32
        %get3A_561 = arith.index_cast %get3A_560 : i32 to index
        %get3A_562 = arith.index_cast %scan3A_72 : i32 to index
        %get3A_563 = arith.constant 240 : index
        %get3A_564 = tpu.vector_load %arg16[%get3A_561, %get3A_562, %get3A_563] {strides = array<i32>} : memref<3x64x256xf32, #tpu.memory_space<vmem>>, vector<1x1x16xf32>,
        %get3A_565 = vector.shape_cast %get3A_564 : vector<1x1x16xf32> to vector<16xf32>
        %mul3A_566 = vector.broadcast %squeeze3A_81 : f32 to vector<16xf32>
        %mul3A_567 = arith.mulf %mul3A_566, %get3A_565 : vector<16xf32>
        %add3A_568 = arith.addf %mul3A_559, %mul3A_567 : vector<16xf32>
        %get3A_569 = arith.constant 2 : i32
        %get3A_570 = arith.index_cast %get3A_569 : i32 to index
        %get3A_571 = arith.index_cast %scan3A_72 : i32 to index
        %get3A_572 = arith.constant 240 : index
        %get3A_573 = tpu.vector_load %arg16[%get3A_570, %get3A_571, %get3A_572] {strides = array<i32>} : memref<3x64x256xf32, #tpu.memory_space<vmem>>, vector<1x1x16xf32>,
        %get3A_574 = vector.shape_cast %get3A_573 : vector<1x1x16xf32> to vector<16xf32>
        %mul3A_575 = vector.broadcast %squeeze3A_87 : f32 to vector<16xf32>
        %mul3A_576 = arith.mulf %mul3A_575, %get3A_574 : vector<16xf32>
        %add3A_577 = arith.addf %add3A_568, %mul3A_576 : vector<16xf32>
        %swap3A_578 = arith.index_cast %scan3A_72 : i32 to index
        %swap3A_579 = arith.constant 240 : index
        %swap3A_580 = tpu.vector_load %arg17[%swap3A_578, %swap3A_579] {strides = array<i32>} : memref<64x256xf32, #tpu.memory_space<vmem>>, vector<1x16xf32>,
        %swap3A_581 = vector.shape_cast %swap3A_580 : vector<1x16xf32> to vector<16xf32>
        %swap3A_582 = vector.shape_cast %add3A_577 : vector<16xf32> to vector<1x16xf32>
        tpu.vector_store %arg17[%swap3A_578, %swap3A_579], %swap3A_582 {strides = array<i32>} : memref<64x256xf32, #tpu.memory_space<vmem>>, vector<1x16xf32>,
      }
      %scan3A_71 = arith.constant 64 : i32
      "tpu.region"() ({
        %run_scoped3A = tpu.sem_alloc : memref<!tpu.dma_semaphore, #tpu.memory_space<semaphore_mem>>
        %dma_start3A_72 = arith.constant 0 : i32
        %dma_start3A_73 = tpu.memref_slice %arg9[%add3A_11, %dma_start3A_72] : memref<16384x256xf32, #tpu.memory_space<hbm>> -> memref<64x256xf32, #tpu.memory_space<hbm>>
        %dma_start3A_74 = arith.constant 0 : i32
        %dma_start3A_75 = tpu.memref_slice %arg9[%add3A_11, %dma_start3A_74] : memref<16384x256xf32, #tpu.memory_space<hbm>> -> memref<64x256xf32, #tpu.memory_space<hbm>>
        tpu.enqueue_dma source(%arg17 : memref<64x256xf32, #tpu.memory_space<vmem>>) target(%dma_start3A_75 : memref<64x256xf32, #tpu.memory_space<hbm>>) target_semaphore(%run_scoped3A : memref<!tpu.dma_semaphore, #tpu.memory_space<semaphore_mem>>)
        %dma_wait3A_76 = arith.constant 0 : i32
        %dma_wait3A_77 = tpu.memref_slice %arg9[%add3A_11, %dma_wait3A_76] : memref<16384x256xf32, #tpu.memory_space<hbm>> -> memref<64x256xf32, #tpu.memory_space<hbm>>
        %dma_wait3A_78 = arith.constant 0 : i32
        %dma_wait3A_79 = tpu.memref_slice %arg9[%add3A_11, %dma_wait3A_78] : memref<16384x256xf32, #tpu.memory_space<hbm>> -> memref<64x256xf32, #tpu.memory_space<hbm>>
        tpu.wait_dma2 semaphore(%run_scoped3A : memref<!tpu.dma_semaphore, #tpu.memory_space<semaphore_mem>>) src(%arg17 : memref<64x256xf32, #tpu.memory_space<vmem>>) dst(%dma_wait3A_79 : memref<64x256xf32, #tpu.memory_space<hbm>>)
        tpu.yield
      }) : () -> ()
    }
    %scan3A_7 = arith.constant 8 : i32
    return
  }
}

#map = affine_map<(d0, d1) -> (0)>
#map1 = affine_map<(d0, d1) -> (0, 0)>
module attributes {stable_mosaic.version = 14 : i64} {
  func.func @_sc_body(%arg0: i32, %arg1: i32, %arg2: memref<16384xf32, #tpu.memory_space<hbm>>, %arg3: memref<16384xf32, #tpu.memory_space<hbm>>, %arg4: memref<16384xf32, #tpu.memory_space<hbm>>, %arg5: memref<16384xi32, #tpu.memory_space<hbm>>, %arg6: memref<16384xi32, #tpu.memory_space<hbm>>, %arg7: memref<16384xi32, #tpu.memory_space<hbm>>, %arg8: memref<4096x256xf32, #tpu.memory_space<hbm>>, %arg9: memref<16384x256xf32, #tpu.memory_space<hbm>>, %arg10: memref<512xi32, #tpu.memory_space<vmem>>, %arg11: memref<512xi32, #tpu.memory_space<vmem>>, %arg12: memref<512xi32, #tpu.memory_space<vmem>>, %arg13: memref<528xf32, #tpu.memory_space<vmem>>, %arg14: memref<528xf32, #tpu.memory_space<vmem>>, %arg15: memref<528xf32, #tpu.memory_space<vmem>>, %arg16: memref<3x64x256xf32, #tpu.memory_space<vmem>>, %arg17: memref<64x256xf32, #tpu.memory_space<vmem>>, %arg18: memref<!tpu.dma_semaphore, #tpu.memory_space<semaphore_mem>>) attributes {dimension_semantics = [#tpu.dimension_semantics<core_parallel>, #tpu.dimension_semantics<subcore_parallel>], iteration_bounds = array<i64: 2, 16>, scalar_prefetch = 0 : i64, scratch_operands = 9 : i64, tpu.core_type = #tpu.core_type<sc_vector_subcore>, window_params = [{transform_indices = #map}, {transform_indices = #map}, {transform_indices = #map}, {transform_indices = #map}, {transform_indices = #map}, {transform_indices = #map}, {transform_indices = #map1}, {transform_indices = #map1}]} {
    %mul3A = arith.constant 2 : i32
    %mul3A_0 = arith.muli %arg1, %mul3A : i32
    %add3A = arith.addi %mul3A_0, %arg0 : i32
    %mul3A_1 = arith.constant 512 : i32
    %mul3A_2 = arith.muli %add3A, %mul3A_1 : i32
    "tpu.region"() ({
      %run_scoped3A = tpu.sem_alloc : memref<!tpu.dma_semaphore, #tpu.memory_space<semaphore_mem>>
      %dma_start3A = tpu.memref_slice %arg5[%mul3A_2] : memref<16384xi32, #tpu.memory_space<hbm>> -> memref<512xi32, #tpu.memory_space<hbm>>
      %dma_start3A_8 = tpu.memref_slice %arg5[%mul3A_2] : memref<16384xi32, #tpu.memory_space<hbm>> -> memref<512xi32, #tpu.memory_space<hbm>>
      tpu.enqueue_dma source(%dma_start3A_8 : memref<512xi32, #tpu.memory_space<hbm>>) target(%arg10 : memref<512xi32, #tpu.memory_space<vmem>>) target_semaphore(%run_scoped3A : memref<!tpu.dma_semaphore, #tpu.memory_space<semaphore_mem>>)
      %dma_wait3A = tpu.memref_slice %arg5[%mul3A_2] : memref<16384xi32, #tpu.memory_space<hbm>> -> memref<512xi32, #tpu.memory_space<hbm>>
      %dma_wait3A_9 = tpu.memref_slice %arg5[%mul3A_2] : memref<16384xi32, #tpu.memory_space<hbm>> -> memref<512xi32, #tpu.memory_space<hbm>>
      tpu.wait_dma2 semaphore(%run_scoped3A : memref<!tpu.dma_semaphore, #tpu.memory_space<semaphore_mem>>) src(%dma_wait3A_9 : memref<512xi32, #tpu.memory_space<hbm>>) dst(%arg10 : memref<512xi32, #tpu.memory_space<vmem>>)
      tpu.yield
    }) : () -> ()
    "tpu.region"() ({
      %run_scoped3A = tpu.sem_alloc : memref<!tpu.dma_semaphore, #tpu.memory_space<semaphore_mem>>
      %dma_start3A = tpu.memref_slice %arg6[%mul3A_2] : memref<16384xi32, #tpu.memory_space<hbm>> -> memref<512xi32, #tpu.memory_space<hbm>>
      %dma_start3A_8 = tpu.memref_slice %arg6[%mul3A_2] : memref<16384xi32, #tpu.memory_space<hbm>> -> memref<512xi32, #tpu.memory_space<hbm>>
      tpu.enqueue_dma source(%dma_start3A_8 : memref<512xi32, #tpu.memory_space<hbm>>) target(%arg11 : memref<512xi32, #tpu.memory_space<vmem>>) target_semaphore(%run_scoped3A : memref<!tpu.dma_semaphore, #tpu.memory_space<semaphore_mem>>)
      %dma_wait3A = tpu.memref_slice %arg6[%mul3A_2] : memref<16384xi32, #tpu.memory_space<hbm>> -> memref<512xi32, #tpu.memory_space<hbm>>
      %dma_wait3A_9 = tpu.memref_slice %arg6[%mul3A_2] : memref<16384xi32, #tpu.memory_space<hbm>> -> memref<512xi32, #tpu.memory_space<hbm>>
      tpu.wait_dma2 semaphore(%run_scoped3A : memref<!tpu.dma_semaphore, #tpu.memory_space<semaphore_mem>>) src(%dma_wait3A_9 : memref<512xi32, #tpu.memory_space<hbm>>) dst(%arg11 : memref<512xi32, #tpu.memory_space<vmem>>)
      tpu.yield
    }) : () -> ()
    "tpu.region"() ({
      %run_scoped3A = tpu.sem_alloc : memref<!tpu.dma_semaphore, #tpu.memory_space<semaphore_mem>>
      %dma_start3A = tpu.memref_slice %arg7[%mul3A_2] : memref<16384xi32, #tpu.memory_space<hbm>> -> memref<512xi32, #tpu.memory_space<hbm>>
      %dma_start3A_8 = tpu.memref_slice %arg7[%mul3A_2] : memref<16384xi32, #tpu.memory_space<hbm>> -> memref<512xi32, #tpu.memory_space<hbm>>
      tpu.enqueue_dma source(%dma_start3A_8 : memref<512xi32, #tpu.memory_space<hbm>>) target(%arg12 : memref<512xi32, #tpu.memory_space<vmem>>) target_semaphore(%run_scoped3A : memref<!tpu.dma_semaphore, #tpu.memory_space<semaphore_mem>>)
      %dma_wait3A = tpu.memref_slice %arg7[%mul3A_2] : memref<16384xi32, #tpu.memory_space<hbm>> -> memref<512xi32, #tpu.memory_space<hbm>>
      %dma_wait3A_9 = tpu.memref_slice %arg7[%mul3A_2] : memref<16384xi32, #tpu.memory_space<hbm>> -> memref<512xi32, #tpu.memory_space<hbm>>
      tpu.wait_dma2 semaphore(%run_scoped3A : memref<!tpu.dma_semaphore, #tpu.memory_space<semaphore_mem>>) src(%dma_wait3A_9 : memref<512xi32, #tpu.memory_space<hbm>>) dst(%arg12 : memref<512xi32, #tpu.memory_space<vmem>>)
      tpu.yield
    }) : () -> ()
    "tpu.region"() ({
      %run_scoped3A = tpu.sem_alloc : memref<!tpu.dma_semaphore, #tpu.memory_space<semaphore_mem>>
      %dma_start3A = arith.constant 0 : i32
      %dma_start3A_8 = tpu.memref_slice %arg13[%dma_start3A] : memref<528xf32, #tpu.memory_space<vmem>> -> memref<512xf32, #tpu.memory_space<vmem>>
      %dma_start3A_9 = tpu.memref_slice %arg2[%mul3A_2] : memref<16384xf32, #tpu.memory_space<hbm>> -> memref<512xf32, #tpu.memory_space<hbm>>
      %dma_start3A_10 = arith.constant 0 : i32
      %dma_start3A_11 = tpu.memref_slice %arg13[%dma_start3A_10] : memref<528xf32, #tpu.memory_space<vmem>> -> memref<512xf32, #tpu.memory_space<vmem>>
      %dma_start3A_12 = tpu.memref_slice %arg2[%mul3A_2] : memref<16384xf32, #tpu.memory_space<hbm>> -> memref<512xf32, #tpu.memory_space<hbm>>
      tpu.enqueue_dma source(%dma_start3A_12 : memref<512xf32, #tpu.memory_space<hbm>>) target(%dma_start3A_11 : memref<512xf32, #tpu.memory_space<vmem>>) target_semaphore(%run_scoped3A : memref<!tpu.dma_semaphore, #tpu.memory_space<semaphore_mem>>)
      %dma_wait3A = arith.constant 0 : i32
      %dma_wait3A_13 = tpu.memref_slice %arg13[%dma_wait3A] : memref<528xf32, #tpu.memory_space<vmem>> -> memref<512xf32, #tpu.memory_space<vmem>>
      %dma_wait3A_14 = tpu.memref_slice %arg2[%mul3A_2] : memref<16384xf32, #tpu.memory_space<hbm>> -> memref<512xf32, #tpu.memory_space<hbm>>
      %dma_wait3A_15 = arith.constant 0 : i32
      %dma_wait3A_16 = tpu.memref_slice %arg13[%dma_wait3A_15] : memref<528xf32, #tpu.memory_space<vmem>> -> memref<512xf32, #tpu.memory_space<vmem>>
      %dma_wait3A_17 = tpu.memref_slice %arg2[%mul3A_2] : memref<16384xf32, #tpu.memory_space<hbm>> -> memref<512xf32, #tpu.memory_space<hbm>>
      tpu.wait_dma2 semaphore(%run_scoped3A : memref<!tpu.dma_semaphore, #tpu.memory_space<semaphore_mem>>) src(%dma_wait3A_17 : memref<512xf32, #tpu.memory_space<hbm>>) dst(%dma_wait3A_16 : memref<512xf32, #tpu.memory_space<vmem>>)
      tpu.yield
    }) : () -> ()
    "tpu.region"() ({
      %run_scoped3A = tpu.sem_alloc : memref<!tpu.dma_semaphore, #tpu.memory_space<semaphore_mem>>
      %dma_start3A = arith.constant 0 : i32
      %dma_start3A_8 = tpu.memref_slice %arg14[%dma_start3A] : memref<528xf32, #tpu.memory_space<vmem>> -> memref<512xf32, #tpu.memory_space<vmem>>
      %dma_start3A_9 = tpu.memref_slice %arg3[%mul3A_2] : memref<16384xf32, #tpu.memory_space<hbm>> -> memref<512xf32, #tpu.memory_space<hbm>>
      %dma_start3A_10 = arith.constant 0 : i32
      %dma_start3A_11 = tpu.memref_slice %arg14[%dma_start3A_10] : memref<528xf32, #tpu.memory_space<vmem>> -> memref<512xf32, #tpu.memory_space<vmem>>
      %dma_start3A_12 = tpu.memref_slice %arg3[%mul3A_2] : memref<16384xf32, #tpu.memory_space<hbm>> -> memref<512xf32, #tpu.memory_space<hbm>>
      tpu.enqueue_dma source(%dma_start3A_12 : memref<512xf32, #tpu.memory_space<hbm>>) target(%dma_start3A_11 : memref<512xf32, #tpu.memory_space<vmem>>) target_semaphore(%run_scoped3A : memref<!tpu.dma_semaphore, #tpu.memory_space<semaphore_mem>>)
      %dma_wait3A = arith.constant 0 : i32
      %dma_wait3A_13 = tpu.memref_slice %arg14[%dma_wait3A] : memref<528xf32, #tpu.memory_space<vmem>> -> memref<512xf32, #tpu.memory_space<vmem>>
      %dma_wait3A_14 = tpu.memref_slice %arg3[%mul3A_2] : memref<16384xf32, #tpu.memory_space<hbm>> -> memref<512xf32, #tpu.memory_space<hbm>>
      %dma_wait3A_15 = arith.constant 0 : i32
      %dma_wait3A_16 = tpu.memref_slice %arg14[%dma_wait3A_15] : memref<528xf32, #tpu.memory_space<vmem>> -> memref<512xf32, #tpu.memory_space<vmem>>
      %dma_wait3A_17 = tpu.memref_slice %arg3[%mul3A_2] : memref<16384xf32, #tpu.memory_space<hbm>> -> memref<512xf32, #tpu.memory_space<hbm>>
      tpu.wait_dma2 semaphore(%run_scoped3A : memref<!tpu.dma_semaphore, #tpu.memory_space<semaphore_mem>>) src(%dma_wait3A_17 : memref<512xf32, #tpu.memory_space<hbm>>) dst(%dma_wait3A_16 : memref<512xf32, #tpu.memory_space<vmem>>)
      tpu.yield
    }) : () -> ()
    "tpu.region"() ({
      %run_scoped3A = tpu.sem_alloc : memref<!tpu.dma_semaphore, #tpu.memory_space<semaphore_mem>>
      %dma_start3A = arith.constant 0 : i32
      %dma_start3A_8 = tpu.memref_slice %arg15[%dma_start3A] : memref<528xf32, #tpu.memory_space<vmem>> -> memref<512xf32, #tpu.memory_space<vmem>>
      %dma_start3A_9 = tpu.memref_slice %arg4[%mul3A_2] : memref<16384xf32, #tpu.memory_space<hbm>> -> memref<512xf32, #tpu.memory_space<hbm>>
      %dma_start3A_10 = arith.constant 0 : i32
      %dma_start3A_11 = tpu.memref_slice %arg15[%dma_start3A_10] : memref<528xf32, #tpu.memory_space<vmem>> -> memref<512xf32, #tpu.memory_space<vmem>>
      %dma_start3A_12 = tpu.memref_slice %arg4[%mul3A_2] : memref<16384xf32, #tpu.memory_space<hbm>> -> memref<512xf32, #tpu.memory_space<hbm>>
      tpu.enqueue_dma source(%dma_start3A_12 : memref<512xf32, #tpu.memory_space<hbm>>) target(%dma_start3A_11 : memref<512xf32, #tpu.memory_space<vmem>>) target_semaphore(%run_scoped3A : memref<!tpu.dma_semaphore, #tpu.memory_space<semaphore_mem>>)
      %dma_wait3A = arith.constant 0 : i32
      %dma_wait3A_13 = tpu.memref_slice %arg15[%dma_wait3A] : memref<528xf32, #tpu.memory_space<vmem>> -> memref<512xf32, #tpu.memory_space<vmem>>
      %dma_wait3A_14 = tpu.memref_slice %arg4[%mul3A_2] : memref<16384xf32, #tpu.memory_space<hbm>> -> memref<512xf32, #tpu.memory_space<hbm>>
      %dma_wait3A_15 = arith.constant 0 : i32
      %dma_wait3A_16 = tpu.memref_slice %arg15[%dma_wait3A_15] : memref<528xf32, #tpu.memory_space<vmem>> -> memref<512xf32, #tpu.memory_space<vmem>>
      %dma_wait3A_17 = tpu.memref_slice %arg4[%mul3A_2] : memref<16384xf32, #tpu.memory_space<hbm>> -> memref<512xf32, #tpu.memory_space<hbm>>
      tpu.wait_dma2 semaphore(%run_scoped3A : memref<!tpu.dma_semaphore, #tpu.memory_space<semaphore_mem>>) src(%dma_wait3A_17 : memref<512xf32, #tpu.memory_space<hbm>>) dst(%dma_wait3A_16 : memref<512xf32, #tpu.memory_space<vmem>>)
      tpu.yield
    }) : () -> ()
    %scan3A = arith.constant 0 : i32
    %scan3A_3 = arith.constant 0 : i32
    %scan3A_4 = arith.constant 8 : i32
    %scan3A_5 = arith.addi %scan3A_3, %scan3A_4 : i32
    %scan3A_6 = arith.constant 1 : i32
    scf.for %scan3A_8 = %scan3A_3 to %scan3A_5 step %scan3A_6  : i32 {
      %mul3A_9 = arith.constant 64 : i32
      %mul3A_10 = arith.muli %scan3A_8, %mul3A_9 : i32
      %add3A_11 = arith.addi %mul3A_2, %mul3A_10 : i32
      %mul3A_12 = arith.constant 64 : i32
      %mul3A_13 = arith.muli %scan3A_8, %mul3A_12 : i32
      %dma_start3A = arith.constant 0 : i32
      %dma_start3A_14 = arith.constant 0 : i32
      %dma_start3A_15 = arith.constant 0 : i32
      %dma_start3A_16 = tpu.memref_slice %arg16[%dma_start3A, %dma_start3A_14, %dma_start3A_15] : memref<3x64x256xf32, #tpu.memory_space<vmem>> -> memref<1x64x256xf32, #tpu.memory_space<vmem>>
      %dma_start3A_17 = tpu.memref_squeeze %dma_start3A_16 : memref<1x64x256xf32, #tpu.memory_space<vmem>> -> memref<64x256xf32, #tpu.memory_space<vmem>>
      %dma_start3A_18 = tpu.memref_slice %arg10[%mul3A_13] : memref<512xi32, #tpu.memory_space<vmem>> -> memref<64xi32, #tpu.memory_space<vmem>>
      %dma_start3A_19 = arith.constant 0 : i32
      %dma_start3A_20 = arith.constant 0 : i32
      %dma_start3A_21 = tpu.memref_slice %arg8[%dma_start3A_19, %dma_start3A_20] : memref<4096x256xf32, #tpu.memory_space<hbm>> -> memref<4096x256xf32, #tpu.memory_space<hbm>>
      tpu.enqueue_indirect_dma source(%dma_start3A_21 : memref<4096x256xf32, #tpu.memory_space<hbm>>) target(%dma_start3A_17 : memref<64x256xf32, #tpu.memory_space<vmem>>) offsets(%dma_start3A_18 : memref<64xi32, #tpu.memory_space<vmem>>) semaphore(%arg18 : memref<!tpu.dma_semaphore, #tpu.memory_space<semaphore_mem>>)
      %dma_start3A_22 = arith.constant 1 : i32
      %dma_start3A_23 = arith.constant 0 : i32
      %dma_start3A_24 = arith.constant 0 : i32
      %dma_start3A_25 = tpu.memref_slice %arg16[%dma_start3A_22, %dma_start3A_23, %dma_start3A_24] : memref<3x64x256xf32, #tpu.memory_space<vmem>> -> memref<1x64x256xf32, #tpu.memory_space<vmem>>
      %dma_start3A_26 = tpu.memref_squeeze %dma_start3A_25 : memref<1x64x256xf32, #tpu.memory_space<vmem>> -> memref<64x256xf32, #tpu.memory_space<vmem>>
      %dma_start3A_27 = tpu.memref_slice %arg11[%mul3A_13] : memref<512xi32, #tpu.memory_space<vmem>> -> memref<64xi32, #tpu.memory_space<vmem>>
      %dma_start3A_28 = arith.constant 0 : i32
      %dma_start3A_29 = arith.constant 0 : i32
      %dma_start3A_30 = tpu.memref_slice %arg8[%dma_start3A_28, %dma_start3A_29] : memref<4096x256xf32, #tpu.memory_space<hbm>> -> memref<4096x256xf32, #tpu.memory_space<hbm>>
      tpu.enqueue_indirect_dma source(%dma_start3A_30 : memref<4096x256xf32, #tpu.memory_space<hbm>>) target(%dma_start3A_26 : memref<64x256xf32, #tpu.memory_space<vmem>>) offsets(%dma_start3A_27 : memref<64xi32, #tpu.memory_space<vmem>>) semaphore(%arg18 : memref<!tpu.dma_semaphore, #tpu.memory_space<semaphore_mem>>)
      %dma_start3A_31 = arith.constant 2 : i32
      %dma_start3A_32 = arith.constant 0 : i32
      %dma_start3A_33 = arith.constant 0 : i32
      %dma_start3A_34 = tpu.memref_slice %arg16[%dma_start3A_31, %dma_start3A_32, %dma_start3A_33] : memref<3x64x256xf32, #tpu.memory_space<vmem>> -> memref<1x64x256xf32, #tpu.memory_space<vmem>>
      %dma_start3A_35 = tpu.memref_squeeze %dma_start3A_34 : memref<1x64x256xf32, #tpu.memory_space<vmem>> -> memref<64x256xf32, #tpu.memory_space<vmem>>
      %dma_start3A_36 = tpu.memref_slice %arg12[%mul3A_13] : memref<512xi32, #tpu.memory_space<vmem>> -> memref<64xi32, #tpu.memory_space<vmem>>
      %dma_start3A_37 = arith.constant 0 : i32
      %dma_start3A_38 = arith.constant 0 : i32
      %dma_start3A_39 = tpu.memref_slice %arg8[%dma_start3A_37, %dma_start3A_38] : memref<4096x256xf32, #tpu.memory_space<hbm>> -> memref<4096x256xf32, #tpu.memory_space<hbm>>
      tpu.enqueue_indirect_dma source(%dma_start3A_39 : memref<4096x256xf32, #tpu.memory_space<hbm>>) target(%dma_start3A_35 : memref<64x256xf32, #tpu.memory_space<vmem>>) offsets(%dma_start3A_36 : memref<64xi32, #tpu.memory_space<vmem>>) semaphore(%arg18 : memref<!tpu.dma_semaphore, #tpu.memory_space<semaphore_mem>>)
      %dma_wait3A = arith.constant 0 : i32
      %dma_wait3A_40 = arith.constant 0 : i32
      %dma_wait3A_41 = arith.constant 0 : i32
      %dma_wait3A_42 = tpu.memref_slice %arg16[%dma_wait3A, %dma_wait3A_40, %dma_wait3A_41] : memref<3x64x256xf32, #tpu.memory_space<vmem>> -> memref<1x64x256xf32, #tpu.memory_space<vmem>>
      %dma_wait3A_43 = tpu.memref_squeeze %dma_wait3A_42 : memref<1x64x256xf32, #tpu.memory_space<vmem>> -> memref<64x256xf32, #tpu.memory_space<vmem>>
      %dma_wait3A_44 = tpu.memref_slice %arg10[%mul3A_13] : memref<512xi32, #tpu.memory_space<vmem>> -> memref<64xi32, #tpu.memory_space<vmem>>
      %dma_wait3A_45 = arith.constant 0 : i32
      %dma_wait3A_46 = arith.constant 0 : i32
      %dma_wait3A_47 = tpu.memref_slice %arg8[%dma_wait3A_45, %dma_wait3A_46] : memref<4096x256xf32, #tpu.memory_space<hbm>> -> memref<4096x256xf32, #tpu.memory_space<hbm>>
      tpu.wait_indirect_dma semaphore(%arg18 : memref<!tpu.dma_semaphore, #tpu.memory_space<semaphore_mem>>) src(%dma_wait3A_47 : memref<4096x256xf32, #tpu.memory_space<hbm>>) dst(%dma_wait3A_43 : memref<64x256xf32, #tpu.memory_space<vmem>>)
      %dma_wait3A_48 = arith.constant 1 : i32
      %dma_wait3A_49 = arith.constant 0 : i32
      %dma_wait3A_50 = arith.constant 0 : i32
      %dma_wait3A_51 = tpu.memref_slice %arg16[%dma_wait3A_48, %dma_wait3A_49, %dma_wait3A_50] : memref<3x64x256xf32, #tpu.memory_space<vmem>> -> memref<1x64x256xf32, #tpu.memory_space<vmem>>
      %dma_wait3A_52 = tpu.memref_squeeze %dma_wait3A_51 : memref<1x64x256xf32, #tpu.memory_space<vmem>> -> memref<64x256xf32, #tpu.memory_space<vmem>>
      %dma_wait3A_53 = tpu.memref_slice %arg11[%mul3A_13] : memref<512xi32, #tpu.memory_space<vmem>> -> memref<64xi32, #tpu.memory_space<vmem>>
      %dma_wait3A_54 = arith.constant 0 : i32
      %dma_wait3A_55 = arith.constant 0 : i32
      %dma_wait3A_56 = tpu.memref_slice %arg8[%dma_wait3A_54, %dma_wait3A_55] : memref<4096x256xf32, #tpu.memory_space<hbm>> -> memref<4096x256xf32, #tpu.memory_space<hbm>>
      tpu.wait_indirect_dma semaphore(%arg18 : memref<!tpu.dma_semaphore, #tpu.memory_space<semaphore_mem>>) src(%dma_wait3A_56 : memref<4096x256xf32, #tpu.memory_space<hbm>>) dst(%dma_wait3A_52 : memref<64x256xf32, #tpu.memory_space<vmem>>)
      %dma_wait3A_57 = arith.constant 2 : i32
      %dma_wait3A_58 = arith.constant 0 : i32
      %dma_wait3A_59 = arith.constant 0 : i32
      %dma_wait3A_60 = tpu.memref_slice %arg16[%dma_wait3A_57, %dma_wait3A_58, %dma_wait3A_59] : memref<3x64x256xf32, #tpu.memory_space<vmem>> -> memref<1x64x256xf32, #tpu.memory_space<vmem>>
      %dma_wait3A_61 = tpu.memref_squeeze %dma_wait3A_60 : memref<1x64x256xf32, #tpu.memory_space<vmem>> -> memref<64x256xf32, #tpu.memory_space<vmem>>
      %dma_wait3A_62 = tpu.memref_slice %arg12[%mul3A_13] : memref<512xi32, #tpu.memory_space<vmem>> -> memref<64xi32, #tpu.memory_space<vmem>>
      %dma_wait3A_63 = arith.constant 0 : i32
      %dma_wait3A_64 = arith.constant 0 : i32
      %dma_wait3A_65 = tpu.memref_slice %arg8[%dma_wait3A_63, %dma_wait3A_64] : memref<4096x256xf32, #tpu.memory_space<hbm>> -> memref<4096x256xf32, #tpu.memory_space<hbm>>
      tpu.wait_indirect_dma semaphore(%arg18 : memref<!tpu.dma_semaphore, #tpu.memory_space<semaphore_mem>>) src(%dma_wait3A_65 : memref<4096x256xf32, #tpu.memory_space<hbm>>) dst(%dma_wait3A_61 : memref<64x256xf32, #tpu.memory_space<vmem>>)
      %scan3A_66 = arith.constant 0 : i32
      %scan3A_67 = arith.constant 0 : i32
      %scan3A_68 = arith.constant 64 : i32
      %scan3A_69 = arith.addi %scan3A_67, %scan3A_68 : i32
      %scan3A_70 = arith.constant 1 : i32
      scf.for %scan3A_72 = %scan3A_67 to %scan3A_69 step %scan3A_70  : i32 {
        %add3A_73 = arith.addi %mul3A_13, %scan3A_72 : i32
        %get3A = arith.index_cast %add3A_73 : i32 to index
        %get3A_74 = tpu.vector_load %arg13[%get3A] {strides = array<i32>} : memref<528xf32, #tpu.memory_space<vmem>>, vector<16xf32>,
        %get3A_75 = vector.shape_cast %get3A_74 : vector<16xf32> to vector<16xf32>
        %slice3A = vector.extract_strided_slice %get3A_75 {offsets = [0], sizes = [1], strides = [1]} : vector<16xf32> to vector<1xf32>
        %squeeze3A = vector.extract %slice3A[0] : f32 from vector<1xf32>
        %add3A_76 = arith.addi %mul3A_13, %scan3A_72 : i32
        %get3A_77 = arith.index_cast %add3A_76 : i32 to index
        %get3A_78 = tpu.vector_load %arg14[%get3A_77] {strides = array<i32>} : memref<528xf32, #tpu.memory_space<vmem>>, vector<16xf32>,
        %get3A_79 = vector.shape_cast %get3A_78 : vector<16xf32> to vector<16xf32>
        %slice3A_80 = vector.extract_strided_slice %get3A_79 {offsets = [0], sizes = [1], strides = [1]} : vector<16xf32> to vector<1xf32>
        %squeeze3A_81 = vector.extract %slice3A_80[0] : f32 from vector<1xf32>
        %add3A_82 = arith.addi %mul3A_13, %scan3A_72 : i32
        %get3A_83 = arith.index_cast %add3A_82 : i32 to index
        %get3A_84 = tpu.vector_load %arg15[%get3A_83] {strides = array<i32>} : memref<528xf32, #tpu.memory_space<vmem>>, vector<16xf32>,
        %get3A_85 = vector.shape_cast %get3A_84 : vector<16xf32> to vector<16xf32>
        %slice3A_86 = vector.extract_strided_slice %get3A_85 {offsets = [0], sizes = [1], strides = [1]} : vector<16xf32> to vector<1xf32>
        %squeeze3A_87 = vector.extract %slice3A_86[0] : f32 from vector<1xf32>
        %get3A_88 = arith.constant 0 : i32
        %get3A_89 = arith.index_cast %get3A_88 : i32 to index
        %get3A_90 = arith.index_cast %scan3A_72 : i32 to index
        %get3A_91 = arith.constant 0 : index
        %get3A_92 = tpu.vector_load %arg16[%get3A_89, %get3A_90, %get3A_91] {strides = array<i32>} : memref<3x64x256xf32, #tpu.memory_space<vmem>>, vector<1x1x16xf32>,
        %get3A_93 = vector.shape_cast %get3A_92 : vector<1x1x16xf32> to vector<16xf32>
        %mul3A_94 = vector.broadcast %squeeze3A : f32 to vector<16xf32>
        %mul3A_95 = arith.mulf %mul3A_94, %get3A_93 : vector<16xf32>
        %get3A_96 = arith.constant 1 : i32
        %get3A_97 = arith.index_cast %get3A_96 : i32 to index
        %get3A_98 = arith.index_cast %scan3A_72 : i32 to index
        %get3A_99 = arith.constant 0 : index
        %get3A_100 = tpu.vector_load %arg16[%get3A_97, %get3A_98, %get3A_99] {strides = array<i32>} : memref<3x64x256xf32, #tpu.memory_space<vmem>>, vector<1x1x16xf32>,
        %get3A_101 = vector.shape_cast %get3A_100 : vector<1x1x16xf32> to vector<16xf32>
        %mul3A_102 = vector.broadcast %squeeze3A_81 : f32 to vector<16xf32>
        %mul3A_103 = arith.mulf %mul3A_102, %get3A_101 : vector<16xf32>
        %add3A_104 = arith.addf %mul3A_95, %mul3A_103 : vector<16xf32>
        %get3A_105 = arith.constant 2 : i32
        %get3A_106 = arith.index_cast %get3A_105 : i32 to index
        %get3A_107 = arith.index_cast %scan3A_72 : i32 to index
        %get3A_108 = arith.constant 0 : index
        %get3A_109 = tpu.vector_load %arg16[%get3A_106, %get3A_107, %get3A_108] {strides = array<i32>} : memref<3x64x256xf32, #tpu.memory_space<vmem>>, vector<1x1x16xf32>,
        %get3A_110 = vector.shape_cast %get3A_109 : vector<1x1x16xf32> to vector<16xf32>
        %mul3A_111 = vector.broadcast %squeeze3A_87 : f32 to vector<16xf32>
        %mul3A_112 = arith.mulf %mul3A_111, %get3A_110 : vector<16xf32>
        %add3A_113 = arith.addf %add3A_104, %mul3A_112 : vector<16xf32>
        %swap3A = arith.index_cast %scan3A_72 : i32 to index
        %swap3A_114 = arith.constant 0 : index
        %swap3A_115 = tpu.vector_load %arg17[%swap3A, %swap3A_114] {strides = array<i32>} : memref<64x256xf32, #tpu.memory_space<vmem>>, vector<1x16xf32>,
        %swap3A_116 = vector.shape_cast %swap3A_115 : vector<1x16xf32> to vector<16xf32>
        %swap3A_117 = vector.shape_cast %add3A_113 : vector<16xf32> to vector<1x16xf32>
        tpu.vector_store %arg17[%swap3A, %swap3A_114], %swap3A_117 {strides = array<i32>} : memref<64x256xf32, #tpu.memory_space<vmem>>, vector<1x16xf32>,
        %get3A_118 = arith.constant 0 : i32
        %get3A_119 = arith.index_cast %get3A_118 : i32 to index
        %get3A_120 = arith.index_cast %scan3A_72 : i32 to index
        %get3A_121 = arith.constant 16 : index
        %get3A_122 = tpu.vector_load %arg16[%get3A_119, %get3A_120, %get3A_121] {strides = array<i32>} : memref<3x64x256xf32, #tpu.memory_space<vmem>>, vector<1x1x16xf32>,
        %get3A_123 = vector.shape_cast %get3A_122 : vector<1x1x16xf32> to vector<16xf32>
        %mul3A_124 = vector.broadcast %squeeze3A : f32 to vector<16xf32>
        %mul3A_125 = arith.mulf %mul3A_124, %get3A_123 : vector<16xf32>
        %get3A_126 = arith.constant 1 : i32
        %get3A_127 = arith.index_cast %get3A_126 : i32 to index
        %get3A_128 = arith.index_cast %scan3A_72 : i32 to index
        %get3A_129 = arith.constant 16 : index
        %get3A_130 = tpu.vector_load %arg16[%get3A_127, %get3A_128, %get3A_129] {strides = array<i32>} : memref<3x64x256xf32, #tpu.memory_space<vmem>>, vector<1x1x16xf32>,
        %get3A_131 = vector.shape_cast %get3A_130 : vector<1x1x16xf32> to vector<16xf32>
        %mul3A_132 = vector.broadcast %squeeze3A_81 : f32 to vector<16xf32>
        %mul3A_133 = arith.mulf %mul3A_132, %get3A_131 : vector<16xf32>
        %add3A_134 = arith.addf %mul3A_125, %mul3A_133 : vector<16xf32>
        %get3A_135 = arith.constant 2 : i32
        %get3A_136 = arith.index_cast %get3A_135 : i32 to index
        %get3A_137 = arith.index_cast %scan3A_72 : i32 to index
        %get3A_138 = arith.constant 16 : index
        %get3A_139 = tpu.vector_load %arg16[%get3A_136, %get3A_137, %get3A_138] {strides = array<i32>} : memref<3x64x256xf32, #tpu.memory_space<vmem>>, vector<1x1x16xf32>,
        %get3A_140 = vector.shape_cast %get3A_139 : vector<1x1x16xf32> to vector<16xf32>
        %mul3A_141 = vector.broadcast %squeeze3A_87 : f32 to vector<16xf32>
        %mul3A_142 = arith.mulf %mul3A_141, %get3A_140 : vector<16xf32>
        %add3A_143 = arith.addf %add3A_134, %mul3A_142 : vector<16xf32>
        %swap3A_144 = arith.index_cast %scan3A_72 : i32 to index
        %swap3A_145 = arith.constant 16 : index
        %swap3A_146 = tpu.vector_load %arg17[%swap3A_144, %swap3A_145] {strides = array<i32>} : memref<64x256xf32, #tpu.memory_space<vmem>>, vector<1x16xf32>,
        %swap3A_147 = vector.shape_cast %swap3A_146 : vector<1x16xf32> to vector<16xf32>
        %swap3A_148 = vector.shape_cast %add3A_143 : vector<16xf32> to vector<1x16xf32>
        tpu.vector_store %arg17[%swap3A_144, %swap3A_145], %swap3A_148 {strides = array<i32>} : memref<64x256xf32, #tpu.memory_space<vmem>>, vector<1x16xf32>,
        %get3A_149 = arith.constant 0 : i32
        %get3A_150 = arith.index_cast %get3A_149 : i32 to index
        %get3A_151 = arith.index_cast %scan3A_72 : i32 to index
        %get3A_152 = arith.constant 32 : index
        %get3A_153 = tpu.vector_load %arg16[%get3A_150, %get3A_151, %get3A_152] {strides = array<i32>} : memref<3x64x256xf32, #tpu.memory_space<vmem>>, vector<1x1x16xf32>,
        %get3A_154 = vector.shape_cast %get3A_153 : vector<1x1x16xf32> to vector<16xf32>
        %mul3A_155 = vector.broadcast %squeeze3A : f32 to vector<16xf32>
        %mul3A_156 = arith.mulf %mul3A_155, %get3A_154 : vector<16xf32>
        %get3A_157 = arith.constant 1 : i32
        %get3A_158 = arith.index_cast %get3A_157 : i32 to index
        %get3A_159 = arith.index_cast %scan3A_72 : i32 to index
        %get3A_160 = arith.constant 32 : index
        %get3A_161 = tpu.vector_load %arg16[%get3A_158, %get3A_159, %get3A_160] {strides = array<i32>} : memref<3x64x256xf32, #tpu.memory_space<vmem>>, vector<1x1x16xf32>,
        %get3A_162 = vector.shape_cast %get3A_161 : vector<1x1x16xf32> to vector<16xf32>
        %mul3A_163 = vector.broadcast %squeeze3A_81 : f32 to vector<16xf32>
        %mul3A_164 = arith.mulf %mul3A_163, %get3A_162 : vector<16xf32>
        %add3A_165 = arith.addf %mul3A_156, %mul3A_164 : vector<16xf32>
        %get3A_166 = arith.constant 2 : i32
        %get3A_167 = arith.index_cast %get3A_166 : i32 to index
        %get3A_168 = arith.index_cast %scan3A_72 : i32 to index
        %get3A_169 = arith.constant 32 : index
        %get3A_170 = tpu.vector_load %arg16[%get3A_167, %get3A_168, %get3A_169] {strides = array<i32>} : memref<3x64x256xf32, #tpu.memory_space<vmem>>, vector<1x1x16xf32>,
        %get3A_171 = vector.shape_cast %get3A_170 : vector<1x1x16xf32> to vector<16xf32>
        %mul3A_172 = vector.broadcast %squeeze3A_87 : f32 to vector<16xf32>
        %mul3A_173 = arith.mulf %mul3A_172, %get3A_171 : vector<16xf32>
        %add3A_174 = arith.addf %add3A_165, %mul3A_173 : vector<16xf32>
        %swap3A_175 = arith.index_cast %scan3A_72 : i32 to index
        %swap3A_176 = arith.constant 32 : index
        %swap3A_177 = tpu.vector_load %arg17[%swap3A_175, %swap3A_176] {strides = array<i32>} : memref<64x256xf32, #tpu.memory_space<vmem>>, vector<1x16xf32>,
        %swap3A_178 = vector.shape_cast %swap3A_177 : vector<1x16xf32> to vector<16xf32>
        %swap3A_179 = vector.shape_cast %add3A_174 : vector<16xf32> to vector<1x16xf32>
        tpu.vector_store %arg17[%swap3A_175, %swap3A_176], %swap3A_179 {strides = array<i32>} : memref<64x256xf32, #tpu.memory_space<vmem>>, vector<1x16xf32>,
        %get3A_180 = arith.constant 0 : i32
        %get3A_181 = arith.index_cast %get3A_180 : i32 to index
        %get3A_182 = arith.index_cast %scan3A_72 : i32 to index
        %get3A_183 = arith.constant 48 : index
        %get3A_184 = tpu.vector_load %arg16[%get3A_181, %get3A_182, %get3A_183] {strides = array<i32>} : memref<3x64x256xf32, #tpu.memory_space<vmem>>, vector<1x1x16xf32>,
        %get3A_185 = vector.shape_cast %get3A_184 : vector<1x1x16xf32> to vector<16xf32>
        %mul3A_186 = vector.broadcast %squeeze3A : f32 to vector<16xf32>
        %mul3A_187 = arith.mulf %mul3A_186, %get3A_185 : vector<16xf32>
        %get3A_188 = arith.constant 1 : i32
        %get3A_189 = arith.index_cast %get3A_188 : i32 to index
        %get3A_190 = arith.index_cast %scan3A_72 : i32 to index
        %get3A_191 = arith.constant 48 : index
        %get3A_192 = tpu.vector_load %arg16[%get3A_189, %get3A_190, %get3A_191] {strides = array<i32>} : memref<3x64x256xf32, #tpu.memory_space<vmem>>, vector<1x1x16xf32>,
        %get3A_193 = vector.shape_cast %get3A_192 : vector<1x1x16xf32> to vector<16xf32>
        %mul3A_194 = vector.broadcast %squeeze3A_81 : f32 to vector<16xf32>
        %mul3A_195 = arith.mulf %mul3A_194, %get3A_193 : vector<16xf32>
        %add3A_196 = arith.addf %mul3A_187, %mul3A_195 : vector<16xf32>
        %get3A_197 = arith.constant 2 : i32
        %get3A_198 = arith.index_cast %get3A_197 : i32 to index
        %get3A_199 = arith.index_cast %scan3A_72 : i32 to index
        %get3A_200 = arith.constant 48 : index
        %get3A_201 = tpu.vector_load %arg16[%get3A_198, %get3A_199, %get3A_200] {strides = array<i32>} : memref<3x64x256xf32, #tpu.memory_space<vmem>>, vector<1x1x16xf32>,
        %get3A_202 = vector.shape_cast %get3A_201 : vector<1x1x16xf32> to vector<16xf32>
        %mul3A_203 = vector.broadcast %squeeze3A_87 : f32 to vector<16xf32>
        %mul3A_204 = arith.mulf %mul3A_203, %get3A_202 : vector<16xf32>
        %add3A_205 = arith.addf %add3A_196, %mul3A_204 : vector<16xf32>
        %swap3A_206 = arith.index_cast %scan3A_72 : i32 to index
        %swap3A_207 = arith.constant 48 : index
        %swap3A_208 = tpu.vector_load %arg17[%swap3A_206, %swap3A_207] {strides = array<i32>} : memref<64x256xf32, #tpu.memory_space<vmem>>, vector<1x16xf32>,
        %swap3A_209 = vector.shape_cast %swap3A_208 : vector<1x16xf32> to vector<16xf32>
        %swap3A_210 = vector.shape_cast %add3A_205 : vector<16xf32> to vector<1x16xf32>
        tpu.vector_store %arg17[%swap3A_206, %swap3A_207], %swap3A_210 {strides = array<i32>} : memref<64x256xf32, #tpu.memory_space<vmem>>, vector<1x16xf32>,
        %get3A_211 = arith.constant 0 : i32
        %get3A_212 = arith.index_cast %get3A_211 : i32 to index
        %get3A_213 = arith.index_cast %scan3A_72 : i32 to index
        %get3A_214 = arith.constant 64 : index
        %get3A_215 = tpu.vector_load %arg16[%get3A_212, %get3A_213, %get3A_214] {strides = array<i32>} : memref<3x64x256xf32, #tpu.memory_space<vmem>>, vector<1x1x16xf32>,
        %get3A_216 = vector.shape_cast %get3A_215 : vector<1x1x16xf32> to vector<16xf32>
        %mul3A_217 = vector.broadcast %squeeze3A : f32 to vector<16xf32>
        %mul3A_218 = arith.mulf %mul3A_217, %get3A_216 : vector<16xf32>
        %get3A_219 = arith.constant 1 : i32
        %get3A_220 = arith.index_cast %get3A_219 : i32 to index
        %get3A_221 = arith.index_cast %scan3A_72 : i32 to index
        %get3A_222 = arith.constant 64 : index
        %get3A_223 = tpu.vector_load %arg16[%get3A_220, %get3A_221, %get3A_222] {strides = array<i32>} : memref<3x64x256xf32, #tpu.memory_space<vmem>>, vector<1x1x16xf32>,
        %get3A_224 = vector.shape_cast %get3A_223 : vector<1x1x16xf32> to vector<16xf32>
        %mul3A_225 = vector.broadcast %squeeze3A_81 : f32 to vector<16xf32>
        %mul3A_226 = arith.mulf %mul3A_225, %get3A_224 : vector<16xf32>
        %add3A_227 = arith.addf %mul3A_218, %mul3A_226 : vector<16xf32>
        %get3A_228 = arith.constant 2 : i32
        %get3A_229 = arith.index_cast %get3A_228 : i32 to index
        %get3A_230 = arith.index_cast %scan3A_72 : i32 to index
        %get3A_231 = arith.constant 64 : index
        %get3A_232 = tpu.vector_load %arg16[%get3A_229, %get3A_230, %get3A_231] {strides = array<i32>} : memref<3x64x256xf32, #tpu.memory_space<vmem>>, vector<1x1x16xf32>,
        %get3A_233 = vector.shape_cast %get3A_232 : vector<1x1x16xf32> to vector<16xf32>
        %mul3A_234 = vector.broadcast %squeeze3A_87 : f32 to vector<16xf32>
        %mul3A_235 = arith.mulf %mul3A_234, %get3A_233 : vector<16xf32>
        %add3A_236 = arith.addf %add3A_227, %mul3A_235 : vector<16xf32>
        %swap3A_237 = arith.index_cast %scan3A_72 : i32 to index
        %swap3A_238 = arith.constant 64 : index
        %swap3A_239 = tpu.vector_load %arg17[%swap3A_237, %swap3A_238] {strides = array<i32>} : memref<64x256xf32, #tpu.memory_space<vmem>>, vector<1x16xf32>,
        %swap3A_240 = vector.shape_cast %swap3A_239 : vector<1x16xf32> to vector<16xf32>
        %swap3A_241 = vector.shape_cast %add3A_236 : vector<16xf32> to vector<1x16xf32>
        tpu.vector_store %arg17[%swap3A_237, %swap3A_238], %swap3A_241 {strides = array<i32>} : memref<64x256xf32, #tpu.memory_space<vmem>>, vector<1x16xf32>,
        %get3A_242 = arith.constant 0 : i32
        %get3A_243 = arith.index_cast %get3A_242 : i32 to index
        %get3A_244 = arith.index_cast %scan3A_72 : i32 to index
        %get3A_245 = arith.constant 80 : index
        %get3A_246 = tpu.vector_load %arg16[%get3A_243, %get3A_244, %get3A_245] {strides = array<i32>} : memref<3x64x256xf32, #tpu.memory_space<vmem>>, vector<1x1x16xf32>,
        %get3A_247 = vector.shape_cast %get3A_246 : vector<1x1x16xf32> to vector<16xf32>
        %mul3A_248 = vector.broadcast %squeeze3A : f32 to vector<16xf32>
        %mul3A_249 = arith.mulf %mul3A_248, %get3A_247 : vector<16xf32>
        %get3A_250 = arith.constant 1 : i32
        %get3A_251 = arith.index_cast %get3A_250 : i32 to index
        %get3A_252 = arith.index_cast %scan3A_72 : i32 to index
        %get3A_253 = arith.constant 80 : index
        %get3A_254 = tpu.vector_load %arg16[%get3A_251, %get3A_252, %get3A_253] {strides = array<i32>} : memref<3x64x256xf32, #tpu.memory_space<vmem>>, vector<1x1x16xf32>,
        %get3A_255 = vector.shape_cast %get3A_254 : vector<1x1x16xf32> to vector<16xf32>
        %mul3A_256 = vector.broadcast %squeeze3A_81 : f32 to vector<16xf32>
        %mul3A_257 = arith.mulf %mul3A_256, %get3A_255 : vector<16xf32>
        %add3A_258 = arith.addf %mul3A_249, %mul3A_257 : vector<16xf32>
        %get3A_259 = arith.constant 2 : i32
        %get3A_260 = arith.index_cast %get3A_259 : i32 to index
        %get3A_261 = arith.index_cast %scan3A_72 : i32 to index
        %get3A_262 = arith.constant 80 : index
        %get3A_263 = tpu.vector_load %arg16[%get3A_260, %get3A_261, %get3A_262] {strides = array<i32>} : memref<3x64x256xf32, #tpu.memory_space<vmem>>, vector<1x1x16xf32>,
        %get3A_264 = vector.shape_cast %get3A_263 : vector<1x1x16xf32> to vector<16xf32>
        %mul3A_265 = vector.broadcast %squeeze3A_87 : f32 to vector<16xf32>
        %mul3A_266 = arith.mulf %mul3A_265, %get3A_264 : vector<16xf32>
        %add3A_267 = arith.addf %add3A_258, %mul3A_266 : vector<16xf32>
        %swap3A_268 = arith.index_cast %scan3A_72 : i32 to index
        %swap3A_269 = arith.constant 80 : index
        %swap3A_270 = tpu.vector_load %arg17[%swap3A_268, %swap3A_269] {strides = array<i32>} : memref<64x256xf32, #tpu.memory_space<vmem>>, vector<1x16xf32>,
        %swap3A_271 = vector.shape_cast %swap3A_270 : vector<1x16xf32> to vector<16xf32>
        %swap3A_272 = vector.shape_cast %add3A_267 : vector<16xf32> to vector<1x16xf32>
        tpu.vector_store %arg17[%swap3A_268, %swap3A_269], %swap3A_272 {strides = array<i32>} : memref<64x256xf32, #tpu.memory_space<vmem>>, vector<1x16xf32>,
        %get3A_273 = arith.constant 0 : i32
        %get3A_274 = arith.index_cast %get3A_273 : i32 to index
        %get3A_275 = arith.index_cast %scan3A_72 : i32 to index
        %get3A_276 = arith.constant 96 : index
        %get3A_277 = tpu.vector_load %arg16[%get3A_274, %get3A_275, %get3A_276] {strides = array<i32>} : memref<3x64x256xf32, #tpu.memory_space<vmem>>, vector<1x1x16xf32>,
        %get3A_278 = vector.shape_cast %get3A_277 : vector<1x1x16xf32> to vector<16xf32>
        %mul3A_279 = vector.broadcast %squeeze3A : f32 to vector<16xf32>
        %mul3A_280 = arith.mulf %mul3A_279, %get3A_278 : vector<16xf32>
        %get3A_281 = arith.constant 1 : i32
        %get3A_282 = arith.index_cast %get3A_281 : i32 to index
        %get3A_283 = arith.index_cast %scan3A_72 : i32 to index
        %get3A_284 = arith.constant 96 : index
        %get3A_285 = tpu.vector_load %arg16[%get3A_282, %get3A_283, %get3A_284] {strides = array<i32>} : memref<3x64x256xf32, #tpu.memory_space<vmem>>, vector<1x1x16xf32>,
        %get3A_286 = vector.shape_cast %get3A_285 : vector<1x1x16xf32> to vector<16xf32>
        %mul3A_287 = vector.broadcast %squeeze3A_81 : f32 to vector<16xf32>
        %mul3A_288 = arith.mulf %mul3A_287, %get3A_286 : vector<16xf32>
        %add3A_289 = arith.addf %mul3A_280, %mul3A_288 : vector<16xf32>
        %get3A_290 = arith.constant 2 : i32
        %get3A_291 = arith.index_cast %get3A_290 : i32 to index
        %get3A_292 = arith.index_cast %scan3A_72 : i32 to index
        %get3A_293 = arith.constant 96 : index
        %get3A_294 = tpu.vector_load %arg16[%get3A_291, %get3A_292, %get3A_293] {strides = array<i32>} : memref<3x64x256xf32, #tpu.memory_space<vmem>>, vector<1x1x16xf32>,
        %get3A_295 = vector.shape_cast %get3A_294 : vector<1x1x16xf32> to vector<16xf32>
        %mul3A_296 = vector.broadcast %squeeze3A_87 : f32 to vector<16xf32>
        %mul3A_297 = arith.mulf %mul3A_296, %get3A_295 : vector<16xf32>
        %add3A_298 = arith.addf %add3A_289, %mul3A_297 : vector<16xf32>
        %swap3A_299 = arith.index_cast %scan3A_72 : i32 to index
        %swap3A_300 = arith.constant 96 : index
        %swap3A_301 = tpu.vector_load %arg17[%swap3A_299, %swap3A_300] {strides = array<i32>} : memref<64x256xf32, #tpu.memory_space<vmem>>, vector<1x16xf32>,
        %swap3A_302 = vector.shape_cast %swap3A_301 : vector<1x16xf32> to vector<16xf32>
        %swap3A_303 = vector.shape_cast %add3A_298 : vector<16xf32> to vector<1x16xf32>
        tpu.vector_store %arg17[%swap3A_299, %swap3A_300], %swap3A_303 {strides = array<i32>} : memref<64x256xf32, #tpu.memory_space<vmem>>, vector<1x16xf32>,
        %get3A_304 = arith.constant 0 : i32
        %get3A_305 = arith.index_cast %get3A_304 : i32 to index
        %get3A_306 = arith.index_cast %scan3A_72 : i32 to index
        %get3A_307 = arith.constant 112 : index
        %get3A_308 = tpu.vector_load %arg16[%get3A_305, %get3A_306, %get3A_307] {strides = array<i32>} : memref<3x64x256xf32, #tpu.memory_space<vmem>>, vector<1x1x16xf32>,
        %get3A_309 = vector.shape_cast %get3A_308 : vector<1x1x16xf32> to vector<16xf32>
        %mul3A_310 = vector.broadcast %squeeze3A : f32 to vector<16xf32>
        %mul3A_311 = arith.mulf %mul3A_310, %get3A_309 : vector<16xf32>
        %get3A_312 = arith.constant 1 : i32
        %get3A_313 = arith.index_cast %get3A_312 : i32 to index
        %get3A_314 = arith.index_cast %scan3A_72 : i32 to index
        %get3A_315 = arith.constant 112 : index
        %get3A_316 = tpu.vector_load %arg16[%get3A_313, %get3A_314, %get3A_315] {strides = array<i32>} : memref<3x64x256xf32, #tpu.memory_space<vmem>>, vector<1x1x16xf32>,
        %get3A_317 = vector.shape_cast %get3A_316 : vector<1x1x16xf32> to vector<16xf32>
        %mul3A_318 = vector.broadcast %squeeze3A_81 : f32 to vector<16xf32>
        %mul3A_319 = arith.mulf %mul3A_318, %get3A_317 : vector<16xf32>
        %add3A_320 = arith.addf %mul3A_311, %mul3A_319 : vector<16xf32>
        %get3A_321 = arith.constant 2 : i32
        %get3A_322 = arith.index_cast %get3A_321 : i32 to index
        %get3A_323 = arith.index_cast %scan3A_72 : i32 to index
        %get3A_324 = arith.constant 112 : index
        %get3A_325 = tpu.vector_load %arg16[%get3A_322, %get3A_323, %get3A_324] {strides = array<i32>} : memref<3x64x256xf32, #tpu.memory_space<vmem>>, vector<1x1x16xf32>,
        %get3A_326 = vector.shape_cast %get3A_325 : vector<1x1x16xf32> to vector<16xf32>
        %mul3A_327 = vector.broadcast %squeeze3A_87 : f32 to vector<16xf32>
        %mul3A_328 = arith.mulf %mul3A_327, %get3A_326 : vector<16xf32>
        %add3A_329 = arith.addf %add3A_320, %mul3A_328 : vector<16xf32>
        %swap3A_330 = arith.index_cast %scan3A_72 : i32 to index
        %swap3A_331 = arith.constant 112 : index
        %swap3A_332 = tpu.vector_load %arg17[%swap3A_330, %swap3A_331] {strides = array<i32>} : memref<64x256xf32, #tpu.memory_space<vmem>>, vector<1x16xf32>,
        %swap3A_333 = vector.shape_cast %swap3A_332 : vector<1x16xf32> to vector<16xf32>
        %swap3A_334 = vector.shape_cast %add3A_329 : vector<16xf32> to vector<1x16xf32>
        tpu.vector_store %arg17[%swap3A_330, %swap3A_331], %swap3A_334 {strides = array<i32>} : memref<64x256xf32, #tpu.memory_space<vmem>>, vector<1x16xf32>,
        %get3A_335 = arith.constant 0 : i32
        %get3A_336 = arith.index_cast %get3A_335 : i32 to index
        %get3A_337 = arith.index_cast %scan3A_72 : i32 to index
        %get3A_338 = arith.constant 128 : index
        %get3A_339 = tpu.vector_load %arg16[%get3A_336, %get3A_337, %get3A_338] {strides = array<i32>} : memref<3x64x256xf32, #tpu.memory_space<vmem>>, vector<1x1x16xf32>,
        %get3A_340 = vector.shape_cast %get3A_339 : vector<1x1x16xf32> to vector<16xf32>
        %mul3A_341 = vector.broadcast %squeeze3A : f32 to vector<16xf32>
        %mul3A_342 = arith.mulf %mul3A_341, %get3A_340 : vector<16xf32>
        %get3A_343 = arith.constant 1 : i32
        %get3A_344 = arith.index_cast %get3A_343 : i32 to index
        %get3A_345 = arith.index_cast %scan3A_72 : i32 to index
        %get3A_346 = arith.constant 128 : index
        %get3A_347 = tpu.vector_load %arg16[%get3A_344, %get3A_345, %get3A_346] {strides = array<i32>} : memref<3x64x256xf32, #tpu.memory_space<vmem>>, vector<1x1x16xf32>,
        %get3A_348 = vector.shape_cast %get3A_347 : vector<1x1x16xf32> to vector<16xf32>
        %mul3A_349 = vector.broadcast %squeeze3A_81 : f32 to vector<16xf32>
        %mul3A_350 = arith.mulf %mul3A_349, %get3A_348 : vector<16xf32>
        %add3A_351 = arith.addf %mul3A_342, %mul3A_350 : vector<16xf32>
        %get3A_352 = arith.constant 2 : i32
        %get3A_353 = arith.index_cast %get3A_352 : i32 to index
        %get3A_354 = arith.index_cast %scan3A_72 : i32 to index
        %get3A_355 = arith.constant 128 : index
        %get3A_356 = tpu.vector_load %arg16[%get3A_353, %get3A_354, %get3A_355] {strides = array<i32>} : memref<3x64x256xf32, #tpu.memory_space<vmem>>, vector<1x1x16xf32>,
        %get3A_357 = vector.shape_cast %get3A_356 : vector<1x1x16xf32> to vector<16xf32>
        %mul3A_358 = vector.broadcast %squeeze3A_87 : f32 to vector<16xf32>
        %mul3A_359 = arith.mulf %mul3A_358, %get3A_357 : vector<16xf32>
        %add3A_360 = arith.addf %add3A_351, %mul3A_359 : vector<16xf32>
        %swap3A_361 = arith.index_cast %scan3A_72 : i32 to index
        %swap3A_362 = arith.constant 128 : index
        %swap3A_363 = tpu.vector_load %arg17[%swap3A_361, %swap3A_362] {strides = array<i32>} : memref<64x256xf32, #tpu.memory_space<vmem>>, vector<1x16xf32>,
        %swap3A_364 = vector.shape_cast %swap3A_363 : vector<1x16xf32> to vector<16xf32>
        %swap3A_365 = vector.shape_cast %add3A_360 : vector<16xf32> to vector<1x16xf32>
        tpu.vector_store %arg17[%swap3A_361, %swap3A_362], %swap3A_365 {strides = array<i32>} : memref<64x256xf32, #tpu.memory_space<vmem>>, vector<1x16xf32>,
        %get3A_366 = arith.constant 0 : i32
        %get3A_367 = arith.index_cast %get3A_366 : i32 to index
        %get3A_368 = arith.index_cast %scan3A_72 : i32 to index
        %get3A_369 = arith.constant 144 : index
        %get3A_370 = tpu.vector_load %arg16[%get3A_367, %get3A_368, %get3A_369] {strides = array<i32>} : memref<3x64x256xf32, #tpu.memory_space<vmem>>, vector<1x1x16xf32>,
        %get3A_371 = vector.shape_cast %get3A_370 : vector<1x1x16xf32> to vector<16xf32>
        %mul3A_372 = vector.broadcast %squeeze3A : f32 to vector<16xf32>
        %mul3A_373 = arith.mulf %mul3A_372, %get3A_371 : vector<16xf32>
        %get3A_374 = arith.constant 1 : i32
        %get3A_375 = arith.index_cast %get3A_374 : i32 to index
        %get3A_376 = arith.index_cast %scan3A_72 : i32 to index
        %get3A_377 = arith.constant 144 : index
        %get3A_378 = tpu.vector_load %arg16[%get3A_375, %get3A_376, %get3A_377] {strides = array<i32>} : memref<3x64x256xf32, #tpu.memory_space<vmem>>, vector<1x1x16xf32>,
        %get3A_379 = vector.shape_cast %get3A_378 : vector<1x1x16xf32> to vector<16xf32>
        %mul3A_380 = vector.broadcast %squeeze3A_81 : f32 to vector<16xf32>
        %mul3A_381 = arith.mulf %mul3A_380, %get3A_379 : vector<16xf32>
        %add3A_382 = arith.addf %mul3A_373, %mul3A_381 : vector<16xf32>
        %get3A_383 = arith.constant 2 : i32
        %get3A_384 = arith.index_cast %get3A_383 : i32 to index
        %get3A_385 = arith.index_cast %scan3A_72 : i32 to index
        %get3A_386 = arith.constant 144 : index
        %get3A_387 = tpu.vector_load %arg16[%get3A_384, %get3A_385, %get3A_386] {strides = array<i32>} : memref<3x64x256xf32, #tpu.memory_space<vmem>>, vector<1x1x16xf32>,
        %get3A_388 = vector.shape_cast %get3A_387 : vector<1x1x16xf32> to vector<16xf32>
        %mul3A_389 = vector.broadcast %squeeze3A_87 : f32 to vector<16xf32>
        %mul3A_390 = arith.mulf %mul3A_389, %get3A_388 : vector<16xf32>
        %add3A_391 = arith.addf %add3A_382, %mul3A_390 : vector<16xf32>
        %swap3A_392 = arith.index_cast %scan3A_72 : i32 to index
        %swap3A_393 = arith.constant 144 : index
        %swap3A_394 = tpu.vector_load %arg17[%swap3A_392, %swap3A_393] {strides = array<i32>} : memref<64x256xf32, #tpu.memory_space<vmem>>, vector<1x16xf32>,
        %swap3A_395 = vector.shape_cast %swap3A_394 : vector<1x16xf32> to vector<16xf32>
        %swap3A_396 = vector.shape_cast %add3A_391 : vector<16xf32> to vector<1x16xf32>
        tpu.vector_store %arg17[%swap3A_392, %swap3A_393], %swap3A_396 {strides = array<i32>} : memref<64x256xf32, #tpu.memory_space<vmem>>, vector<1x16xf32>,
        %get3A_397 = arith.constant 0 : i32
        %get3A_398 = arith.index_cast %get3A_397 : i32 to index
        %get3A_399 = arith.index_cast %scan3A_72 : i32 to index
        %get3A_400 = arith.constant 160 : index
        %get3A_401 = tpu.vector_load %arg16[%get3A_398, %get3A_399, %get3A_400] {strides = array<i32>} : memref<3x64x256xf32, #tpu.memory_space<vmem>>, vector<1x1x16xf32>,
        %get3A_402 = vector.shape_cast %get3A_401 : vector<1x1x16xf32> to vector<16xf32>
        %mul3A_403 = vector.broadcast %squeeze3A : f32 to vector<16xf32>
        %mul3A_404 = arith.mulf %mul3A_403, %get3A_402 : vector<16xf32>
        %get3A_405 = arith.constant 1 : i32
        %get3A_406 = arith.index_cast %get3A_405 : i32 to index
        %get3A_407 = arith.index_cast %scan3A_72 : i32 to index
        %get3A_408 = arith.constant 160 : index
        %get3A_409 = tpu.vector_load %arg16[%get3A_406, %get3A_407, %get3A_408] {strides = array<i32>} : memref<3x64x256xf32, #tpu.memory_space<vmem>>, vector<1x1x16xf32>,
        %get3A_410 = vector.shape_cast %get3A_409 : vector<1x1x16xf32> to vector<16xf32>
        %mul3A_411 = vector.broadcast %squeeze3A_81 : f32 to vector<16xf32>
        %mul3A_412 = arith.mulf %mul3A_411, %get3A_410 : vector<16xf32>
        %add3A_413 = arith.addf %mul3A_404, %mul3A_412 : vector<16xf32>
        %get3A_414 = arith.constant 2 : i32
        %get3A_415 = arith.index_cast %get3A_414 : i32 to index
        %get3A_416 = arith.index_cast %scan3A_72 : i32 to index
        %get3A_417 = arith.constant 160 : index
        %get3A_418 = tpu.vector_load %arg16[%get3A_415, %get3A_416, %get3A_417] {strides = array<i32>} : memref<3x64x256xf32, #tpu.memory_space<vmem>>, vector<1x1x16xf32>,
        %get3A_419 = vector.shape_cast %get3A_418 : vector<1x1x16xf32> to vector<16xf32>
        %mul3A_420 = vector.broadcast %squeeze3A_87 : f32 to vector<16xf32>
        %mul3A_421 = arith.mulf %mul3A_420, %get3A_419 : vector<16xf32>
        %add3A_422 = arith.addf %add3A_413, %mul3A_421 : vector<16xf32>
        %swap3A_423 = arith.index_cast %scan3A_72 : i32 to index
        %swap3A_424 = arith.constant 160 : index
        %swap3A_425 = tpu.vector_load %arg17[%swap3A_423, %swap3A_424] {strides = array<i32>} : memref<64x256xf32, #tpu.memory_space<vmem>>, vector<1x16xf32>,
        %swap3A_426 = vector.shape_cast %swap3A_425 : vector<1x16xf32> to vector<16xf32>
        %swap3A_427 = vector.shape_cast %add3A_422 : vector<16xf32> to vector<1x16xf32>
        tpu.vector_store %arg17[%swap3A_423, %swap3A_424], %swap3A_427 {strides = array<i32>} : memref<64x256xf32, #tpu.memory_space<vmem>>, vector<1x16xf32>,
        %get3A_428 = arith.constant 0 : i32
        %get3A_429 = arith.index_cast %get3A_428 : i32 to index
        %get3A_430 = arith.index_cast %scan3A_72 : i32 to index
        %get3A_431 = arith.constant 176 : index
        %get3A_432 = tpu.vector_load %arg16[%get3A_429, %get3A_430, %get3A_431] {strides = array<i32>} : memref<3x64x256xf32, #tpu.memory_space<vmem>>, vector<1x1x16xf32>,
        %get3A_433 = vector.shape_cast %get3A_432 : vector<1x1x16xf32> to vector<16xf32>
        %mul3A_434 = vector.broadcast %squeeze3A : f32 to vector<16xf32>
        %mul3A_435 = arith.mulf %mul3A_434, %get3A_433 : vector<16xf32>
        %get3A_436 = arith.constant 1 : i32
        %get3A_437 = arith.index_cast %get3A_436 : i32 to index
        %get3A_438 = arith.index_cast %scan3A_72 : i32 to index
        %get3A_439 = arith.constant 176 : index
        %get3A_440 = tpu.vector_load %arg16[%get3A_437, %get3A_438, %get3A_439] {strides = array<i32>} : memref<3x64x256xf32, #tpu.memory_space<vmem>>, vector<1x1x16xf32>,
        %get3A_441 = vector.shape_cast %get3A_440 : vector<1x1x16xf32> to vector<16xf32>
        %mul3A_442 = vector.broadcast %squeeze3A_81 : f32 to vector<16xf32>
        %mul3A_443 = arith.mulf %mul3A_442, %get3A_441 : vector<16xf32>
        %add3A_444 = arith.addf %mul3A_435, %mul3A_443 : vector<16xf32>
        %get3A_445 = arith.constant 2 : i32
        %get3A_446 = arith.index_cast %get3A_445 : i32 to index
        %get3A_447 = arith.index_cast %scan3A_72 : i32 to index
        %get3A_448 = arith.constant 176 : index
        %get3A_449 = tpu.vector_load %arg16[%get3A_446, %get3A_447, %get3A_448] {strides = array<i32>} : memref<3x64x256xf32, #tpu.memory_space<vmem>>, vector<1x1x16xf32>,
        %get3A_450 = vector.shape_cast %get3A_449 : vector<1x1x16xf32> to vector<16xf32>
        %mul3A_451 = vector.broadcast %squeeze3A_87 : f32 to vector<16xf32>
        %mul3A_452 = arith.mulf %mul3A_451, %get3A_450 : vector<16xf32>
        %add3A_453 = arith.addf %add3A_444, %mul3A_452 : vector<16xf32>
        %swap3A_454 = arith.index_cast %scan3A_72 : i32 to index
        %swap3A_455 = arith.constant 176 : index
        %swap3A_456 = tpu.vector_load %arg17[%swap3A_454, %swap3A_455] {strides = array<i32>} : memref<64x256xf32, #tpu.memory_space<vmem>>, vector<1x16xf32>,
        %swap3A_457 = vector.shape_cast %swap3A_456 : vector<1x16xf32> to vector<16xf32>
        %swap3A_458 = vector.shape_cast %add3A_453 : vector<16xf32> to vector<1x16xf32>
        tpu.vector_store %arg17[%swap3A_454, %swap3A_455], %swap3A_458 {strides = array<i32>} : memref<64x256xf32, #tpu.memory_space<vmem>>, vector<1x16xf32>,
        %get3A_459 = arith.constant 0 : i32
        %get3A_460 = arith.index_cast %get3A_459 : i32 to index
        %get3A_461 = arith.index_cast %scan3A_72 : i32 to index
        %get3A_462 = arith.constant 192 : index
        %get3A_463 = tpu.vector_load %arg16[%get3A_460, %get3A_461, %get3A_462] {strides = array<i32>} : memref<3x64x256xf32, #tpu.memory_space<vmem>>, vector<1x1x16xf32>,
        %get3A_464 = vector.shape_cast %get3A_463 : vector<1x1x16xf32> to vector<16xf32>
        %mul3A_465 = vector.broadcast %squeeze3A : f32 to vector<16xf32>
        %mul3A_466 = arith.mulf %mul3A_465, %get3A_464 : vector<16xf32>
        %get3A_467 = arith.constant 1 : i32
        %get3A_468 = arith.index_cast %get3A_467 : i32 to index
        %get3A_469 = arith.index_cast %scan3A_72 : i32 to index
        %get3A_470 = arith.constant 192 : index
        %get3A_471 = tpu.vector_load %arg16[%get3A_468, %get3A_469, %get3A_470] {strides = array<i32>} : memref<3x64x256xf32, #tpu.memory_space<vmem>>, vector<1x1x16xf32>,
        %get3A_472 = vector.shape_cast %get3A_471 : vector<1x1x16xf32> to vector<16xf32>
        %mul3A_473 = vector.broadcast %squeeze3A_81 : f32 to vector<16xf32>
        %mul3A_474 = arith.mulf %mul3A_473, %get3A_472 : vector<16xf32>
        %add3A_475 = arith.addf %mul3A_466, %mul3A_474 : vector<16xf32>
        %get3A_476 = arith.constant 2 : i32
        %get3A_477 = arith.index_cast %get3A_476 : i32 to index
        %get3A_478 = arith.index_cast %scan3A_72 : i32 to index
        %get3A_479 = arith.constant 192 : index
        %get3A_480 = tpu.vector_load %arg16[%get3A_477, %get3A_478, %get3A_479] {strides = array<i32>} : memref<3x64x256xf32, #tpu.memory_space<vmem>>, vector<1x1x16xf32>,
        %get3A_481 = vector.shape_cast %get3A_480 : vector<1x1x16xf32> to vector<16xf32>
        %mul3A_482 = vector.broadcast %squeeze3A_87 : f32 to vector<16xf32>
        %mul3A_483 = arith.mulf %mul3A_482, %get3A_481 : vector<16xf32>
        %add3A_484 = arith.addf %add3A_475, %mul3A_483 : vector<16xf32>
        %swap3A_485 = arith.index_cast %scan3A_72 : i32 to index
        %swap3A_486 = arith.constant 192 : index
        %swap3A_487 = tpu.vector_load %arg17[%swap3A_485, %swap3A_486] {strides = array<i32>} : memref<64x256xf32, #tpu.memory_space<vmem>>, vector<1x16xf32>,
        %swap3A_488 = vector.shape_cast %swap3A_487 : vector<1x16xf32> to vector<16xf32>
        %swap3A_489 = vector.shape_cast %add3A_484 : vector<16xf32> to vector<1x16xf32>
        tpu.vector_store %arg17[%swap3A_485, %swap3A_486], %swap3A_489 {strides = array<i32>} : memref<64x256xf32, #tpu.memory_space<vmem>>, vector<1x16xf32>,
        %get3A_490 = arith.constant 0 : i32
        %get3A_491 = arith.index_cast %get3A_490 : i32 to index
        %get3A_492 = arith.index_cast %scan3A_72 : i32 to index
        %get3A_493 = arith.constant 208 : index
        %get3A_494 = tpu.vector_load %arg16[%get3A_491, %get3A_492, %get3A_493] {strides = array<i32>} : memref<3x64x256xf32, #tpu.memory_space<vmem>>, vector<1x1x16xf32>,
        %get3A_495 = vector.shape_cast %get3A_494 : vector<1x1x16xf32> to vector<16xf32>
        %mul3A_496 = vector.broadcast %squeeze3A : f32 to vector<16xf32>
        %mul3A_497 = arith.mulf %mul3A_496, %get3A_495 : vector<16xf32>
        %get3A_498 = arith.constant 1 : i32
        %get3A_499 = arith.index_cast %get3A_498 : i32 to index
        %get3A_500 = arith.index_cast %scan3A_72 : i32 to index
        %get3A_501 = arith.constant 208 : index
        %get3A_502 = tpu.vector_load %arg16[%get3A_499, %get3A_500, %get3A_501] {strides = array<i32>} : memref<3x64x256xf32, #tpu.memory_space<vmem>>, vector<1x1x16xf32>,
        %get3A_503 = vector.shape_cast %get3A_502 : vector<1x1x16xf32> to vector<16xf32>
        %mul3A_504 = vector.broadcast %squeeze3A_81 : f32 to vector<16xf32>
        %mul3A_505 = arith.mulf %mul3A_504, %get3A_503 : vector<16xf32>
        %add3A_506 = arith.addf %mul3A_497, %mul3A_505 : vector<16xf32>
        %get3A_507 = arith.constant 2 : i32
        %get3A_508 = arith.index_cast %get3A_507 : i32 to index
        %get3A_509 = arith.index_cast %scan3A_72 : i32 to index
        %get3A_510 = arith.constant 208 : index
        %get3A_511 = tpu.vector_load %arg16[%get3A_508, %get3A_509, %get3A_510] {strides = array<i32>} : memref<3x64x256xf32, #tpu.memory_space<vmem>>, vector<1x1x16xf32>,
        %get3A_512 = vector.shape_cast %get3A_511 : vector<1x1x16xf32> to vector<16xf32>
        %mul3A_513 = vector.broadcast %squeeze3A_87 : f32 to vector<16xf32>
        %mul3A_514 = arith.mulf %mul3A_513, %get3A_512 : vector<16xf32>
        %add3A_515 = arith.addf %add3A_506, %mul3A_514 : vector<16xf32>
        %swap3A_516 = arith.index_cast %scan3A_72 : i32 to index
        %swap3A_517 = arith.constant 208 : index
        %swap3A_518 = tpu.vector_load %arg17[%swap3A_516, %swap3A_517] {strides = array<i32>} : memref<64x256xf32, #tpu.memory_space<vmem>>, vector<1x16xf32>,
        %swap3A_519 = vector.shape_cast %swap3A_518 : vector<1x16xf32> to vector<16xf32>
        %swap3A_520 = vector.shape_cast %add3A_515 : vector<16xf32> to vector<1x16xf32>
        tpu.vector_store %arg17[%swap3A_516, %swap3A_517], %swap3A_520 {strides = array<i32>} : memref<64x256xf32, #tpu.memory_space<vmem>>, vector<1x16xf32>,
        %get3A_521 = arith.constant 0 : i32
        %get3A_522 = arith.index_cast %get3A_521 : i32 to index
        %get3A_523 = arith.index_cast %scan3A_72 : i32 to index
        %get3A_524 = arith.constant 224 : index
        %get3A_525 = tpu.vector_load %arg16[%get3A_522, %get3A_523, %get3A_524] {strides = array<i32>} : memref<3x64x256xf32, #tpu.memory_space<vmem>>, vector<1x1x16xf32>,
        %get3A_526 = vector.shape_cast %get3A_525 : vector<1x1x16xf32> to vector<16xf32>
        %mul3A_527 = vector.broadcast %squeeze3A : f32 to vector<16xf32>
        %mul3A_528 = arith.mulf %mul3A_527, %get3A_526 : vector<16xf32>
        %get3A_529 = arith.constant 1 : i32
        %get3A_530 = arith.index_cast %get3A_529 : i32 to index
        %get3A_531 = arith.index_cast %scan3A_72 : i32 to index
        %get3A_532 = arith.constant 224 : index
        %get3A_533 = tpu.vector_load %arg16[%get3A_530, %get3A_531, %get3A_532] {strides = array<i32>} : memref<3x64x256xf32, #tpu.memory_space<vmem>>, vector<1x1x16xf32>,
        %get3A_534 = vector.shape_cast %get3A_533 : vector<1x1x16xf32> to vector<16xf32>
        %mul3A_535 = vector.broadcast %squeeze3A_81 : f32 to vector<16xf32>
        %mul3A_536 = arith.mulf %mul3A_535, %get3A_534 : vector<16xf32>
        %add3A_537 = arith.addf %mul3A_528, %mul3A_536 : vector<16xf32>
        %get3A_538 = arith.constant 2 : i32
        %get3A_539 = arith.index_cast %get3A_538 : i32 to index
        %get3A_540 = arith.index_cast %scan3A_72 : i32 to index
        %get3A_541 = arith.constant 224 : index
        %get3A_542 = tpu.vector_load %arg16[%get3A_539, %get3A_540, %get3A_541] {strides = array<i32>} : memref<3x64x256xf32, #tpu.memory_space<vmem>>, vector<1x1x16xf32>,
        %get3A_543 = vector.shape_cast %get3A_542 : vector<1x1x16xf32> to vector<16xf32>
        %mul3A_544 = vector.broadcast %squeeze3A_87 : f32 to vector<16xf32>
        %mul3A_545 = arith.mulf %mul3A_544, %get3A_543 : vector<16xf32>
        %add3A_546 = arith.addf %add3A_537, %mul3A_545 : vector<16xf32>
        %swap3A_547 = arith.index_cast %scan3A_72 : i32 to index
        %swap3A_548 = arith.constant 224 : index
        %swap3A_549 = tpu.vector_load %arg17[%swap3A_547, %swap3A_548] {strides = array<i32>} : memref<64x256xf32, #tpu.memory_space<vmem>>, vector<1x16xf32>,
        %swap3A_550 = vector.shape_cast %swap3A_549 : vector<1x16xf32> to vector<16xf32>
        %swap3A_551 = vector.shape_cast %add3A_546 : vector<16xf32> to vector<1x16xf32>
        tpu.vector_store %arg17[%swap3A_547, %swap3A_548], %swap3A_551 {strides = array<i32>} : memref<64x256xf32, #tpu.memory_space<vmem>>, vector<1x16xf32>,
        %get3A_552 = arith.constant 0 : i32
        %get3A_553 = arith.index_cast %get3A_552 : i32 to index
        %get3A_554 = arith.index_cast %scan3A_72 : i32 to index
        %get3A_555 = arith.constant 240 : index
        %get3A_556 = tpu.vector_load %arg16[%get3A_553, %get3A_554, %get3A_555] {strides = array<i32>} : memref<3x64x256xf32, #tpu.memory_space<vmem>>, vector<1x1x16xf32>,
        %get3A_557 = vector.shape_cast %get3A_556 : vector<1x1x16xf32> to vector<16xf32>
        %mul3A_558 = vector.broadcast %squeeze3A : f32 to vector<16xf32>
        %mul3A_559 = arith.mulf %mul3A_558, %get3A_557 : vector<16xf32>
        %get3A_560 = arith.constant 1 : i32
        %get3A_561 = arith.index_cast %get3A_560 : i32 to index
        %get3A_562 = arith.index_cast %scan3A_72 : i32 to index
        %get3A_563 = arith.constant 240 : index
        %get3A_564 = tpu.vector_load %arg16[%get3A_561, %get3A_562, %get3A_563] {strides = array<i32>} : memref<3x64x256xf32, #tpu.memory_space<vmem>>, vector<1x1x16xf32>,
        %get3A_565 = vector.shape_cast %get3A_564 : vector<1x1x16xf32> to vector<16xf32>
        %mul3A_566 = vector.broadcast %squeeze3A_81 : f32 to vector<16xf32>
        %mul3A_567 = arith.mulf %mul3A_566, %get3A_565 : vector<16xf32>
        %add3A_568 = arith.addf %mul3A_559, %mul3A_567 : vector<16xf32>
        %get3A_569 = arith.constant 2 : i32
        %get3A_570 = arith.index_cast %get3A_569 : i32 to index
        %get3A_571 = arith.index_cast %scan3A_72 : i32 to index
        %get3A_572 = arith.constant 240 : index
        %get3A_573 = tpu.vector_load %arg16[%get3A_570, %get3A_571, %get3A_572] {strides = array<i32>} : memref<3x64x256xf32, #tpu.memory_space<vmem>>, vector<1x1x16xf32>,
        %get3A_574 = vector.shape_cast %get3A_573 : vector<1x1x16xf32> to vector<16xf32>
        %mul3A_575 = vector.broadcast %squeeze3A_87 : f32 to vector<16xf32>
        %mul3A_576 = arith.mulf %mul3A_575, %get3A_574 : vector<16xf32>
        %add3A_577 = arith.addf %add3A_568, %mul3A_576 : vector<16xf32>
        %swap3A_578 = arith.index_cast %scan3A_72 : i32 to index
        %swap3A_579 = arith.constant 240 : index
        %swap3A_580 = tpu.vector_load %arg17[%swap3A_578, %swap3A_579] {strides = array<i32>} : memref<64x256xf32, #tpu.memory_space<vmem>>, vector<1x16xf32>,
        %swap3A_581 = vector.shape_cast %swap3A_580 : vector<1x16xf32> to vector<16xf32>
        %swap3A_582 = vector.shape_cast %add3A_577 : vector<16xf32> to vector<1x16xf32>
        tpu.vector_store %arg17[%swap3A_578, %swap3A_579], %swap3A_582 {strides = array<i32>} : memref<64x256xf32, #tpu.memory_space<vmem>>, vector<1x16xf32>,
      }
      %scan3A_71 = arith.constant 64 : i32
      "tpu.region"() ({
        %run_scoped3A = tpu.sem_alloc : memref<!tpu.dma_semaphore, #tpu.memory_space<semaphore_mem>>
        %dma_start3A_72 = arith.constant 0 : i32
        %dma_start3A_73 = tpu.memref_slice %arg9[%add3A_11, %dma_start3A_72] : memref<16384x256xf32, #tpu.memory_space<hbm>> -> memref<64x256xf32, #tpu.memory_space<hbm>>
        %dma_start3A_74 = arith.constant 0 : i32
        %dma_start3A_75 = tpu.memref_slice %arg9[%add3A_11, %dma_start3A_74] : memref<16384x256xf32, #tpu.memory_space<hbm>> -> memref<64x256xf32, #tpu.memory_space<hbm>>
        tpu.enqueue_dma source(%arg17 : memref<64x256xf32, #tpu.memory_space<vmem>>) target(%dma_start3A_75 : memref<64x256xf32, #tpu.memory_space<hbm>>) target_semaphore(%run_scoped3A : memref<!tpu.dma_semaphore, #tpu.memory_space<semaphore_mem>>)
        %dma_wait3A_76 = arith.constant 0 : i32
        %dma_wait3A_77 = tpu.memref_slice %arg9[%add3A_11, %dma_wait3A_76] : memref<16384x256xf32, #tpu.memory_space<hbm>> -> memref<64x256xf32, #tpu.memory_space<hbm>>
        %dma_wait3A_78 = arith.constant 0 : i32
        %dma_wait3A_79 = tpu.memref_slice %arg9[%add3A_11, %dma_wait3A_78] : memref<16384x256xf32, #tpu.memory_space<hbm>> -> memref<64x256xf32, #tpu.memory_space<hbm>>
        tpu.wait_dma2 semaphore(%run_scoped3A : memref<!tpu.dma_semaphore, #tpu.memory_space<semaphore_mem>>) src(%arg17 : memref<64x256xf32, #tpu.memory_space<vmem>>) dst(%dma_wait3A_79 : memref<64x256xf32, #tpu.memory_space<hbm>>)
        tpu.yield
      }) : () -> ()
    }
    %scan3A_7 = arith.constant 8 : i32
    return
  }
}

module attributes {stable_mosaic.version = 14 : i64} {
  func.func @_k1_body(%arg0: i32, %arg1: i32, %arg2: memref<1x3x256xf32, #tpu.memory_space<vmem>>, %arg3: memref<1x3x1024xf32, #tpu.memory_space<vmem>>, %arg4: memref<1x256x1024xf32, #tpu.memory_space<vmem>>, %arg5: memref<1x1x256xf32, #tpu.memory_space<vmem>>, %arg6: memref<1x1x256xf32, #tpu.memory_space<vmem>>, %arg7: memref<1x1x256xf32, #tpu.memory_space<vmem>>, %arg8: memref<1x1x256xi32, #tpu.memory_space<vmem>>, %arg9: memref<1x1x256xi32, #tpu.memory_space<vmem>>, %arg10: memref<1x1x256xi32, #tpu.memory_space<vmem>>, %arg11: memref<1024x256xf32, #tpu.memory_space<vmem>>) attributes {dimension_semantics = [#tpu.dimension_semantics<arbitrary>, #tpu.dimension_semantics<arbitrary>], iteration_bounds = array<i64: 4, 16>, scalar_prefetch = 0 : i64, scratch_operands = 0 : i64, tpu.core_type = #tpu.core_type<tc>, window_params = [{transform_indices = @transform_0, window_bounds = array<i64: 1, 3, 256>}, {transform_indices = @transform_1, window_bounds = array<i64: 1, 3, 1024>}, {transform_indices = @transform_2, window_bounds = array<i64: 1, 256, 1024>}, {transform_indices = @transform_3, window_bounds = array<i64: 1, 1, 256>}, {transform_indices = @transform_4, window_bounds = array<i64: 1, 1, 256>}, {transform_indices = @transform_5, window_bounds = array<i64: 1, 1, 256>}, {transform_indices = @transform_6, window_bounds = array<i64: 1, 1, 256>}, {transform_indices = @transform_7, window_bounds = array<i64: 1, 1, 256>}, {transform_indices = @transform_8, window_bounds = array<i64: 1, 1, 256>}, {transform_indices = @transform_9, window_bounds = array<i64: 1024, 256>}]} {
    %get3A = arith.constant 0 : index
    %get3A_0 = arith.constant 0 : index
    %get3A_1 = arith.constant 0 : index
    %get3A_2 = vector.load %arg2[%get3A, %get3A_0, %get3A_1] : memref<1x3x256xf32, #tpu.memory_space<vmem>>, vector<1x3x256xf32>
    %get3A_3 = vector.shape_cast %get3A_2 : vector<1x3x256xf32> to vector<3x256xf32>
    %get3A_4 = arith.constant 0 : index
    %get3A_5 = arith.constant 0 : index
    %get3A_6 = arith.constant 0 : index
    %get3A_7 = vector.load %arg3[%get3A_4, %get3A_5, %get3A_6] : memref<1x3x1024xf32, #tpu.memory_space<vmem>>, vector<1x3x1024xf32>
    %get3A_8 = vector.shape_cast %get3A_7 : vector<1x3x1024xf32> to vector<3x1024xf32>
    %convert_element_type3A = arith.truncf %get3A_3 : vector<3x256xf32> to vector<3x256xbf16>
    %convert_element_type3A_9 = arith.truncf %get3A_8 : vector<3x1024xf32> to vector<3x1024xbf16>
    %mul3A = arith.mulf %get3A_3, %get3A_3 : vector<3x256xf32>
    %reduce_sum3A = arith.constant dense<0.000000e+00> : vector<256xf32>
    %reduce_sum3A_10 = vector.multi_reduction <add>, %mul3A, %reduce_sum3A [0] : vector<3x256xf32> to vector<256xf32>
    %broadcast_in_dim3A = vector.shape_cast %reduce_sum3A_10 : vector<256xf32> to vector<1x256xf32>
    %dot_general3A = arith.constant dense<0.000000e+00> : vector<1024x256xf32>
    %dot_general3A_11 = tpu.matmul %convert_element_type3A_9, %convert_element_type3A, %dot_general3A {dimension_numbers = #tpu.dot_dimension_numbers<[0], [0], [1], [1], [0, 1, 1, 1], [], []>, transpose_lhs_hint = false} : vector<3x1024xbf16>, vector<3x256xbf16>, vector<1024x256xf32> -> vector<1024x256xf32>
    %mul3A_12 = arith.mulf %get3A_8, %get3A_8 : vector<3x1024xf32>
    %broadcast_in_dim3A_13 = arith.constant 1.000000e+00 : f32
    %broadcast_in_dim3A_14 = vector.broadcast %broadcast_in_dim3A_13 : f32 to vector<3x1xf32>
    %dot_general3A_15 = arith.constant dense<0.000000e+00> : vector<1024x1xf32>
    %dot_general3A_16 = tpu.matmul %mul3A_12, %broadcast_in_dim3A_14, %dot_general3A_15 {dimension_numbers = #tpu.dot_dimension_numbers<[0], [0], [1], [1], [0, 1, 1, 1], [], []>, precision = #tpu.contract_precision<fp32>, transpose_lhs_hint = false} : vector<3x1024xf32>, vector<3x1xf32>, vector<1024x1xf32> -> vector<1024x1xf32>
    %add3A = vector.broadcast %broadcast_in_dim3A : vector<1x256xf32> to vector<1024x256xf32>
    %add3A_17 = vector.broadcast %dot_general3A_16 : vector<1024x1xf32> to vector<1024x256xf32>
    %add3A_18 = arith.addf %add3A, %add3A_17 : vector<1024x256xf32>
    %mul3A_19 = arith.constant 2.000000e+00 : f32
    %mul3A_20 = vector.broadcast %mul3A_19 : f32 to vector<1024x256xf32>
    %mul3A_21 = arith.mulf %mul3A_20, %dot_general3A_11 : vector<1024x256xf32>
    %sub3A = arith.subf %add3A_18, %mul3A_21 : vector<1024x256xf32>
    %iota3A = tpu.iota {dimensions = array<i32: 0>} : vector<1024x256xi32>
    %reduce_min3A = arith.constant dense<0x7F800000> : vector<256xf32>
    %reduce_min3A_22 = vector.multi_reduction <minimumf>, %sub3A, %reduce_min3A [0] : vector<1024x256xf32> to vector<256xf32>
    %broadcast_in_dim3A_23 = vector.shape_cast %reduce_min3A_22 : vector<256xf32> to vector<1x256xf32>
    %eq3A = vector.broadcast %broadcast_in_dim3A_23 : vector<1x256xf32> to vector<1024x256xf32>
    %eq3A_24 = arith.cmpf oeq, %sub3A, %eq3A : vector<1024x256xf32>
    %jit3A = arith.constant 1024 : i32
    %broadcast_in_dim3A_25 = vector.broadcast %jit3A : i32 to vector<1024x256xi32>
    %select_n3A = arith.select %eq3A_24, %iota3A, %broadcast_in_dim3A_25 : vector<1024x256xi1>, vector<1024x256xi32>
    %reduce_min3A_26 = arith.constant dense<2147483647> : vector<256xi32>
    %reduce_min3A_27 = vector.multi_reduction <minsi>, %select_n3A, %reduce_min3A_26 [0] : vector<1024x256xi32> to vector<256xi32>
    %broadcast_in_dim3A_28 = vector.shape_cast %reduce_min3A_27 : vector<256xi32> to vector<1x256xi32>
    %eq3A_29 = vector.broadcast %broadcast_in_dim3A_28 : vector<1x256xi32> to vector<1024x256xi32>
    %eq3A_30 = arith.cmpi eq, %iota3A, %eq3A_29 : vector<1024x256xi32>
    %jit3A_31 = arith.constant 3.000000e+38 : f32
    %broadcast_in_dim3A_32 = vector.broadcast %jit3A_31 : f32 to vector<1024x256xf32>
    %select_n3A_33 = arith.select %eq3A_30, %broadcast_in_dim3A_32, %sub3A : vector<1024x256xi1>, vector<1024x256xf32>
    %reduce_min3A_34 = arith.constant dense<0x7F800000> : vector<256xf32>
    %reduce_min3A_35 = vector.multi_reduction <minimumf>, %select_n3A_33, %reduce_min3A_34 [0] : vector<1024x256xf32> to vector<256xf32>
    %broadcast_in_dim3A_36 = vector.shape_cast %reduce_min3A_35 : vector<256xf32> to vector<1x256xf32>
    %eq3A_37 = vector.broadcast %broadcast_in_dim3A_36 : vector<1x256xf32> to vector<1024x256xf32>
    %eq3A_38 = arith.cmpf oeq, %select_n3A_33, %eq3A_37 : vector<1024x256xf32>
    %jit3A_39 = arith.constant 1024 : i32
    %broadcast_in_dim3A_40 = vector.broadcast %jit3A_39 : i32 to vector<1024x256xi32>
    %select_n3A_41 = arith.select %eq3A_38, %iota3A, %broadcast_in_dim3A_40 : vector<1024x256xi1>, vector<1024x256xi32>
    %reduce_min3A_42 = arith.constant dense<2147483647> : vector<256xi32>
    %reduce_min3A_43 = vector.multi_reduction <minsi>, %select_n3A_41, %reduce_min3A_42 [0] : vector<1024x256xi32> to vector<256xi32>
    %broadcast_in_dim3A_44 = vector.shape_cast %reduce_min3A_43 : vector<256xi32> to vector<1x256xi32>
    %eq3A_45 = vector.broadcast %broadcast_in_dim3A_44 : vector<1x256xi32> to vector<1024x256xi32>
    %eq3A_46 = arith.cmpi eq, %iota3A, %eq3A_45 : vector<1024x256xi32>
    %jit3A_47 = arith.constant 3.000000e+38 : f32
    %broadcast_in_dim3A_48 = vector.broadcast %jit3A_47 : f32 to vector<1024x256xf32>
    %select_n3A_49 = arith.select %eq3A_46, %broadcast_in_dim3A_48, %select_n3A_33 : vector<1024x256xi1>, vector<1024x256xf32>
    %reduce_min3A_50 = arith.constant dense<0x7F800000> : vector<256xf32>
    %reduce_min3A_51 = vector.multi_reduction <minimumf>, %select_n3A_49, %reduce_min3A_50 [0] : vector<1024x256xf32> to vector<256xf32>
    %broadcast_in_dim3A_52 = vector.shape_cast %reduce_min3A_51 : vector<256xf32> to vector<1x256xf32>
    %eq3A_53 = vector.broadcast %broadcast_in_dim3A_52 : vector<1x256xf32> to vector<1024x256xf32>
    %eq3A_54 = arith.cmpf oeq, %select_n3A_49, %eq3A_53 : vector<1024x256xf32>
    %jit3A_55 = arith.constant 1024 : i32
    %broadcast_in_dim3A_56 = vector.broadcast %jit3A_55 : i32 to vector<1024x256xi32>
    %select_n3A_57 = arith.select %eq3A_54, %iota3A, %broadcast_in_dim3A_56 : vector<1024x256xi1>, vector<1024x256xi32>
    %reduce_min3A_58 = arith.constant dense<2147483647> : vector<256xi32>
    %reduce_min3A_59 = vector.multi_reduction <minsi>, %select_n3A_57, %reduce_min3A_58 [0] : vector<1024x256xi32> to vector<256xi32>
    %broadcast_in_dim3A_60 = vector.shape_cast %reduce_min3A_59 : vector<256xi32> to vector<1x256xi32>
    %max3A = arith.constant 9.99999993E-9 : f32
    %max3A_61 = vector.broadcast %max3A : f32 to vector<1x256xf32>
    %max3A_62 = arith.maximumf %broadcast_in_dim3A_23, %max3A_61 : vector<1x256xf32>
    %div3A = arith.constant 1.000000e+00 : f32
    %div3A_63 = vector.broadcast %div3A : f32 to vector<1x256xf32>
    %div3A_64 = arith.divf %div3A_63, %max3A_62 : vector<1x256xf32>
    %max3A_65 = arith.constant 9.99999993E-9 : f32
    %max3A_66 = vector.broadcast %max3A_65 : f32 to vector<1x256xf32>
    %max3A_67 = arith.maximumf %broadcast_in_dim3A_36, %max3A_66 : vector<1x256xf32>
    %div3A_68 = arith.constant 1.000000e+00 : f32
    %div3A_69 = vector.broadcast %div3A_68 : f32 to vector<1x256xf32>
    %div3A_70 = arith.divf %div3A_69, %max3A_67 : vector<1x256xf32>
    %max3A_71 = arith.constant 9.99999993E-9 : f32
    %max3A_72 = vector.broadcast %max3A_71 : f32 to vector<1x256xf32>
    %max3A_73 = arith.maximumf %broadcast_in_dim3A_52, %max3A_72 : vector<1x256xf32>
    %div3A_74 = arith.constant 1.000000e+00 : f32
    %div3A_75 = vector.broadcast %div3A_74 : f32 to vector<1x256xf32>
    %div3A_76 = arith.divf %div3A_75, %max3A_73 : vector<1x256xf32>
    %add3A_77 = arith.addf %div3A_64, %div3A_70 : vector<1x256xf32>
    %add3A_78 = arith.addf %add3A_77, %div3A_76 : vector<1x256xf32>
    %max3A_79 = arith.constant 9.99999993E-9 : f32
    %max3A_80 = vector.broadcast %max3A_79 : f32 to vector<1x256xf32>
    %max3A_81 = arith.maximumf %add3A_78, %max3A_80 : vector<1x256xf32>
    %div3A_82 = arith.divf %div3A_64, %max3A_81 : vector<1x256xf32>
    %swap3A = arith.constant 0 : index
    %swap3A_83 = arith.constant 0 : index
    %swap3A_84 = arith.constant 0 : index
    %swap3A_85 = vector.load %arg5[%swap3A, %swap3A_83, %swap3A_84] : memref<1x1x256xf32, #tpu.memory_space<vmem>>, vector<1x1x256xf32>
    %swap3A_86 = vector.shape_cast %swap3A_85 : vector<1x1x256xf32> to vector<1x256xf32>
    %swap3A_87 = vector.shape_cast %div3A_82 : vector<1x256xf32> to vector<1x1x256xf32>
    tpu.vector_store %arg5[%swap3A, %swap3A_83, %swap3A_84], %swap3A_87 {strides = array<i32>} : memref<1x1x256xf32, #tpu.memory_space<vmem>>, vector<1x1x256xf32>,
    %div3A_88 = arith.divf %div3A_70, %max3A_81 : vector<1x256xf32>
    %swap3A_89 = arith.constant 0 : index
    %swap3A_90 = arith.constant 0 : index
    %swap3A_91 = arith.constant 0 : index
    %swap3A_92 = vector.load %arg6[%swap3A_89, %swap3A_90, %swap3A_91] : memref<1x1x256xf32, #tpu.memory_space<vmem>>, vector<1x1x256xf32>
    %swap3A_93 = vector.shape_cast %swap3A_92 : vector<1x1x256xf32> to vector<1x256xf32>
    %swap3A_94 = vector.shape_cast %div3A_88 : vector<1x256xf32> to vector<1x1x256xf32>
    tpu.vector_store %arg6[%swap3A_89, %swap3A_90, %swap3A_91], %swap3A_94 {strides = array<i32>} : memref<1x1x256xf32, #tpu.memory_space<vmem>>, vector<1x1x256xf32>,
    %div3A_95 = arith.divf %div3A_76, %max3A_81 : vector<1x256xf32>
    %swap3A_96 = arith.constant 0 : index
    %swap3A_97 = arith.constant 0 : index
    %swap3A_98 = arith.constant 0 : index
    %swap3A_99 = vector.load %arg7[%swap3A_96, %swap3A_97, %swap3A_98] : memref<1x1x256xf32, #tpu.memory_space<vmem>>, vector<1x1x256xf32>
    %swap3A_100 = vector.shape_cast %swap3A_99 : vector<1x1x256xf32> to vector<1x256xf32>
    %swap3A_101 = vector.shape_cast %div3A_95 : vector<1x256xf32> to vector<1x1x256xf32>
    tpu.vector_store %arg7[%swap3A_96, %swap3A_97, %swap3A_98], %swap3A_101 {strides = array<i32>} : memref<1x1x256xf32, #tpu.memory_space<vmem>>, vector<1x1x256xf32>,
    %mul3A_102 = arith.constant 1024 : i32
    %mul3A_103 = arith.muli %arg0, %mul3A_102 : i32
    %add3A_104 = vector.broadcast %mul3A_103 : i32 to vector<1x256xi32>
    %add3A_105 = arith.addi %broadcast_in_dim3A_28, %add3A_104 : vector<1x256xi32>
    %swap3A_106 = arith.constant 0 : index
    %swap3A_107 = arith.constant 0 : index
    %swap3A_108 = arith.constant 0 : index
    %swap3A_109 = vector.load %arg8[%swap3A_106, %swap3A_107, %swap3A_108] : memref<1x1x256xi32, #tpu.memory_space<vmem>>, vector<1x1x256xi32>
    %swap3A_110 = vector.shape_cast %swap3A_109 : vector<1x1x256xi32> to vector<1x256xi32>
    %swap3A_111 = vector.shape_cast %add3A_105 : vector<1x256xi32> to vector<1x1x256xi32>
    tpu.vector_store %arg8[%swap3A_106, %swap3A_107, %swap3A_108], %swap3A_111 {strides = array<i32>} : memref<1x1x256xi32, #tpu.memory_space<vmem>>, vector<1x1x256xi32>,
    %add3A_112 = vector.broadcast %mul3A_103 : i32 to vector<1x256xi32>
    %add3A_113 = arith.addi %broadcast_in_dim3A_44, %add3A_112 : vector<1x256xi32>
    %swap3A_114 = arith.constant 0 : index
    %swap3A_115 = arith.constant 0 : index
    %swap3A_116 = arith.constant 0 : index
    %swap3A_117 = vector.load %arg9[%swap3A_114, %swap3A_115, %swap3A_116] : memref<1x1x256xi32, #tpu.memory_space<vmem>>, vector<1x1x256xi32>
    %swap3A_118 = vector.shape_cast %swap3A_117 : vector<1x1x256xi32> to vector<1x256xi32>
    %swap3A_119 = vector.shape_cast %add3A_113 : vector<1x256xi32> to vector<1x1x256xi32>
    tpu.vector_store %arg9[%swap3A_114, %swap3A_115, %swap3A_116], %swap3A_119 {strides = array<i32>} : memref<1x1x256xi32, #tpu.memory_space<vmem>>, vector<1x1x256xi32>,
    %add3A_120 = vector.broadcast %mul3A_103 : i32 to vector<1x256xi32>
    %add3A_121 = arith.addi %broadcast_in_dim3A_60, %add3A_120 : vector<1x256xi32>
    %swap3A_122 = arith.constant 0 : index
    %swap3A_123 = arith.constant 0 : index
    %swap3A_124 = arith.constant 0 : index
    %swap3A_125 = vector.load %arg10[%swap3A_122, %swap3A_123, %swap3A_124] : memref<1x1x256xi32, #tpu.memory_space<vmem>>, vector<1x1x256xi32>
    %swap3A_126 = vector.shape_cast %swap3A_125 : vector<1x1x256xi32> to vector<1x256xi32>
    %swap3A_127 = vector.shape_cast %add3A_121 : vector<1x256xi32> to vector<1x1x256xi32>
    tpu.vector_store %arg10[%swap3A_122, %swap3A_123, %swap3A_124], %swap3A_127 {strides = array<i32>} : memref<1x1x256xi32, #tpu.memory_space<vmem>>, vector<1x1x256xi32>,
    %eq3A_128 = arith.constant 0 : i32
    %eq3A_129 = arith.cmpi eq, %arg1, %eq3A_128 : i32
    %convert_element_type3A_130 = arith.extui %eq3A_129 : i1 to i32
    %cond3A = arith.constant 0 : i32
    %cond3A_131 = arith.cmpi ne, %convert_element_type3A_130, %cond3A : i32
    scf.if %cond3A_131 {
      %get3A_132 = arith.constant 0 : index
      %get3A_133 = arith.constant 0 : index
      %get3A_134 = arith.constant 0 : index
      %get3A_135 = vector.load %arg4[%get3A_132, %get3A_133, %get3A_134] : memref<1x256x1024xf32, #tpu.memory_space<vmem>>, vector<1x256x1024xf32>
      %get3A_136 = vector.shape_cast %get3A_135 : vector<1x256x1024xf32> to vector<256x1024xf32>
      %transpose3A = tpu.transpose %get3A_136, [1, 0] : vector<256x1024xf32> -> vector<1024x256xf32>
      %swap3A_137 = arith.constant 0 : index
      %swap3A_138 = arith.constant 0 : index
      %swap3A_139 = vector.load %arg11[%swap3A_137, %swap3A_138] : memref<1024x256xf32, #tpu.memory_space<vmem>>, vector<1024x256xf32>
      tpu.vector_store %arg11[%swap3A_137, %swap3A_138], %transpose3A {strides = array<i32>} : memref<1024x256xf32, #tpu.memory_space<vmem>>, vector<1024x256xf32>,
    } else {
    }
    return
  }
  func.func @transform_0(%arg0: i32, %arg1: i32) -> (i32, i32, i32) {
    %c0_i32 = arith.constant 0 : i32
    %c0_i32_0 = arith.constant 0 : i32
    return %arg0, %c0_i32, %arg1 : i32, i32, i32
  }
  func.func @transform_1(%arg0: i32, %arg1: i32) -> (i32, i32, i32) {
    %c0_i32 = arith.constant 0 : i32
    %c0_i32_0 = arith.constant 0 : i32
    %c0_i32_1 = arith.constant 0 : i32
    return %arg0, %c0_i32, %c0_i32_0 : i32, i32, i32
  }
  func.func @transform_2(%arg0: i32, %arg1: i32) -> (i32, i32, i32) {
    %c0_i32 = arith.constant 0 : i32
    %c0_i32_0 = arith.constant 0 : i32
    %c0_i32_1 = arith.constant 0 : i32
    return %arg0, %c0_i32, %c0_i32_0 : i32, i32, i32
  }
  func.func @transform_3(%arg0: i32, %arg1: i32) -> (i32, i32, i32) {
    %c0_i32 = arith.constant 0 : i32
    %c0_i32_0 = arith.constant 0 : i32
    return %arg0, %c0_i32, %arg1 : i32, i32, i32
  }
  func.func @transform_4(%arg0: i32, %arg1: i32) -> (i32, i32, i32) {
    %c0_i32 = arith.constant 0 : i32
    %c0_i32_0 = arith.constant 0 : i32
    return %arg0, %c0_i32, %arg1 : i32, i32, i32
  }
  func.func @transform_5(%arg0: i32, %arg1: i32) -> (i32, i32, i32) {
    %c0_i32 = arith.constant 0 : i32
    %c0_i32_0 = arith.constant 0 : i32
    return %arg0, %c0_i32, %arg1 : i32, i32, i32
  }
  func.func @transform_6(%arg0: i32, %arg1: i32) -> (i32, i32, i32) {
    %c0_i32 = arith.constant 0 : i32
    %c0_i32_0 = arith.constant 0 : i32
    return %arg0, %c0_i32, %arg1 : i32, i32, i32
  }
  func.func @transform_7(%arg0: i32, %arg1: i32) -> (i32, i32, i32) {
    %c0_i32 = arith.constant 0 : i32
    %c0_i32_0 = arith.constant 0 : i32
    return %arg0, %c0_i32, %arg1 : i32, i32, i32
  }
  func.func @transform_8(%arg0: i32, %arg1: i32) -> (i32, i32, i32) {
    %c0_i32 = arith.constant 0 : i32
    %c0_i32_0 = arith.constant 0 : i32
    return %arg0, %c0_i32, %arg1 : i32, i32, i32
  }
  func.func @transform_9(%arg0: i32, %arg1: i32) -> (i32, i32) {
    %c0_i32 = arith.constant 0 : i32
    %c0_i32_0 = arith.constant 0 : i32
    return %arg0, %c0_i32 : i32, i32
  }
}

module attributes {stable_mosaic.version = 14 : i64} {
  func.func @_k2_body(%arg0: i32, %arg1: i32, %arg2: memref<1x256x256xf32, #tpu.memory_space<vmem>>, %arg3: memref<256x256xf32, #tpu.memory_space<vmem>>, %arg4: memref<512x512xf32, #tpu.memory_space<vmem>>, %arg5: memref<1x512x256xf32, #tpu.memory_space<vmem>>, %arg6: memref<512x1xf32, #tpu.memory_space<vmem>>, %arg7: memref<512x1xf32, #tpu.memory_space<vmem>>) attributes {dimension_semantics = [#tpu.dimension_semantics<arbitrary>, #tpu.dimension_semantics<arbitrary>], iteration_bounds = array<i64: 4, 16>, scalar_prefetch = 0 : i64, scratch_operands = 0 : i64, tpu.core_type = #tpu.core_type<tc>, window_params = [{transform_indices = @transform_0, window_bounds = array<i64: 1, 256, 256>}, {transform_indices = @transform_1, window_bounds = array<i64: 256, 256>}, {pipeline_mode = #tpu.pipeline_mode<synchronous>, transform_indices = @transform_2, window_bounds = array<i64: 512, 512>}, {transform_indices = @transform_3, window_bounds = array<i64: 1, 512, 256>}, {pipeline_mode = #tpu.pipeline_mode<synchronous>, transform_indices = @transform_4, window_bounds = array<i64: 512, 1>}, {pipeline_mode = #tpu.pipeline_mode<synchronous>, transform_indices = @transform_5, window_bounds = array<i64: 512, 1>}]} {
    %get3A = arith.constant 0 : index
    %get3A_0 = arith.constant 0 : index
    %get3A_1 = vector.load %arg4[%get3A, %get3A_0] : memref<512x512xf32, #tpu.memory_space<vmem>>, vector<512x512xf32>
    %slice3A = vector.extract_strided_slice %get3A_1 {offsets = [0, 0], sizes = [512, 256], strides = [1, 1]} : vector<512x512xf32> to vector<512x256xf32>
    %get3A_2 = arith.constant 0 : index
    %get3A_3 = arith.constant 0 : index
    %get3A_4 = vector.load %arg4[%get3A_2, %get3A_3] : memref<512x512xf32, #tpu.memory_space<vmem>>, vector<512x512xf32>
    %slice3A_5 = vector.extract_strided_slice %get3A_4 {offsets = [0, 256], sizes = [512, 256], strides = [1, 1]} : vector<512x512xf32> to vector<512x256xf32>
    %get3A_6 = arith.constant 0 : index
    %get3A_7 = arith.constant 0 : index
    %get3A_8 = arith.constant 0 : index
    %get3A_9 = vector.load %arg2[%get3A_6, %get3A_7, %get3A_8] : memref<1x256x256xf32, #tpu.memory_space<vmem>>, vector<1x256x256xf32>
    %get3A_10 = vector.shape_cast %get3A_9 : vector<1x256x256xf32> to vector<256x256xf32>
    %dot_general3A = arith.constant dense<0.000000e+00> : vector<512x256xf32>
    %dot_general3A_11 = tpu.matmul %slice3A, %get3A_10, %dot_general3A {dimension_numbers = #tpu.dot_dimension_numbers<[1], [0], [0], [1], [0, 0, 1, 1], [], []>, transpose_lhs_hint = false} : vector<512x256xf32>, vector<256x256xf32>, vector<512x256xf32> -> vector<512x256xf32>
    %get3A_12 = arith.constant 0 : index
    %get3A_13 = arith.constant 0 : index
    %get3A_14 = vector.load %arg3[%get3A_12, %get3A_13] : memref<256x256xf32, #tpu.memory_space<vmem>>, vector<256x256xf32>
    %dot_general3A_15 = arith.constant dense<0.000000e+00> : vector<512x256xf32>
    %dot_general3A_16 = tpu.matmul %slice3A_5, %get3A_14, %dot_general3A_15 {dimension_numbers = #tpu.dot_dimension_numbers<[1], [1], [0], [0], [0, 0, 1, 0], [], []>, transpose_lhs_hint = false} : vector<512x256xf32>, vector<256x256xf32>, vector<512x256xf32> -> vector<512x256xf32>
    %add3A = arith.addf %dot_general3A_11, %dot_general3A_16 : vector<512x256xf32>
    %swap3A = arith.constant 0 : index
    %swap3A_17 = arith.constant 0 : index
    %swap3A_18 = arith.constant 0 : index
    %swap3A_19 = vector.load %arg5[%swap3A, %swap3A_17, %swap3A_18] : memref<1x512x256xf32, #tpu.memory_space<vmem>>, vector<1x512x256xf32>
    %swap3A_20 = vector.shape_cast %swap3A_19 : vector<1x512x256xf32> to vector<512x256xf32>
    %swap3A_21 = vector.shape_cast %add3A : vector<512x256xf32> to vector<1x512x256xf32>
    tpu.vector_store %arg5[%swap3A, %swap3A_17, %swap3A_18], %swap3A_21 {strides = array<i32>} : memref<1x512x256xf32, #tpu.memory_space<vmem>>, vector<1x512x256xf32>,
    %eq3A = arith.constant 0 : i32
    %eq3A_22 = arith.cmpi eq, %arg0, %eq3A : i32
    %eq3A_23 = arith.constant 0 : i32
    %eq3A_24 = arith.cmpi eq, %arg1, %eq3A_23 : i32
    %and3A = arith.andi %eq3A_22, %eq3A_24 : i1
    %convert_element_type3A = arith.extui %and3A : i1 to i32
    %cond3A = arith.constant 0 : i32
    %cond3A_25 = arith.cmpi ne, %convert_element_type3A, %cond3A : i32
    scf.if %cond3A_25 {
      %broadcast_in_dim3A_44 = arith.constant 0.000000e+00 : f32
      %broadcast_in_dim3A_45 = vector.broadcast %broadcast_in_dim3A_44 : f32 to vector<512x1xf32>
      %swap3A_46 = arith.constant 0 : index
      %swap3A_47 = arith.constant 0 : index
      %swap3A_48 = vector.load %arg6[%swap3A_46, %swap3A_47] : memref<512x1xf32, #tpu.memory_space<vmem>>, vector<512x1xf32>
      tpu.vector_store %arg6[%swap3A_46, %swap3A_47], %broadcast_in_dim3A_45 {strides = array<i32>} : memref<512x1xf32, #tpu.memory_space<vmem>>, vector<512x1xf32>,
      %broadcast_in_dim3A_49 = arith.constant 0.000000e+00 : f32
      %broadcast_in_dim3A_50 = vector.broadcast %broadcast_in_dim3A_49 : f32 to vector<512x1xf32>
      %swap3A_51 = arith.constant 0 : index
      %swap3A_52 = arith.constant 0 : index
      %swap3A_53 = vector.load %arg7[%swap3A_51, %swap3A_52] : memref<512x1xf32, #tpu.memory_space<vmem>>, vector<512x1xf32>
      tpu.vector_store %arg7[%swap3A_51, %swap3A_52], %broadcast_in_dim3A_50 {strides = array<i32>} : memref<512x1xf32, #tpu.memory_space<vmem>>, vector<512x1xf32>,
    } else {
    }
    %get3A_26 = arith.constant 0 : index
    %get3A_27 = arith.constant 0 : index
    %get3A_28 = vector.load %arg6[%get3A_26, %get3A_27] : memref<512x1xf32, #tpu.memory_space<vmem>>, vector<512x1xf32>
    %reduce_sum3A = arith.constant dense<0.000000e+00> : vector<512xf32>
    %reduce_sum3A_29 = vector.multi_reduction <add>, %add3A, %reduce_sum3A [1] : vector<512x256xf32> to vector<512xf32>
    %broadcast_in_dim3A = vector.shape_cast %reduce_sum3A_29 : vector<512xf32> to vector<512x1xf32>
    %add3A_30 = arith.addf %get3A_28, %broadcast_in_dim3A : vector<512x1xf32>
    %swap3A_31 = arith.constant 0 : index
    %swap3A_32 = arith.constant 0 : index
    %swap3A_33 = vector.load %arg6[%swap3A_31, %swap3A_32] : memref<512x1xf32, #tpu.memory_space<vmem>>, vector<512x1xf32>
    tpu.vector_store %arg6[%swap3A_31, %swap3A_32], %add3A_30 {strides = array<i32>} : memref<512x1xf32, #tpu.memory_space<vmem>>, vector<512x1xf32>,
    %get3A_34 = arith.constant 0 : index
    %get3A_35 = arith.constant 0 : index
    %get3A_36 = vector.load %arg7[%get3A_34, %get3A_35] : memref<512x1xf32, #tpu.memory_space<vmem>>, vector<512x1xf32>
    %mul3A = arith.mulf %add3A, %add3A : vector<512x256xf32>
    %reduce_sum3A_37 = arith.constant dense<0.000000e+00> : vector<512xf32>
    %reduce_sum3A_38 = vector.multi_reduction <add>, %mul3A, %reduce_sum3A_37 [1] : vector<512x256xf32> to vector<512xf32>
    %broadcast_in_dim3A_39 = vector.shape_cast %reduce_sum3A_38 : vector<512xf32> to vector<512x1xf32>
    %add3A_40 = arith.addf %get3A_36, %broadcast_in_dim3A_39 : vector<512x1xf32>
    %swap3A_41 = arith.constant 0 : index
    %swap3A_42 = arith.constant 0 : index
    %swap3A_43 = vector.load %arg7[%swap3A_41, %swap3A_42] : memref<512x1xf32, #tpu.memory_space<vmem>>, vector<512x1xf32>
    tpu.vector_store %arg7[%swap3A_41, %swap3A_42], %add3A_40 {strides = array<i32>} : memref<512x1xf32, #tpu.memory_space<vmem>>, vector<512x1xf32>,
    return
  }
  func.func @transform_0(%arg0: i32, %arg1: i32) -> (i32, i32, i32) {
    %c0_i32 = arith.constant 0 : i32
    %c0_i32_0 = arith.constant 0 : i32
    return %arg0, %c0_i32, %arg1 : i32, i32, i32
  }
  func.func @transform_1(%arg0: i32, %arg1: i32) -> (i32, i32) {
    %mul3A = arith.constant 16 : i32
    %mul3A_0 = arith.muli %arg0, %mul3A : i32
    %add3A = arith.addi %mul3A_0, %arg1 : i32
    %c0_i32 = arith.constant 0 : i32
    %c0_i32_1 = arith.constant 0 : i32
    return %add3A, %c0_i32 : i32, i32
  }
  func.func @transform_2(%arg0: i32, %arg1: i32) -> (i32, i32) {
    %c0_i32 = arith.constant 0 : i32
    %c0_i32_0 = arith.constant 0 : i32
    %c0_i32_1 = arith.constant 0 : i32
    return %c0_i32, %c0_i32_0 : i32, i32
  }
  func.func @transform_3(%arg0: i32, %arg1: i32) -> (i32, i32, i32) {
    %c0_i32 = arith.constant 0 : i32
    %c0_i32_0 = arith.constant 0 : i32
    return %arg0, %c0_i32, %arg1 : i32, i32, i32
  }
  func.func @transform_4(%arg0: i32, %arg1: i32) -> (i32, i32) {
    %c0_i32 = arith.constant 0 : i32
    %c0_i32_0 = arith.constant 0 : i32
    %c0_i32_1 = arith.constant 0 : i32
    return %c0_i32, %c0_i32_0 : i32, i32
  }
  func.func @transform_5(%arg0: i32, %arg1: i32) -> (i32, i32) {
    %c0_i32 = arith.constant 0 : i32
    %c0_i32_0 = arith.constant 0 : i32
    %c0_i32_1 = arith.constant 0 : i32
    return %c0_i32, %c0_i32_0 : i32, i32
  }
}

module attributes {stable_mosaic.version = 14 : i64} {
  func.func @_k3_body(%arg0: i32, %arg1: i32, %arg2: memref<1x512x256xf32, #tpu.memory_space<vmem>>, %arg3: memref<512x1xf32, #tpu.memory_space<vmem>>, %arg4: memref<512x1xf32, #tpu.memory_space<vmem>>, %arg5: memref<512x1xf32, #tpu.memory_space<vmem>>, %arg6: memref<512x1xf32, #tpu.memory_space<vmem>>, %arg7: memref<512x1xf32, #tpu.memory_space<vmem>>, %arg8: memref<512x1xf32, #tpu.memory_space<vmem>>, %arg9: memref<256x512xf32, #tpu.memory_space<vmem>>, %arg10: memref<1x256x256xf32, #tpu.memory_space<vmem>>, %arg11: memref<256x1xf32, #tpu.memory_space<vmem>>, %arg12: memref<256x1xf32, #tpu.memory_space<vmem>>) attributes {dimension_semantics = [#tpu.dimension_semantics<arbitrary>, #tpu.dimension_semantics<arbitrary>], iteration_bounds = array<i64: 4, 16>, scalar_prefetch = 0 : i64, scratch_operands = 0 : i64, tpu.core_type = #tpu.core_type<tc>, window_params = [{transform_indices = @transform_0, window_bounds = array<i64: 1, 512, 256>}, {pipeline_mode = #tpu.pipeline_mode<synchronous>, transform_indices = @transform_1, window_bounds = array<i64: 512, 1>}, {pipeline_mode = #tpu.pipeline_mode<synchronous>, transform_indices = @transform_2, window_bounds = array<i64: 512, 1>}, {pipeline_mode = #tpu.pipeline_mode<synchronous>, transform_indices = @transform_3, window_bounds = array<i64: 512, 1>}, {pipeline_mode = #tpu.pipeline_mode<synchronous>, transform_indices = @transform_4, window_bounds = array<i64: 512, 1>}, {pipeline_mode = #tpu.pipeline_mode<synchronous>, transform_indices = @transform_5, window_bounds = array<i64: 512, 1>}, {pipeline_mode = #tpu.pipeline_mode<synchronous>, transform_indices = @transform_6, window_bounds = array<i64: 512, 1>}, {pipeline_mode = #tpu.pipeline_mode<synchronous>, transform_indices = @transform_7, window_bounds = array<i64: 256, 512>}, {transform_indices = @transform_8, window_bounds = array<i64: 1, 256, 256>}, {pipeline_mode = #tpu.pipeline_mode<synchronous>, transform_indices = @transform_9, window_bounds = array<i64: 256, 1>}, {pipeline_mode = #tpu.pipeline_mode<synchronous>, transform_indices = @transform_10, window_bounds = array<i64: 256, 1>}]} {
    %get3A = arith.constant 0 : index
    %get3A_0 = arith.constant 0 : index
    %get3A_1 = vector.load %arg3[%get3A, %get3A_0] : memref<512x1xf32, #tpu.memory_space<vmem>>, vector<512x1xf32>
    %get3A_2 = arith.constant 0 : index
    %get3A_3 = arith.constant 0 : index
    %get3A_4 = vector.load %arg5[%get3A_2, %get3A_3] : memref<512x1xf32, #tpu.memory_space<vmem>>, vector<512x1xf32>
    %add3A = arith.addf %get3A_1, %get3A_4 : vector<512x1xf32>
    %mul3A = arith.constant 3.05175781E-5 : f32
    %mul3A_5 = vector.broadcast %mul3A : f32 to vector<512x1xf32>
    %mul3A_6 = arith.mulf %add3A, %mul3A_5 : vector<512x1xf32>
    %get3A_7 = arith.constant 0 : index
    %get3A_8 = arith.constant 0 : index
    %get3A_9 = vector.load %arg4[%get3A_7, %get3A_8] : memref<512x1xf32, #tpu.memory_space<vmem>>, vector<512x1xf32>
    %get3A_10 = arith.constant 0 : index
    %get3A_11 = arith.constant 0 : index
    %get3A_12 = vector.load %arg6[%get3A_10, %get3A_11] : memref<512x1xf32, #tpu.memory_space<vmem>>, vector<512x1xf32>
    %add3A_13 = arith.addf %get3A_9, %get3A_12 : vector<512x1xf32>
    %mul3A_14 = arith.constant 3.05175781E-5 : f32
    %mul3A_15 = vector.broadcast %mul3A_14 : f32 to vector<512x1xf32>
    %mul3A_16 = arith.mulf %add3A_13, %mul3A_15 : vector<512x1xf32>
    %mul3A_17 = arith.mulf %mul3A_6, %mul3A_6 : vector<512x1xf32>
    %sub3A = arith.subf %mul3A_16, %mul3A_17 : vector<512x1xf32>
    %get3A_18 = arith.constant 0 : index
    %get3A_19 = arith.constant 0 : index
    %get3A_20 = vector.load %arg7[%get3A_18, %get3A_19] : memref<512x1xf32, #tpu.memory_space<vmem>>, vector<512x1xf32>
    %add3A_21 = arith.constant 9.99999974E-6 : f32
    %add3A_22 = vector.broadcast %add3A_21 : f32 to vector<512x1xf32>
    %add3A_23 = arith.addf %sub3A, %add3A_22 : vector<512x1xf32>
    %rsqrt3A = math.rsqrt %add3A_23 : vector<512x1xf32>
    %mul3A_24 = arith.mulf %get3A_20, %rsqrt3A : vector<512x1xf32>
    %get3A_25 = arith.constant 0 : index
    %get3A_26 = arith.constant 0 : index
    %get3A_27 = vector.load %arg8[%get3A_25, %get3A_26] : memref<512x1xf32, #tpu.memory_space<vmem>>, vector<512x1xf32>
    %mul3A_28 = arith.mulf %mul3A_6, %mul3A_24 : vector<512x1xf32>
    %sub3A_29 = arith.subf %get3A_27, %mul3A_28 : vector<512x1xf32>
    %get3A_30 = arith.constant 0 : index
    %get3A_31 = arith.constant 0 : index
    %get3A_32 = arith.constant 0 : index
    %get3A_33 = vector.load %arg2[%get3A_30, %get3A_31, %get3A_32] : memref<1x512x256xf32, #tpu.memory_space<vmem>>, vector<1x512x256xf32>
    %get3A_34 = vector.shape_cast %get3A_33 : vector<1x512x256xf32> to vector<512x256xf32>
    %mul3A_35 = vector.broadcast %mul3A_24 : vector<512x1xf32> to vector<512x256xf32>
    %mul3A_36 = arith.mulf %get3A_34, %mul3A_35 : vector<512x256xf32>
    %add3A_37 = vector.broadcast %sub3A_29 : vector<512x1xf32> to vector<512x256xf32>
    %add3A_38 = arith.addf %mul3A_36, %add3A_37 : vector<512x256xf32>
    %max3A = arith.constant 0.000000e+00 : f32
    %max3A_39 = vector.broadcast %max3A : f32 to vector<512x256xf32>
    %max3A_40 = arith.maximumf %add3A_38, %max3A_39 : vector<512x256xf32>
    %get3A_41 = arith.constant 0 : index
    %get3A_42 = arith.constant 0 : index
    %get3A_43 = vector.load %arg9[%get3A_41, %get3A_42] : memref<256x512xf32, #tpu.memory_space<vmem>>, vector<256x512xf32>
    %dot_general3A = arith.constant dense<0.000000e+00> : vector<256x256xf32>
    %dot_general3A_44 = tpu.matmul %get3A_43, %max3A_40, %dot_general3A {dimension_numbers = #tpu.dot_dimension_numbers<[1], [0], [0], [1], [0, 0, 1, 1], [], []>, transpose_lhs_hint = false} : vector<256x512xf32>, vector<512x256xf32>, vector<256x256xf32> -> vector<256x256xf32>
    %swap3A = arith.constant 0 : index
    %swap3A_45 = arith.constant 0 : index
    %swap3A_46 = arith.constant 0 : index
    %swap3A_47 = vector.load %arg10[%swap3A, %swap3A_45, %swap3A_46] : memref<1x256x256xf32, #tpu.memory_space<vmem>>, vector<1x256x256xf32>
    %swap3A_48 = vector.shape_cast %swap3A_47 : vector<1x256x256xf32> to vector<256x256xf32>
    %swap3A_49 = vector.shape_cast %dot_general3A_44 : vector<256x256xf32> to vector<1x256x256xf32>
    tpu.vector_store %arg10[%swap3A, %swap3A_45, %swap3A_46], %swap3A_49 {strides = array<i32>} : memref<1x256x256xf32, #tpu.memory_space<vmem>>, vector<1x256x256xf32>,
    %eq3A = arith.constant 0 : i32
    %eq3A_50 = arith.cmpi eq, %arg0, %eq3A : i32
    %eq3A_51 = arith.constant 0 : i32
    %eq3A_52 = arith.cmpi eq, %arg1, %eq3A_51 : i32
    %and3A = arith.andi %eq3A_50, %eq3A_52 : i1
    %convert_element_type3A = arith.extui %and3A : i1 to i32
    %cond3A = arith.constant 0 : i32
    %cond3A_53 = arith.cmpi ne, %convert_element_type3A, %cond3A : i32
    scf.if %cond3A_53 {
      %broadcast_in_dim3A_73 = arith.constant 0.000000e+00 : f32
      %broadcast_in_dim3A_74 = vector.broadcast %broadcast_in_dim3A_73 : f32 to vector<256x1xf32>
      %swap3A_75 = arith.constant 0 : index
      %swap3A_76 = arith.constant 0 : index
      %swap3A_77 = vector.load %arg11[%swap3A_75, %swap3A_76] : memref<256x1xf32, #tpu.memory_space<vmem>>, vector<256x1xf32>
      tpu.vector_store %arg11[%swap3A_75, %swap3A_76], %broadcast_in_dim3A_74 {strides = array<i32>} : memref<256x1xf32, #tpu.memory_space<vmem>>, vector<256x1xf32>,
      %broadcast_in_dim3A_78 = arith.constant 0.000000e+00 : f32
      %broadcast_in_dim3A_79 = vector.broadcast %broadcast_in_dim3A_78 : f32 to vector<256x1xf32>
      %swap3A_80 = arith.constant 0 : index
      %swap3A_81 = arith.constant 0 : index
      %swap3A_82 = vector.load %arg12[%swap3A_80, %swap3A_81] : memref<256x1xf32, #tpu.memory_space<vmem>>, vector<256x1xf32>
      tpu.vector_store %arg12[%swap3A_80, %swap3A_81], %broadcast_in_dim3A_79 {strides = array<i32>} : memref<256x1xf32, #tpu.memory_space<vmem>>, vector<256x1xf32>,
    } else {
    }
    %get3A_54 = arith.constant 0 : index
    %get3A_55 = arith.constant 0 : index
    %get3A_56 = vector.load %arg11[%get3A_54, %get3A_55] : memref<256x1xf32, #tpu.memory_space<vmem>>, vector<256x1xf32>
    %reduce_sum3A = arith.constant dense<0.000000e+00> : vector<256xf32>
    %reduce_sum3A_57 = vector.multi_reduction <add>, %dot_general3A_44, %reduce_sum3A [1] : vector<256x256xf32> to vector<256xf32>
    %broadcast_in_dim3A = vector.shape_cast %reduce_sum3A_57 : vector<256xf32> to vector<256x1xf32>
    %add3A_58 = arith.addf %get3A_56, %broadcast_in_dim3A : vector<256x1xf32>
    %swap3A_59 = arith.constant 0 : index
    %swap3A_60 = arith.constant 0 : index
    %swap3A_61 = vector.load %arg11[%swap3A_59, %swap3A_60] : memref<256x1xf32, #tpu.memory_space<vmem>>, vector<256x1xf32>
    tpu.vector_store %arg11[%swap3A_59, %swap3A_60], %add3A_58 {strides = array<i32>} : memref<256x1xf32, #tpu.memory_space<vmem>>, vector<256x1xf32>,
    %get3A_62 = arith.constant 0 : index
    %get3A_63 = arith.constant 0 : index
    %get3A_64 = vector.load %arg12[%get3A_62, %get3A_63] : memref<256x1xf32, #tpu.memory_space<vmem>>, vector<256x1xf32>
    %mul3A_65 = arith.mulf %dot_general3A_44, %dot_general3A_44 : vector<256x256xf32>
    %reduce_sum3A_66 = arith.constant dense<0.000000e+00> : vector<256xf32>
    %reduce_sum3A_67 = vector.multi_reduction <add>, %mul3A_65, %reduce_sum3A_66 [1] : vector<256x256xf32> to vector<256xf32>
    %broadcast_in_dim3A_68 = vector.shape_cast %reduce_sum3A_67 : vector<256xf32> to vector<256x1xf32>
    %add3A_69 = arith.addf %get3A_64, %broadcast_in_dim3A_68 : vector<256x1xf32>
    %swap3A_70 = arith.constant 0 : index
    %swap3A_71 = arith.constant 0 : index
    %swap3A_72 = vector.load %arg12[%swap3A_70, %swap3A_71] : memref<256x1xf32, #tpu.memory_space<vmem>>, vector<256x1xf32>
    tpu.vector_store %arg12[%swap3A_70, %swap3A_71], %add3A_69 {strides = array<i32>} : memref<256x1xf32, #tpu.memory_space<vmem>>, vector<256x1xf32>,
    return
  }
  func.func @transform_0(%arg0: i32, %arg1: i32) -> (i32, i32, i32) {
    %c0_i32 = arith.constant 0 : i32
    %c0_i32_0 = arith.constant 0 : i32
    return %arg0, %c0_i32, %arg1 : i32, i32, i32
  }
  func.func @transform_1(%arg0: i32, %arg1: i32) -> (i32, i32) {
    %c0_i32 = arith.constant 0 : i32
    %c0_i32_0 = arith.constant 0 : i32
    %c0_i32_1 = arith.constant 0 : i32
    return %c0_i32, %c0_i32_0 : i32, i32
  }
  func.func @transform_2(%arg0: i32, %arg1: i32) -> (i32, i32) {
    %c0_i32 = arith.constant 0 : i32
    %c0_i32_0 = arith.constant 0 : i32
    %c0_i32_1 = arith.constant 0 : i32
    return %c0_i32, %c0_i32_0 : i32, i32
  }
  func.func @transform_3(%arg0: i32, %arg1: i32) -> (i32, i32) {
    %c0_i32 = arith.constant 0 : i32
    %c0_i32_0 = arith.constant 0 : i32
    %c0_i32_1 = arith.constant 0 : i32
    return %c0_i32, %c0_i32_0 : i32, i32
  }
  func.func @transform_4(%arg0: i32, %arg1: i32) -> (i32, i32) {
    %c0_i32 = arith.constant 0 : i32
    %c0_i32_0 = arith.constant 0 : i32
    %c0_i32_1 = arith.constant 0 : i32
    return %c0_i32, %c0_i32_0 : i32, i32
  }
  func.func @transform_5(%arg0: i32, %arg1: i32) -> (i32, i32) {
    %c0_i32 = arith.constant 0 : i32
    %c0_i32_0 = arith.constant 0 : i32
    %c0_i32_1 = arith.constant 0 : i32
    return %c0_i32, %c0_i32_0 : i32, i32
  }
  func.func @transform_6(%arg0: i32, %arg1: i32) -> (i32, i32) {
    %c0_i32 = arith.constant 0 : i32
    %c0_i32_0 = arith.constant 0 : i32
    %c0_i32_1 = arith.constant 0 : i32
    return %c0_i32, %c0_i32_0 : i32, i32
  }
  func.func @transform_7(%arg0: i32, %arg1: i32) -> (i32, i32) {
    %c0_i32 = arith.constant 0 : i32
    %c0_i32_0 = arith.constant 0 : i32
    %c0_i32_1 = arith.constant 0 : i32
    return %c0_i32, %c0_i32_0 : i32, i32
  }
  func.func @transform_8(%arg0: i32, %arg1: i32) -> (i32, i32, i32) {
    %c0_i32 = arith.constant 0 : i32
    %c0_i32_0 = arith.constant 0 : i32
    return %arg0, %c0_i32, %arg1 : i32, i32, i32
  }
  func.func @transform_9(%arg0: i32, %arg1: i32) -> (i32, i32) {
    %c0_i32 = arith.constant 0 : i32
    %c0_i32_0 = arith.constant 0 : i32
    %c0_i32_1 = arith.constant 0 : i32
    return %c0_i32, %c0_i32_0 : i32, i32
  }
  func.func @transform_10(%arg0: i32, %arg1: i32) -> (i32, i32) {
    %c0_i32 = arith.constant 0 : i32
    %c0_i32_0 = arith.constant 0 : i32
    %c0_i32_1 = arith.constant 0 : i32
    return %c0_i32, %c0_i32_0 : i32, i32
  }
}

module attributes {stable_mosaic.version = 14 : i64} {
  func.func @_k4_body(%arg0: i32, %arg1: i32, %arg2: memref<1x256x256xf32, #tpu.memory_space<vmem>>, %arg3: memref<256x1xf32, #tpu.memory_space<vmem>>, %arg4: memref<256x1xf32, #tpu.memory_space<vmem>>, %arg5: memref<256x1xf32, #tpu.memory_space<vmem>>, %arg6: memref<256x1xf32, #tpu.memory_space<vmem>>, %arg7: memref<256x1xf32, #tpu.memory_space<vmem>>, %arg8: memref<256x1xf32, #tpu.memory_space<vmem>>, %arg9: memref<1x256x256xf32, #tpu.memory_space<vmem>>) attributes {dimension_semantics = [#tpu.dimension_semantics<arbitrary>, #tpu.dimension_semantics<arbitrary>], iteration_bounds = array<i64: 4, 16>, scalar_prefetch = 0 : i64, scratch_operands = 0 : i64, tpu.core_type = #tpu.core_type<tc>, window_params = [{transform_indices = @transform_0, window_bounds = array<i64: 1, 256, 256>}, {pipeline_mode = #tpu.pipeline_mode<synchronous>, transform_indices = @transform_1, window_bounds = array<i64: 256, 1>}, {pipeline_mode = #tpu.pipeline_mode<synchronous>, transform_indices = @transform_2, window_bounds = array<i64: 256, 1>}, {pipeline_mode = #tpu.pipeline_mode<synchronous>, transform_indices = @transform_3, window_bounds = array<i64: 256, 1>}, {pipeline_mode = #tpu.pipeline_mode<synchronous>, transform_indices = @transform_4, window_bounds = array<i64: 256, 1>}, {pipeline_mode = #tpu.pipeline_mode<synchronous>, transform_indices = @transform_5, window_bounds = array<i64: 256, 1>}, {pipeline_mode = #tpu.pipeline_mode<synchronous>, transform_indices = @transform_6, window_bounds = array<i64: 256, 1>}, {transform_indices = @transform_7, window_bounds = array<i64: 1, 256, 256>}]} {
    %get3A = arith.constant 0 : index
    %get3A_0 = arith.constant 0 : index
    %get3A_1 = vector.load %arg3[%get3A, %get3A_0] : memref<256x1xf32, #tpu.memory_space<vmem>>, vector<256x1xf32>
    %get3A_2 = arith.constant 0 : index
    %get3A_3 = arith.constant 0 : index
    %get3A_4 = vector.load %arg5[%get3A_2, %get3A_3] : memref<256x1xf32, #tpu.memory_space<vmem>>, vector<256x1xf32>
    %add3A = arith.addf %get3A_1, %get3A_4 : vector<256x1xf32>
    %mul3A = arith.constant 3.05175781E-5 : f32
    %mul3A_5 = vector.broadcast %mul3A : f32 to vector<256x1xf32>
    %mul3A_6 = arith.mulf %add3A, %mul3A_5 : vector<256x1xf32>
    %get3A_7 = arith.constant 0 : index
    %get3A_8 = arith.constant 0 : index
    %get3A_9 = vector.load %arg4[%get3A_7, %get3A_8] : memref<256x1xf32, #tpu.memory_space<vmem>>, vector<256x1xf32>
    %get3A_10 = arith.constant 0 : index
    %get3A_11 = arith.constant 0 : index
    %get3A_12 = vector.load %arg6[%get3A_10, %get3A_11] : memref<256x1xf32, #tpu.memory_space<vmem>>, vector<256x1xf32>
    %add3A_13 = arith.addf %get3A_9, %get3A_12 : vector<256x1xf32>
    %mul3A_14 = arith.constant 3.05175781E-5 : f32
    %mul3A_15 = vector.broadcast %mul3A_14 : f32 to vector<256x1xf32>
    %mul3A_16 = arith.mulf %add3A_13, %mul3A_15 : vector<256x1xf32>
    %mul3A_17 = arith.mulf %mul3A_6, %mul3A_6 : vector<256x1xf32>
    %sub3A = arith.subf %mul3A_16, %mul3A_17 : vector<256x1xf32>
    %get3A_18 = arith.constant 0 : index
    %get3A_19 = arith.constant 0 : index
    %get3A_20 = vector.load %arg7[%get3A_18, %get3A_19] : memref<256x1xf32, #tpu.memory_space<vmem>>, vector<256x1xf32>
    %add3A_21 = arith.constant 9.99999974E-6 : f32
    %add3A_22 = vector.broadcast %add3A_21 : f32 to vector<256x1xf32>
    %add3A_23 = arith.addf %sub3A, %add3A_22 : vector<256x1xf32>
    %rsqrt3A = math.rsqrt %add3A_23 : vector<256x1xf32>
    %mul3A_24 = arith.mulf %get3A_20, %rsqrt3A : vector<256x1xf32>
    %get3A_25 = arith.constant 0 : index
    %get3A_26 = arith.constant 0 : index
    %get3A_27 = vector.load %arg8[%get3A_25, %get3A_26] : memref<256x1xf32, #tpu.memory_space<vmem>>, vector<256x1xf32>
    %mul3A_28 = arith.mulf %mul3A_6, %mul3A_24 : vector<256x1xf32>
    %sub3A_29 = arith.subf %get3A_27, %mul3A_28 : vector<256x1xf32>
    %get3A_30 = arith.constant 0 : index
    %get3A_31 = arith.constant 0 : index
    %get3A_32 = arith.constant 0 : index
    %get3A_33 = vector.load %arg2[%get3A_30, %get3A_31, %get3A_32] : memref<1x256x256xf32, #tpu.memory_space<vmem>>, vector<1x256x256xf32>
    %get3A_34 = vector.shape_cast %get3A_33 : vector<1x256x256xf32> to vector<256x256xf32>
    %mul3A_35 = vector.broadcast %mul3A_24 : vector<256x1xf32> to vector<256x256xf32>
    %mul3A_36 = arith.mulf %get3A_34, %mul3A_35 : vector<256x256xf32>
    %add3A_37 = vector.broadcast %sub3A_29 : vector<256x1xf32> to vector<256x256xf32>
    %add3A_38 = arith.addf %mul3A_36, %add3A_37 : vector<256x256xf32>
    %max3A = arith.constant 0.000000e+00 : f32
    %max3A_39 = vector.broadcast %max3A : f32 to vector<256x256xf32>
    %max3A_40 = arith.maximumf %add3A_38, %max3A_39 : vector<256x256xf32>
    %swap3A = arith.constant 0 : index
    %swap3A_41 = arith.constant 0 : index
    %swap3A_42 = arith.constant 0 : index
    %swap3A_43 = vector.load %arg9[%swap3A, %swap3A_41, %swap3A_42] : memref<1x256x256xf32, #tpu.memory_space<vmem>>, vector<1x256x256xf32>
    %swap3A_44 = vector.shape_cast %swap3A_43 : vector<1x256x256xf32> to vector<256x256xf32>
    %swap3A_45 = vector.shape_cast %max3A_40 : vector<256x256xf32> to vector<1x256x256xf32>
    tpu.vector_store %arg9[%swap3A, %swap3A_41, %swap3A_42], %swap3A_45 {strides = array<i32>} : memref<1x256x256xf32, #tpu.memory_space<vmem>>, vector<1x256x256xf32>,
    return
  }
  func.func @transform_0(%arg0: i32, %arg1: i32) -> (i32, i32, i32) {
    %c0_i32 = arith.constant 0 : i32
    %c0_i32_0 = arith.constant 0 : i32
    return %arg0, %c0_i32, %arg1 : i32, i32, i32
  }
  func.func @transform_1(%arg0: i32, %arg1: i32) -> (i32, i32) {
    %c0_i32 = arith.constant 0 : i32
    %c0_i32_0 = arith.constant 0 : i32
    %c0_i32_1 = arith.constant 0 : i32
    return %c0_i32, %c0_i32_0 : i32, i32
  }
  func.func @transform_2(%arg0: i32, %arg1: i32) -> (i32, i32) {
    %c0_i32 = arith.constant 0 : i32
    %c0_i32_0 = arith.constant 0 : i32
    %c0_i32_1 = arith.constant 0 : i32
    return %c0_i32, %c0_i32_0 : i32, i32
  }
  func.func @transform_3(%arg0: i32, %arg1: i32) -> (i32, i32) {
    %c0_i32 = arith.constant 0 : i32
    %c0_i32_0 = arith.constant 0 : i32
    %c0_i32_1 = arith.constant 0 : i32
    return %c0_i32, %c0_i32_0 : i32, i32
  }
  func.func @transform_4(%arg0: i32, %arg1: i32) -> (i32, i32) {
    %c0_i32 = arith.constant 0 : i32
    %c0_i32_0 = arith.constant 0 : i32
    %c0_i32_1 = arith.constant 0 : i32
    return %c0_i32, %c0_i32_0 : i32, i32
  }
  func.func @transform_5(%arg0: i32, %arg1: i32) -> (i32, i32) {
    %c0_i32 = arith.constant 0 : i32
    %c0_i32_0 = arith.constant 0 : i32
    %c0_i32_1 = arith.constant 0 : i32
    return %c0_i32, %c0_i32_0 : i32, i32
  }
  func.func @transform_6(%arg0: i32, %arg1: i32) -> (i32, i32) {
    %c0_i32 = arith.constant 0 : i32
    %c0_i32_0 = arith.constant 0 : i32
    %c0_i32_1 = arith.constant 0 : i32
    return %c0_i32, %c0_i32_0 : i32, i32
  }
  func.func @transform_7(%arg0: i32, %arg1: i32) -> (i32, i32, i32) {
    %c0_i32 = arith.constant 0 : i32
    %c0_i32_0 = arith.constant 0 : i32
    return %arg0, %c0_i32, %arg1 : i32, i32, i32
  }
}

</mosaic_0001>

<sc_bundles>
// kernel: kernel.12.cloned.1.call-start
scs
__scs_entry_jumppad:
0x0: {  	(pc) =	sbr.rel $0x88, $3  }
0x1: {  	(tag) =	ssettag $0x0;
	lr =	simm.s32 $0x1  }
0x2: {  	[smem:$0x3F97] =	sst lr;
	_ =	strace $0xD0000000  }
0x3: {  	_ = 	snop  }
0x4: {  	_ = 	snop  }
0x5: {  	_ = 	snop  }
0x6: {  	_ = 	snop  }
0x7: {  	_ = 	snop  }
__scs_overlays_trampoline_lowered:
0x8: {  	[smem:$0x3FA6] =	sst s0  }
0x9: {  	[smem:$0x3FA7] =	sst s1  }
0xa: {  	[smem:$0x3FA8] =	sst s2  }
0xb: {  	[smem:$0x3FA9] =	sst s3  }
0xc: {  	[smem:$0x3FAA] =	sst s4  }
0xd: {  	[smem:$0x3FAB] =	sst s5  }
0xe: {  	[smem:$0x3FAC] =	sst s6  }
0xf: {  	[smem:$0x3FAD] =	sst s7  }
0x10: {  	[smem:$0x3FAE] =	sst s8  }
0x11: {  	[smem:$0x3FAF] =	sst s9;
	s0 =	simm.s32 @!p0 $0x0  }
0x12: {  	s1 =	sld [smem:$0x3F95];
	s0 =	simm.s32 @p0 $0x1  }
0x13: {  	[smem:$0x3FB0] =	sst s0;
	s0 =	simm.s32 @!p1 $0x0  }
0x14: {  	s2 =	sld [smem:$0x3F94];
	s0 =	simm.s32 @p1 $0x1  }
0x15: {  	[smem:$0x3FB1] =	sst s0;
	s0 =	simm.s32 @!p2 $0x0  }
0x16: {  	s3 =	sld [smem:$0x3FDB];
	s0 =	simm.s32 @p2 $0x1  }
0x17: {  	s4 =	simm.s32 $0x1BF5;
	[smem:$0x3FB3] =	sst s0  }
0x18: {  	s0 =	sld [smem:$0x3F96];
	_ =	swait.ge [sflag:s4], $0x0  }
0x19: {  	s7 =	sld [smem:$0x3F97]  }
0x1a: {  	s8 =	sadd.s32 $0xFFFFE003, lr  }
0x1b: {  	s9 =	sadd.s32 $0xFFFFFEF7, lr;
	s5 =	simm.s32 $0xFFFFFFFF;
	p2 =	slt.u32 s8, $0xFFFFF086  }
0x1c: {  	p1 =	slt.u32 s9, $0xF7A;
	s5 =	simm.s32 @!p2 $0x0  }
0x1d: {  	s5 =	simm.s32 @p1 $0x1;
	p0 =	seq.s32 s7, s2  }
0x1e: {  	s7 =	smul.u32 @!p0 $0xF7A, s2;
	p2 =	seq.s32 @!p0 s5, $0x0  }
0x1f: {  	s9 =	smul.u32 $0xF7A, s1;
	s8 =	simm.s32 @!p0 $0x1BF5;
	p2 =	por !p2, p0  }
0x20: {  	[sflag:s8] =	ssyncset.s32 @!p0 $0xFFFFF086;
	s6 =	sadd.s32 @!p0 s3, s7;
	s7 =	simm.s32 @!p0 $0x108  }
0x21: {  	s3 =	sadd.s32 s3, s9;
	s6 =	sadd.s32 @!p0 $0x88, s6;
	s7 =	simm.s32 @p2 $0x1082  }
0x22: {  	[simem:s7], [sflag:s8] =	dma.local @!p0 [hbm:s6], $0xF7A  }
0x23: {  	s9 =	sor.u32 $0xD0000000, s2;
	s6 =	simm.s32 $0x108;
	_ =	swait.ge @!p0 [sflag:s8], $0x0  }
0x24: {  	s3 =	sadd.s32 $0x88, s3;
	s6 =	simm.s32 @!p1 $0x1082;
	[sflag:s4] =	ssyncset.s32 $0xFFFFF086  }
0x25: {  	[simem:s6], [sflag:s4] =	dma.local [hbm:s3], $0xF7A  }
0x26: {  	[smem:$0x3F97] =	sst s1;
	(tag) =	ssettag s2;
	_ =	strace s9  }
0x27: {  	s1 =	sld [smem:$0x3FA7]  }
0x28: {  	s2 =	sld [smem:$0x3FA8]  }
0x29: {  	s4 =	sld [smem:$0x3FAA]  }
0x2a: {  	p0 =	seq.s32 s5, $0x0;
	s5 =	sld [smem:$0x3FAB]  }
0x2b: {  	s6 =	sld [smem:$0x3FAC]  }
0x2c: {  	s7 =	sld [smem:$0x3FAD]  }
0x2d: {  	s3 =	simm.s32 $0x108;
	s8 =	sld [smem:$0x3FAE]  }
0x2e: {  	s3 =	simm.s32 @!p0 $0x1082;
	s9 =	sld [smem:$0x3FAF]  }
0x2f: {  	lr =	sadd.s32 s0, s3;
	s0 =	sld [smem:$0x3FA6]  }
0x30: {  	s3 =	sld [smem:$0x3FA9]  }
0x31: {  	[smem:$0x3FB2] =	sst s10  }
0x32: {  	s10 =	sld [smem:$0x3FB0];
	_ =	sdelay $0x3  }
0x33: {  	p0 =	seq.s32 s10, $0x1;
	s10 =	sld [smem:$0x3FB2];
	_ =	sdelay $0x3  }
0x34: {  	[smem:$0x3FB2] =	sst s10  }
0x35: {  	s10 =	sld [smem:$0x3FB1];
	_ =	sdelay $0x3  }
0x36: {  	p1 =	seq.s32 s10, $0x1;
	s10 =	sld [smem:$0x3FB2];
	_ =	sdelay $0x3  }
0x37: {  	[smem:$0x3FB2] =	sst s10  }
0x38: {  	s10 =	sld [smem:$0x3FB3]  }
0x39: {  	_ = 	snop;
	(pc) =	sbr.ind lr, $3  }
0x3a: {  	_ = 	snop  }
0x3b: {  	_ = 	snop  }
0x3c: {  	p2 =	seq.s32 s10, $0x1;
	s10 =	sld [smem:$0x3FB2]  }
0x3d: {  	_ =	shalt  }
0x3e: {  	_ =	shalt  }
0x3f: {  	_ =	shalt  }
0x40: {  	_ =	shalt  }
0x41: {  	_ =	shalt  }
0x42: {  	_ =	shalt  }
0x43: {  	_ =	shalt  }
0x44: {  	_ =	shalt  }
0x45: {  	_ =	shalt  }
0x46: {  	_ =	shalt  }
0x47: {  	_ =	shalt  }
0x48: {  	_ =	shalt  }
0x49: {  	_ =	shalt  }
0x4a: {  	_ =	shalt  }
0x4b: {  	_ =	shalt  }
0x4c: {  	_ =	shalt  }
0x4d: {  	_ =	shalt  }
0x4e: {  	_ =	shalt  }
0x4f: {  	_ =	shalt  }
0x50: {  	_ =	shalt  }
0x51: {  	_ =	shalt  }
0x52: {  	_ =	shalt  }
0x53: {  	_ =	shalt  }
0x54: {  	_ =	shalt  }
0x55: {  	_ =	shalt  }
0x56: {  	_ =	shalt  }
0x57: {  	_ =	shalt  }
0x58: {  	_ =	shalt  }
0x59: {  	_ =	shalt  }
0x5a: {  	_ =	shalt  }
0x5b: {  	_ =	shalt  }
0x5c: {  	_ =	shalt  }
0x5d: {  	_ =	shalt  }
0x5e: {  	_ =	shalt  }
0x5f: {  	_ =	shalt  }
0x60: {  	_ =	shalt  }
0x61: {  	_ =	shalt  }
0x62: {  	_ =	shalt  }
0x63: {  	_ =	shalt  }
0x64: {  	_ =	shalt  }
0x65: {  	_ =	shalt  }
0x66: {  	_ =	shalt  }
0x67: {  	_ =	shalt  }
0x68: {  	_ =	shalt  }
0x69: {  	_ =	shalt  }
0x6a: {  	_ =	shalt  }
0x6b: {  	_ =	shalt  }
0x6c: {  	_ =	shalt  }
0x6d: {  	_ =	shalt  }
0x6e: {  	_ =	shalt  }
0x6f: {  	_ =	shalt  }
0x70: {  	_ =	shalt  }
0x71: {  	_ =	shalt  }
0x72: {  	_ =	shalt  }
0x73: {  	_ =	shalt  }
0x74: {  	_ =	shalt  }
0x75: {  	_ =	shalt  }
0x76: {  	_ =	shalt  }
0x77: {  	_ =	shalt  }
0x78: {  	_ =	shalt  }
0x79: {  	_ =	shalt  }
0x7a: {  	_ =	shalt  }
0x7b: {  	_ =	shalt  }
0x7c: {  	_ =	shalt  }
0x7d: {  	_ =	shalt  }
0x7e: {  	_ =	shalt  }
0x7f: {  	_ =	shalt  }
0x80: {  	_ =	shalt  }
0x81: {  	_ =	shalt  }
0x82: {  	_ =	shalt  }
0x83: {  	_ =	shalt  }
0x84: {  	_ =	shalt  }
0x85: {  	_ =	shalt  }
0x86: {  	_ =	shalt  }
0x87: {  	_ =	shalt  }
.Lfunc_end0:
.L_simem_size_0:
called_computation_lowered:
.L_overlay_start_0:
0x88: {  	s2 =	sld [smem:$0x3FD9]  }
0x89: {  	s3 =	sld [smem:$0x3FFE];
	_ =	sdelay $0x1  }
0x8a: {  	s1 =	srdreg.scid  }
0x8b: {  	s0 =	sand.u32 $0x1, s1  }
0x8c: {  	s16 =	sshll.u32 s0, $0xA;
	s2 =	sadd.s32 s3, s2  }
0x8d: {  	s2 =	sadd.s32 s2, s16  }
0x8e: {  	[smem:$0x3FBE] =	sst s2  }
0x8f: {  	_ = 	snop  }
0x90: {  	(tm) =	ssettm $0x1  }
0x91: {  	s17 =	sld [smem:$0x3FFB];
	_ =	sdelay $0x3  }
0x92: {  	_ =	strace s17  }
0x93: {  	s2 =	sld [smem:$0x3FFC];
	_ =	sdelay $0x3  }
0x94: {  	_ =	strace s2  }
0x95: {  	s2 =	sld [smem:$0x3FFD];
	_ =	sdelay $0x3  }
0x96: {  	_ =	strace s2  }
0x97: {  	_ =	strace $0x8FFFFFFF  }
0x98: {  	s18 =	sld [smem:$0x3FDB];
	_ =	sdelay $0x1  }
0x99: {  	s19 =	simm.s32 $_scs_section_size  }
0x9a: {  	s4 =	simm.s32 $_size__tile_overlayer_lowered;
	s5 =	simm.s32 $_tile_overlayer_lowered  }
0x9b: {  	s22 =	simm.s32 $0x1BFF;
	s21 =	sshll.u32 s5, $0x1;
	s2 =	sadd.s32 s19, s18  }
0x9c: {  	s6 =	simm.s32 $0x0;
	s20 =	sshll.u32 s4, $0x1;
	s4 =	sadd.s32 s21, s2  }
0x9d: {  	[timem:s6], [sflag:s22] =	dma.local [hbm:s4], s20  }
0x9e: {  	_ =	swait.ge [sflag:s22], s20  }
0x9f: {  	s3 =	ssub.s32 $0x0, s20;
	[sflag:s22] =	ssyncset.done $0x0  }
0xa0: {  	[sflag:s22] =	ssyncadd.s32 s3;
	_ =	sdelay $0x1  }
0xa1: {  	s23 =	simm.s32 $0x1B8B  }
0xa2: {  	_ =	swait.ge [sflag:s23], $0x1  }
0xa3: {  	[sflag:s23] =	ssyncset.done $0x0  }
0xa4: {  	s25 =	simm.s32 $0x1B8E;
	s24 =	sld [smem:$0x3FFE];
	[sflag:s23] =	ssyncadd.s32 $0xFFFFFFFF  }
0xa5: {  	s26 =	simm.s32 $execute0_lowered;
	[smem:$0x3FD2] =	sst s25  }
0xa6: {  	s4 =	sshll.u32 s26, $0x1;
	_ =	strace $0x80000046;
	[dreg:$0x1] =	wrdreg $0xFFFFFFFF  }
0xa7: {  	s28 =	simm.s32 $_size_execute0_lowered;
	s2 =	sadd.s32 s2, s4;
	[dreg:$0x0] =	wrdreg $0x0  }
0xa8: {  	s4 =	sshll.u32 s28, $0x1;
	[dreg:$0x2] =	wrdreg s2  }
0xa9: {  	[dreg:$0x3] =	wrdreg s4  }
0xaa: {  	[dreg:$0x4] =	wrdreg $0xC0  }
0xab: {  	_ =	task [dreg:s6], $0x5FFFF  }
0xac: {  	[dreg:$0x1] =	wrdreg $0xFFFFFFFF  }
0xad: {  	[dreg:$0x0] =	wrdreg $0x60  }
0xae: {  	[dreg:$0x2] =	wrdreg s24  }
0xaf: {  	[dreg:$0x3] =	wrdreg $0x9  }
0xb0: {  	_ =	task.clear_ibuf [dreg:s6], $0x4FFFF;
	_ =	strace $0x90000046  }
0xb1: {  	s29 =	simm.s32 $0x9;
	_ =	strace $0x80000048  }
0xb2: {  	_ =	swait.ge [sflag:s29], $0x1  }
0xb3: {  	[sflag:s29] =	ssyncadd.s32 $0xFFFFFFFF  }
0xb4: {  	_ =	strace $0x90000048  }
0xb5: {  	_ =	sfence  }
0xb6: {  	s30 =	sld [smem:$0x0];
	_ =	sdelay $0x2  }
0xb7: {  	s31 =	sshll.u32 s1, $0xD;
	s1 =	sshrl.u32 s1, $0x2  }
0xb8: {  	s3 =	sand.u32 $0x4000, s31;
	s1 =	sadd.s32 s1, s30  }
0xb9: {  	s0 =	sor.u32 s3, s0;
	s1 =	sshll.u32 s1, $0x11  }
0xba: {  	s0 =	sor.u32 s1, s0  }
0xbb: {  	s0 =	sadd.s32 $0x8F2B, s0  }
0xbc: {  	[sflag:s0] =	ssyncadd.remote.s32 $0x1  }
0xbd: {  	_ =	sfence.sel $0xFFFF  }
0xbe: {  	[dreg:$0x0] =	wrdreg $0xFFFFFFFF;
	(pc) =	sbr.abs _section_cstart, $3  }
0xbf: {  	[dreg:$0x1] =	wrdreg $0xFFFFFFFF  }
0xc0: {  	_ =	task.clear_ibuf [dreg:s6], $0x2FFFF;
	_ =	strace $0x9FFFFFFF  }
0xc1: {  	(tm) =	ssettm $0x7FFFFFFF  }
tec
execute0_lowered:
.L_overlay_start_1:
0x0: {  	(tag) =	ssettag $0x1  }
0x1: {  	s0 =	rddreg [dreg:$0x0]  }
0x2: {  	s1 =	srdreg.scid;
	s3 =	stileid.u32  }
0x3: {  	s2 =	simm.s32 $0x0;
	s13 =	simm.s32 $0x2;
	s31 =	simm.s32 $0x7D80  }
0x4: {  	s14 =	simm.s32 $0x9580;
	s15 =	simm.s32 $0x9D80;
	s8 =	simm.s32 $0xB580  }
0x5: {  	s9 =	simm.s32 $0xBD80;
	s10 =	simm.s32 $0xC580;
	s1 =	sand.u32 $0x1, s1  }
0x6: {  	s3 =	sshll.u32 s3, $0xA;
	s4 =	sshll.u32 s1, $0x9;
	s1 =	ssub.s32 $0x2, s1  }
0x7: {  	[smem:$0x7FF] =	sst s2;
	s3 =	sor.u32 s4, s3;
	s7 =	sshrl.u32 s1, $0x1  }
0x8: {  	s5 =	sadd.s32 $0x28000, s0;
	s4 =	sshrl.u32 s3, $0x3;
	s23 =	ssub.s32 s1, s7  }
0x9: {  	s6 =	sadd.s32 s4, s0;
	s4 =	sadd.s32 $0x5000, s0;
	s0 =	smax.u32 s23, $0x1  }
0xa: {  	_ =	strace $0x80000047;
	s24 =	sadd.s32 $0x26800, s6;
	[dreg:$0x8] =	wrdreg s0  }
0xb: {  	s11 =	simm.s32 $0x1;
	s25 =	sadd.s32 $0x27000, s6;
	[dreg:$0x2] =	wrdreg s24  }
0xc: {  	s12 =	simm.s32 $0xCD80;
	s26 =	sadd.s32 $0x27800, s6;
	[dreg:$0x3] =	wrdreg s25  }
0xd: {  	s17 =	simm.s32 $0x0;
	s28 =	sadd.s32 $0x25000, s6;
	[dreg:$0x4] =	wrdreg s26  }
0xe: {  	v2 =	vlaneseq.u32;
	s1 =	simm.s32 $0x8D80;
	s29 =	sadd.s32 $0x25800, s6;
	[dreg:$0x5] =	wrdreg s28  }
0xf: {  	vm0 =	vmmov $0xffff;
	v1 =	vshrl.u32 v2, $0x3;
	s7 =	simm.s32 $0xAD80;
	s30 =	sadd.s32 $0x26000, s6;
	[dreg:$0x6] =	wrdreg s29  }
0x10: {  	v0 =	vand.u32 $0x7, v2;
	v2 =	vor.u32 $0x8, v2;
	v1 =	vmul.u32 $0x8, v1;
	s0 =	simm.s32 $0x8580;
	s6 =	simm.s32 $0xA580;
	[dreg:$0x7] =	wrdreg s30  }
.LBB2_1:
0x11: {  	[dreg:$0x9] =	wrdreg s17  }
0x12: {  	s16 =	rddreg [dreg:$0x2]  }
0x13: {  	[tilespmem:s2], [sflag:$0x2] =	stream.linear.gather [hbm4b:s16+s2], $0x200, $0x38;
	[tilespmem:$0x10D80] =	vst v63  }
0x14: {  	_ =	swait.ge [sflag:s13], $0x200  }
0x15: {  	[sflag:s13] =	ssyncset.done $0x0  }
0x16: {  	s26 =	simm.s32 $0x200;
	s25 =	rddreg [dreg:$0x3];
	[sflag:s13] =	ssyncadd.s32 $0xFFFFFE00  }
0x17: {  	[tilespmem:s26], [sflag:$0x2] =	stream.linear.gather [hbm4b:s25+s2], $0x200, $0x38;
	[tilespmem:$0x10D80] =	vst v63  }
0x18: {  	_ =	swait.ge [sflag:s13], $0x200  }
0x19: {  	[sflag:s13] =	ssyncset.done $0x0  }
0x1a: {  	s29 =	simm.s32 $0x400;
	s28 =	rddreg [dreg:$0x4];
	[sflag:s13] =	ssyncadd.s32 $0xFFFFFE00  }
0x1b: {  	[tilespmem:s29], [sflag:$0x2] =	stream.linear.gather [hbm4b:s28+s2], $0x200, $0x38;
	[tilespmem:$0x10D80] =	vst v63  }
0x1c: {  	_ =	swait.ge [sflag:s13], $0x200  }
0x1d: {  	[sflag:s13] =	ssyncset.done $0x0  }
0x1e: {  	s16 =	simm.s32 $0x600;
	s30 =	rddreg [dreg:$0x5];
	[sflag:s13] =	ssyncadd.s32 $0xFFFFFE00  }
0x1f: {  	[tilespmem:s16], [sflag:$0x2] =	stream.linear.gather [hbm4b:s30+s2], $0x200, $0x38;
	[tilespmem:$0x10D80] =	vst v63  }
0x20: {  	_ =	swait.ge [sflag:s13], $0x200  }
0x21: {  	[sflag:s13] =	ssyncset.done $0x0  }
0x22: {  	s17 =	simm.s32 $0x880;
	s18 =	rddreg [dreg:$0x6];
	[sflag:s13] =	ssyncadd.s32 $0xFFFFFE00  }
0x23: {  	[tilespmem:s17], [sflag:$0x2] =	stream.linear.gather [hbm4b:s18+s2], $0x200, $0x38;
	[tilespmem:$0x10D80] =	vst v63  }
0x24: {  	_ =	swait.ge [sflag:s13], $0x200  }
0x25: {  	[sflag:s13] =	ssyncset.done $0x0  }
0x26: {  	s18 =	simm.s32 $0xB00;
	s19 =	rddreg [dreg:$0x7];
	[sflag:s13] =	ssyncadd.s32 $0xFFFFFE00  }
0x27: {  	[tilespmem:s18], [sflag:$0x2] =	stream.linear.gather [hbm4b:s19+s2], $0x200, $0x38;
	[tilespmem:$0x10D80] =	vst v63  }
0x28: {  	_ =	swait.ge [sflag:s13], $0x200  }
0x29: {  	[sflag:s13] =	ssyncset.done $0x0  }
0x2a: {  	s19 =	simm.s32 $0x0;
	[sflag:s13] =	ssyncadd.s32 $0xFFFFFE00  }
.LBB2_2:
0x2b: {  	s20 =	sshll.u32 s19, $0x6  }
0x2c: {  	v3 =	vld [tilespmem:s20+$0x0];
	_ =	sdelay $0x4  }
0x2d: {  	v4 =	vshll.u32 v3, $0x1  }
0x2e: {  	v3 =	vand.u32 $0x7, v3;
	v4 =	vand.u32 $0xFFFFFFF0, v4  }
0x2f: {  	v3 =	vor.u32 v3, v4  }
0x30: {  	v4 =	vperm.xlane v3, v0;
	_ =	sdelay $0x1  }
0x31: {  	v3 =	vperm.xlane v3, v2;
	v4 =	vadd.s32 v1, v4;
	_ =	sdelay $0x1  }
0x32: {  	v3 =	vadd.s32 v1, v3;
	_ =	sdelay $0x1  }
0x33: {  	s21 =	simm.s32 $0x0;
	s22 =	simm.s32 $0xD80  }
0x34: {  	[tilespmem:s22], [sflag:$0x1] =	stream.indirect_vreg.gather [hbm4b:s4+s21], $0x80, v4, vm0, $0xb8;
	[tilespmem:$0x10D80] =	vst v63  }
0x35: {  	s23 =	simm.s32 $0x1580  }
0x36: {  	[tilespmem:s23], [sflag:$0x1] =	stream.indirect_vreg.gather [hbm4b:s4+s21], $0x80, v3, vm0, $0xb8;
	[tilespmem:$0x10D80] =	vst v63  }
0x37: {  	v3 =	vld [tilespmem:s20+$0x10];
	_ =	sdelay $0x4  }
0x38: {  	v4 =	vshll.u32 v3, $0x1  }
0x39: {  	v3 =	vand.u32 $0x7, v3;
	v4 =	vand.u32 $0xFFFFFFF0, v4  }
0x3a: {  	v3 =	vor.u32 v3, v4  }
0x3b: {  	v4 =	vperm.xlane v3, v0;
	_ =	sdelay $0x1  }
0x3c: {  	v3 =	vperm.xlane v3, v2;
	v4 =	vadd.s32 v1, v4;
	_ =	sdelay $0x1  }
0x3d: {  	v3 =	vadd.s32 v1, v3;
	_ =	sdelay $0x1  }
0x3e: {  	s24 =	simm.s32 $0x1D80  }
0x3f: {  	[tilespmem:s24], [sflag:$0x1] =	stream.indirect_vreg.gather [hbm4b:s4+s21], $0x80, v4, vm0, $0xb8;
	[tilespmem:$0x10D80] =	vst v63  }
0x40: {  	s25 =	simm.s32 $0x2580  }
0x41: {  	[tilespmem:s25], [sflag:$0x1] =	stream.indirect_vreg.gather [hbm4b:s4+s21], $0x80, v3, vm0, $0xb8;
	[tilespmem:$0x10D80] =	vst v63  }
0x42: {  	v3 =	vld [tilespmem:s20+$0x20];
	_ =	sdelay $0x4  }
0x43: {  	v4 =	vshll.u32 v3, $0x1  }
0x44: {  	v3 =	vand.u32 $0x7, v3;
	v4 =	vand.u32 $0xFFFFFFF0, v4  }
0x45: {  	v3 =	vor.u32 v3, v4  }
0x46: {  	v4 =	vperm.xlane v3, v0;
	_ =	sdelay $0x1  }
0x47: {  	v3 =	vperm.xlane v3, v2;
	v4 =	vadd.s32 v1, v4;
	_ =	sdelay $0x1  }
0x48: {  	v3 =	vadd.s32 v1, v3;
	_ =	sdelay $0x1  }
0x49: {  	s26 =	simm.s32 $0x2D80  }
0x4a: {  	[tilespmem:s26], [sflag:$0x1] =	stream.indirect_vreg.gather [hbm4b:s4+s21], $0x80, v4, vm0, $0xb8;
	[tilespmem:$0x10D80] =	vst v63  }
0x4b: {  	s28 =	simm.s32 $0x3580  }
0x4c: {  	[tilespmem:s28], [sflag:$0x1] =	stream.indirect_vreg.gather [hbm4b:s4+s21], $0x80, v3, vm0, $0xb8;
	[tilespmem:$0x10D80] =	vst v63  }
0x4d: {  	v3 =	vld [tilespmem:s20+$0x30];
	_ =	sdelay $0x4  }
0x4e: {  	v4 =	vshll.u32 v3, $0x1  }
0x4f: {  	v3 =	vand.u32 $0x7, v3;
	v4 =	vand.u32 $0xFFFFFFF0, v4  }
0x50: {  	v3 =	vor.u32 v3, v4  }
0x51: {  	v4 =	vperm.xlane v3, v0;
	_ =	sdelay $0x1  }
0x52: {  	v3 =	vperm.xlane v3, v2;
	v4 =	vadd.s32 v1, v4;
	_ =	sdelay $0x1  }
0x53: {  	v3 =	vadd.s32 v1, v3;
	_ =	sdelay $0x1  }
0x54: {  	s29 =	simm.s32 $0x3D80  }
0x55: {  	[tilespmem:s29], [sflag:$0x1] =	stream.indirect_vreg.gather [hbm4b:s4+s21], $0x80, v4, vm0, $0xb8;
	[tilespmem:$0x10D80] =	vst v63  }
0x56: {  	s30 =	simm.s32 $0x4580  }
0x57: {  	[tilespmem:s30], [sflag:$0x1] =	stream.indirect_vreg.gather [hbm4b:s4+s21], $0x80, v3, vm0, $0xb8;
	[tilespmem:$0x10D80] =	vst v63  }
0x58: {  	v3 =	vld [tilespmem:s20+$0x200];
	_ =	sdelay $0x4  }
0x59: {  	v4 =	vshll.u32 v3, $0x1  }
0x5a: {  	v3 =	vand.u32 $0x7, v3;
	v4 =	vand.u32 $0xFFFFFFF0, v4  }
0x5b: {  	v3 =	vor.u32 v3, v4  }
0x5c: {  	v4 =	vperm.xlane v3, v0;
	_ =	sdelay $0x1  }
0x5d: {  	v3 =	vperm.xlane v3, v2;
	v4 =	vadd.s32 v1, v4;
	_ =	sdelay $0x1  }
0x5e: {  	v3 =	vadd.s32 v1, v3;
	_ =	sdelay $0x1  }
0x5f: {  	s23 =	simm.s32 $0x4D80  }
0x60: {  	[tilespmem:s23], [sflag:$0x1] =	stream.indirect_vreg.gather [hbm4b:s4+s21], $0x80, v4, vm0, $0xb8;
	[tilespmem:$0x10D80] =	vst v63  }
0x61: {  	s24 =	simm.s32 $0x5580  }
0x62: {  	[tilespmem:s24], [sflag:$0x1] =	stream.indirect_vreg.gather [hbm4b:s4+s21], $0x80, v3, vm0, $0xb8;
	[tilespmem:$0x10D80] =	vst v63  }
0x63: {  	v3 =	vld [tilespmem:s20+$0x210];
	_ =	sdelay $0x4  }
0x64: {  	v4 =	vshll.u32 v3, $0x1  }
0x65: {  	v3 =	vand.u32 $0x7, v3;
	v4 =	vand.u32 $0xFFFFFFF0, v4  }
0x66: {  	v3 =	vor.u32 v3, v4  }
0x67: {  	v4 =	vperm.xlane v3, v0;
	_ =	sdelay $0x1  }
0x68: {  	v3 =	vperm.xlane v3, v2;
	v4 =	vadd.s32 v1, v4;
	_ =	sdelay $0x1  }
0x69: {  	v3 =	vadd.s32 v1, v3;
	_ =	sdelay $0x1  }
0x6a: {  	s25 =	simm.s32 $0x5D80  }
0x6b: {  	[tilespmem:s25], [sflag:$0x1] =	stream.indirect_vreg.gather [hbm4b:s4+s21], $0x80, v4, vm0, $0xb8;
	[tilespmem:$0x10D80] =	vst v63  }
0x6c: {  	s26 =	simm.s32 $0x6580  }
0x6d: {  	[tilespmem:s26], [sflag:$0x1] =	stream.indirect_vreg.gather [hbm4b:s4+s21], $0x80, v3, vm0, $0xb8;
	[tilespmem:$0x10D80] =	vst v63  }
0x6e: {  	v3 =	vld [tilespmem:s20+$0x220];
	_ =	sdelay $0x4  }
0x6f: {  	v4 =	vshll.u32 v3, $0x1  }
0x70: {  	v3 =	vand.u32 $0x7, v3;
	v4 =	vand.u32 $0xFFFFFFF0, v4  }
0x71: {  	v3 =	vor.u32 v3, v4  }
0x72: {  	v4 =	vperm.xlane v3, v0;
	_ =	sdelay $0x1  }
0x73: {  	v3 =	vperm.xlane v3, v2;
	v4 =	vadd.s32 v1, v4;
	_ =	sdelay $0x1  }
0x74: {  	v3 =	vadd.s32 v1, v3;
	_ =	sdelay $0x1  }
0x75: {  	s28 =	simm.s32 $0x6D80  }
0x76: {  	[tilespmem:s28], [sflag:$0x1] =	stream.indirect_vreg.gather [hbm4b:s4+s21], $0x80, v4, vm0, $0xb8;
	[tilespmem:$0x10D80] =	vst v63  }
0x77: {  	s29 =	simm.s32 $0x7580  }
0x78: {  	[tilespmem:s29], [sflag:$0x1] =	stream.indirect_vreg.gather [hbm4b:s4+s21], $0x80, v3, vm0, $0xb8;
	[tilespmem:$0x10D80] =	vst v63  }
0x79: {  	v3 =	vld [tilespmem:s20+$0x230];
	_ =	sdelay $0x4  }
0x7a: {  	v4 =	vshll.u32 v3, $0x1  }
0x7b: {  	v3 =	vand.u32 $0x7, v3;
	v4 =	vand.u32 $0xFFFFFFF0, v4  }
0x7c: {  	v3 =	vor.u32 v3, v4  }
0x7d: {  	v4 =	vperm.xlane v3, v0;
	_ =	sdelay $0x1  }
0x7e: {  	v3 =	vperm.xlane v3, v2;
	v4 =	vadd.s32 v1, v4;
	_ =	sdelay $0x1  }
0x7f: {  	v3 =	vadd.s32 v1, v3;
	_ =	sdelay $0x2  }
0x80: {  	[tilespmem:s31], [sflag:$0x1] =	stream.indirect_vreg.gather [hbm4b:s4+s21], $0x80, v4, vm0, $0xb8;
	[tilespmem:$0x10D80] =	vst v63  }
0x81: {  	_ = 	snop  }
0x82: {  	[tilespmem:s0], [sflag:$0x1] =	stream.indirect_vreg.gather [hbm4b:s4+s21], $0x80, v3, vm0, $0xb8;
	[tilespmem:$0x10D80] =	vst v63  }
0x83: {  	v3 =	vld [tilespmem:s20+$0x400];
	_ =	sdelay $0x4  }
0x84: {  	v4 =	vshll.u32 v3, $0x1  }
0x85: {  	v3 =	vand.u32 $0x7, v3;
	v4 =	vand.u32 $0xFFFFFFF0, v4  }
0x86: {  	v3 =	vor.u32 v3, v4  }
0x87: {  	v4 =	vperm.xlane v3, v0;
	_ =	sdelay $0x1  }
0x88: {  	v3 =	vperm.xlane v3, v2;
	v4 =	vadd.s32 v1, v4;
	_ =	sdelay $0x1  }
0x89: {  	v3 =	vadd.s32 v1, v3;
	_ =	sdelay $0x2  }
0x8a: {  	[tilespmem:s1], [sflag:$0x1] =	stream.indirect_vreg.gather [hbm4b:s4+s21], $0x80, v4, vm0, $0xb8;
	[tilespmem:$0x10D80] =	vst v63  }
0x8b: {  	_ = 	snop  }
0x8c: {  	[tilespmem:s14], [sflag:$0x1] =	stream.indirect_vreg.gather [hbm4b:s4+s21], $0x80, v3, vm0, $0xb8;
	[tilespmem:$0x10D80] =	vst v63  }
0x8d: {  	v3 =	vld [tilespmem:s20+$0x410];
	_ =	sdelay $0x4  }
0x8e: {  	v4 =	vshll.u32 v3, $0x1  }
0x8f: {  	v3 =	vand.u32 $0x7, v3;
	v4 =	vand.u32 $0xFFFFFFF0, v4  }
0x90: {  	v3 =	vor.u32 v3, v4  }
0x91: {  	v4 =	vperm.xlane v3, v0;
	_ =	sdelay $0x1  }
0x92: {  	v3 =	vperm.xlane v3, v2;
	v4 =	vadd.s32 v1, v4;
	_ =	sdelay $0x1  }
0x93: {  	v3 =	vadd.s32 v1, v3;
	_ =	sdelay $0x2  }
0x94: {  	[tilespmem:s15], [sflag:$0x1] =	stream.indirect_vreg.gather [hbm4b:s4+s21], $0x80, v4, vm0, $0xb8;
	[tilespmem:$0x10D80] =	vst v63  }
0x95: {  	_ = 	snop  }
0x96: {  	[tilespmem:s6], [sflag:$0x1] =	stream.indirect_vreg.gather [hbm4b:s4+s21], $0x80, v3, vm0, $0xb8;
	[tilespmem:$0x10D80] =	vst v63  }
0x97: {  	v3 =	vld [tilespmem:s20+$0x420];
	_ =	sdelay $0x4  }
0x98: {  	v4 =	vshll.u32 v3, $0x1  }
0x99: {  	v3 =	vand.u32 $0x7, v3;
	v4 =	vand.u32 $0xFFFFFFF0, v4  }
0x9a: {  	v3 =	vor.u32 v3, v4  }
0x9b: {  	v4 =	vperm.xlane v3, v0;
	_ =	sdelay $0x1  }
0x9c: {  	v3 =	vperm.xlane v3, v2;
	v4 =	vadd.s32 v1, v4;
	_ =	sdelay $0x1  }
0x9d: {  	v3 =	vadd.s32 v1, v3;
	_ =	sdelay $0x2  }
0x9e: {  	[tilespmem:s7], [sflag:$0x1] =	stream.indirect_vreg.gather [hbm4b:s4+s21], $0x80, v4, vm0, $0xb8;
	[tilespmem:$0x10D80] =	vst v63  }
0x9f: {  	_ = 	snop  }
0xa0: {  	[tilespmem:s8], [sflag:$0x1] =	stream.indirect_vreg.gather [hbm4b:s4+s21], $0x80, v3, vm0, $0xb8;
	[tilespmem:$0x10D80] =	vst v63  }
0xa1: {  	v3 =	vld [tilespmem:s20+$0x430];
	_ =	sdelay $0x4  }
0xa2: {  	v4 =	vshll.u32 v3, $0x1  }
0xa3: {  	v3 =	vand.u32 $0x7, v3;
	v4 =	vand.u32 $0xFFFFFFF0, v4  }
0xa4: {  	v3 =	vor.u32 v3, v4  }
0xa5: {  	v4 =	vperm.xlane v3, v0;
	_ =	sdelay $0x1  }
0xa6: {  	v3 =	vperm.xlane v3, v2;
	v4 =	vadd.s32 v1, v4;
	_ =	sdelay $0x1  }
0xa7: {  	v3 =	vadd.s32 v1, v3;
	_ =	sdelay $0x2  }
0xa8: {  	[tilespmem:s9], [sflag:$0x1] =	stream.indirect_vreg.gather [hbm4b:s4+s21], $0x80, v4, vm0, $0xb8;
	[tilespmem:$0x10D80] =	vst v63  }
0xa9: {  	_ = 	snop  }
0xaa: {  	[tilespmem:s10], [sflag:$0x1] =	stream.indirect_vreg.gather [hbm4b:s4+s21], $0x80, v3, vm0, $0xb8;
	[tilespmem:$0x10D80] =	vst v63  }
0xab: {  	_ =	swait.ge [sflag:s11], $0x4000  }
0xac: {  	[sflag:s11] =	ssyncset.done $0x0  }
0xad: {  	[sflag:s11] =	ssyncadd.s32 $0xFFFFC000  }
0xae: {  	_ =	swait.ge [sflag:s11], $0x4000  }
0xaf: {  	[sflag:s11] =	ssyncset.done $0x0  }
0xb0: {  	[sflag:s11] =	ssyncadd.s32 $0xFFFFC000  }
0xb1: {  	_ =	swait.ge [sflag:s11], $0x4000  }
0xb2: {  	s30 =	sand.u32 $0x3800, s21;
	s21 =	sand.u32 $0x380, s21;
	[sflag:s11] =	ssyncset.done $0x0  }
0xb3: {  	s21 =	sor.u32 s21, s30;
	[sflag:s11] =	ssyncadd.s32 $0xFFFFC000  }
0xb4: {  	v29 =	vld [tilespmem:s21+$0xD80]  }
0xb5: {  	v33 =	vld [tilespmem:s21+$0x4D80]  }
0xb6: {  	v3 =	vld [tilespmem:s21+$0xD90]  }
0xb7: {  	v9 =	vld [tilespmem:s21+$0x4D90]  }
0xb8: {  	v11 =	vld [tilespmem:s21+$0xDA0]  }
0xb9: {  	v5 =	vld [tilespmem:s21+$0x4DA0]  }
0xba: {  	v34 =	vld [tilespmem:s21+$0xDB0]  }
0xbb: {  	v36 =	vld [tilespmem:s21+$0x4DB0]  }
0xbc: {  	v23 =	vld [tilespmem:s21+$0xDC0]  }
0xbd: {  	v7 =	vld [tilespmem:s21+$0x4DC0]  }
0xbe: {  	v25 =	vld [tilespmem:s21+$0xDD0]  }
0xbf: {  	v19 =	vld [tilespmem:s21+$0x4DD0]  }
0xc0: {  	v22 =	vld [tilespmem:s21+$0xDE0]  }
0xc1: {  	v38 =	vld [tilespmem:s21+$0x4DE0]  }
0xc2: {  	v27 =	vld [tilespmem:s21+$0xDF0]  }
0xc3: {  	v28 =	vld [tilespmem:s21+$0x1180]  }
0xc4: {  	v13 =	vld [tilespmem:s21+$0x91E0]  }
0xc5: {  	v4 =	vld [tilespmem:s21+$0x8DD0]  }
0xc6: {  	v6 =	vld [tilespmem:s21+$0x8DB0]  }
0xc7: {  	v10 =	vld [tilespmem:s21+$0x91D0]  }
0xc8: {  	v8 =	vld [tilespmem:s21+$0x91A0]  }
0xc9: {  	v16 =	vld [tilespmem:s21+$0x91B0]  }
0xca: {  	v14 =	vld [tilespmem:s21+$0x51A0]  }
0xcb: {  	v20 =	vld [tilespmem:s21+$0x8D80]  }
0xcc: {  	v26 =	vld [tilespmem:s21+$0x8DF0]  }
0xcd: {  	v18 =	vld [tilespmem:s21+$0x1190]  }
0xce: {  	v17 =	vld [tilespmem:s21+$0x8DA0]  }
0xcf: {  	v32 =	vld [tilespmem:s21+$0x8DE0]  }
0xd0: {  	v24 =	vld [tilespmem:s21+$0x9190]  }
0xd1: {  	v31 =	vld [tilespmem:s21+$0x8D90]  }
0xd2: {  	v35 =	vld [tilespmem:s21+$0x91C0]  }
0xd3: {  	v47 =	vld [tilespmem:s21+$0x51C0]  }
0xd4: {  	v12 =	vld [tilespmem:s21+$0x91F0]  }
0xd5: {  	v42 =	vld [tilespmem:s21+$0x11C0]  }
0xd6: {  	v39 =	vld [tilespmem:s21+$0x51F0]  }
0xd7: {  	v37 =	vld [tilespmem:s21+$0x51D0]  }
0xd8: {  	v21 =	vld.msk [tilespmem:s17+$0x0 ss:$0x0], $0xffff  }
0xd9: {  	v30 =	vld.msk [tilespmem:s16+$0x0 ss:$0x0], $0xffff  }
0xda: {  	v43 =	vld [tilespmem:s21+$0x4DF0]  }
0xdb: {  	v44 =	vld [tilespmem:s21+$0x11E0]  }
0xdc: {  	v15 =	vld.msk [tilespmem:s18+$0x0 ss:$0x0], $0xffff  }
0xdd: {  	v50 =	vld [tilespmem:s21+$0x5190]  }
0xde: {  	v63 =	vld [tilespmem:s21+$0x11A0];
	v51 =	vmul.f32 v33, v21;
	v40 =	vmul.f32 v37, v21  }
0xdf: {  	v52 =	vld [tilespmem:s21+$0x11B0];
	v41 =	vmul.f32 v34, v30;
	v37 =	vmul.f32 v43, v21  }
0xe0: {  	v48 =	vld [tilespmem:s21+$0x11F0];
	v53 =	vmul.f32 v29, v30;
	v43 =	vmul.f32 v38, v21  }
0xe1: {  	v46 =	vmul.f32 v44, v30;
	v34 =	vld [tilespmem:s21+$0x51E0];
	v45 =	vmul.f32 v39, v21  }
0xe2: {  	v39 =	vmul.f32 v36, v21;
	v36 =	vld [tilespmem:s21+$0x5180];
	v49 =	vmul.f32 v42, v30  }
0xe3: {  	s22 =	sadd.s32 $0x1, s16;
	s23 =	simm.s32 $0x80;
	v44 =	vld [tilespmem:s21+$0x9180];
	v29 =	vmul.f32 v50, v21;
	v33 =	vmul.f32 v63, v30  }
0xe4: {  	s24 =	sadd.s32 $0x1, s18;
	s25 =	sadd.s32 $0x1, s17;
	s26 =	simm.s32 $0x100;
	v42 =	vmul.f32 v52, v30;
	v50 =	vmul.f32 v47, v21;
	v47 =	vld [tilespmem:s21+$0x11D0];
	v38 =	vadd.f32 v51, v53  }
.LBB2_3:
0xe5: {  	s29 =	smov.u32 s26  }
0xe6: {  	s28 =	sand.u32 $0x3800, s26;
	s30 =	sand.u32 $0x380, s23;
	v51 =	vmul.f32 v23, v30;
	v23 =	vld [tilespmem:s21+$0x51B0];
	v48 =	vmul.f32 v48, v30;
	s29 =	sadd.s32 $0x100, s26  }
0xe7: {  	p0 =	sne.s32 s26, $0x3F00;
	v25 =	vmul.f32 v25, v30;
	s28 =	sor.u32 s30, s28;
	v49 =	vadd.f32 v50, v49;
	v50 =	vmul.f32 v34, v21;
	v52 =	vld [tilespmem:s21+$0x8DC0]  }
0xe8: {  	v53 =	vmul.f32 v11, v30;
	v54 =	vmul.f32 v36, v21;
	v34 =	vld [tilespmem:s28+$0xD80]  }
0xe9: {  	v19 =	vmul.f32 v19, v21;
	v22 =	vmul.f32 v22, v30;
	v46 =	vadd.f32 v50, v46;
	v36 =	vld [tilespmem:s28+$0x4D80]  }
0xea: {  	v27 =	vmul.f32 v27, v30;
	v45 =	vadd.f32 v45, v48;
	v47 =	vmul.f32 v47, v30;
	v50 =	vld [tilespmem:s28+$0xD90]  }
0xeb: {  	v55 =	vadd.f32 v39, v41;
	v28 =	vmul.f32 v28, v30;
	v56 =	vmul.f32 v13, v15;
	v48 =	vld [tilespmem:s28+$0x4D90]  }
0xec: {  	v57 =	vadd.f32 v19, v25;
	v13 =	vmul.f32 v23, v21;
	v11 =	vld [tilespmem:s28+$0xDA0];
	v52 =	vmul.f32 v52, v15  }
0xed: {  	v25 =	vmul.f32 v44, v15;
	v19 =	vadd.f32 v54, v28;
	v23 =	vmul.f32 v35, v15;
	v58 =	vld [tilespmem:s28+$0x4DA0]  }
0xee: {  	v31 =	vmul.f32 v31, v15;
	v28 =	vmul.f32 v9, v21;
	v35 =	vadd.f32 v40, v47;
	v41 =	vld [tilespmem:s28+$0xDB0]  }
0xef: {  	v5 =	vmul.f32 v5, v21;
	v24 =	vmul.f32 v24, v15;
	v47 =	vadd.f32 v23, v49;
	v39 =	vld [tilespmem:s28+$0x4DB0]  }
0xf0: {  	v32 =	vmul.f32 v32, v15;
	v22 =	vadd.f32 v43, v22;
	v40 =	vmul.f32 v3, v30;
	v3 =	vmovc v50;
	v23 =	vld [tilespmem:s28+$0xDC0]  }
0xf1: {  	v17 =	vmul.f32 v17, v15;
	v18 =	vmul.f32 v18, v30;
	v44 =	vadd.f32 v25, v19;
	v43 =	vld [tilespmem:s28+$0x4DC0];
	[tilespmem:s21+$0xD1C0] =	vst v47  }
0xf2: {  	v26 =	vmul.f32 v26, v15;
	v27 =	vadd.f32 v37, v27;
	v30 =	vadd.f32 v32, v22;
	v9 =	vmovc v48;
	v25 =	vld [tilespmem:s28+$0xDD0]  }
0xf3: {  	v20 =	vmul.f32 v20, v15;
	v14 =	vmul.f32 v14, v21;
	v32 =	vadd.f32 v5, v53;
	v19 =	vld [tilespmem:s28+$0x4DD0];
	[tilespmem:s21+$0xD180] =	vst v44  }
0xf4: {  	v16 =	vmul.f32 v16, v15;
	v47 =	vmul.f32 v7, v21;
	v21 =	vadd.f32 v26, v27;
	v22 =	vld [tilespmem:s28+$0xDE0];
	[tilespmem:s21+$0xCDE0] =	vst v30  }
0xf5: {  	v20 =	vadd.f32 v20, v38;
	v26 =	vmul.f32 v8, v15;
	v8 =	vadd.f32 v13, v42;
	v5 =	vmovc v58;
	v44 =	vld [tilespmem:s28+$0x4DE0]  }
0xf6: {  	v10 =	vmul.f32 v10, v15;
	v37 =	vadd.f32 v47, v51;
	v30 =	vadd.f32 v28, v40;
	v27 =	vld [tilespmem:s28+$0xDF0];
	v7 =	vmovc v43  }
0xf7: {  	v14 =	vadd.f32 v14, v33;
	v28 =	vld [tilespmem:s28+$0x1180];
	[tilespmem:s21+$0xCD80] =	vst v20;
	v20 =	vmul.f32 v6, v15;
	v6 =	vadd.f32 v16, v8  }
0xf8: {  	v10 =	vadd.f32 v10, v35;
	v30 =	vadd.f32 v31, v30;
	v8 =	vmul.f32 v4, v15;
	v13 =	vld [tilespmem:s28+$0x91E0];
	[tilespmem:s21+$0xCDF0] =	vst v21  }
0xf9: {  	v12 =	vmul.f32 v12, v15;
	v18 =	vadd.f32 v29, v18;
	v16 =	vadd.f32 v52, v37;
	v4 =	vld [tilespmem:s28+$0x8DD0];
	[tilespmem:s21+$0xD1B0] =	vst v6  }
0xfa: {  	v15 =	vadd.f32 v17, v32;
	v17 =	vadd.f32 v8, v57;
	v6 =	vld [tilespmem:s28+$0x8DB0];
	[tilespmem:s21+$0xD1D0] =	vst v10  }
0xfb: {  	v21 =	vadd.f32 v24, v18;
	v24 =	vadd.f32 v56, v46;
	v10 =	vld [tilespmem:s28+$0x91D0];
	[tilespmem:s21+$0xCDC0] =	vst v16  }
0xfc: {  	v12 =	vadd.f32 v12, v45;
	v18 =	vadd.f32 v20, v55;
	v8 =	vld [tilespmem:s28+$0x91A0];
	[tilespmem:s21+$0xCDD0] =	vst v17  }
0xfd: {  	v17 =	vadd.f32 v26, v14;
	v16 =	vld [tilespmem:s28+$0x91B0];
	[tilespmem:s21+$0xCD90] =	vst v30  }
0xfe: {  	v14 =	vld [tilespmem:s28+$0x51A0];
	[tilespmem:s21+$0xCDB0] =	vst v18  }
0xff: {  	v20 =	vld [tilespmem:s28+$0x8D80];
	[tilespmem:s21+$0xD1A0] =	vst v17  }
0x100: {  	v26 =	vld [tilespmem:s28+$0x8DF0];
	[tilespmem:s21+$0xD1F0] =	vst v12  }
0x101: {  	v18 =	vld [tilespmem:s28+$0x1190];
	[tilespmem:s21+$0xD1E0] =	vst v24  }
0x102: {  	v17 =	vld [tilespmem:s28+$0x8DA0];
	[tilespmem:s21+$0xD190] =	vst v21  }
0x103: {  	v32 =	vld [tilespmem:s28+$0x8DE0];
	[tilespmem:s21+$0xCDA0] =	vst v15;
	s21 =	smov.u32 s28  }
0x104: {  	v24 =	vld [tilespmem:s21+$0x9190]  }
0x105: {  	v31 =	vld [tilespmem:s21+$0x8D90]  }
0x106: {  	v35 =	vld [tilespmem:s21+$0x91C0]  }
0x107: {  	v47 =	vld [tilespmem:s21+$0x51C0]  }
0x108: {  	v12 =	vld [tilespmem:s21+$0x91F0]  }
0x109: {  	v29 =	vld [tilespmem:s21+$0x11C0]  }
0x10a: {  	v33 =	vld [tilespmem:s21+$0x51F0]  }
0x10b: {  	v37 =	vld [tilespmem:s21+$0x51D0]  }
0x10c: {  	v21 =	vld.msk [tilespmem:s25+$0x0 ss:$0x0], $0xffff  }
0x10d: {  	v30 =	vld.msk [tilespmem:s22+$0x0 ss:$0x0], $0xffff  }
0x10e: {  	v38 =	vld [tilespmem:s21+$0x4DF0]  }
0x10f: {  	v42 =	vld [tilespmem:s21+$0x11E0]  }
0x110: {  	v15 =	vld.msk [tilespmem:s24+$0x0 ss:$0x0], $0xffff  }
0x111: {  	v50 =	vld [tilespmem:s21+$0x5190]  }
0x112: {  	v36 =	vmul.f32 v36, v21;
	v40 =	vmul.f32 v37, v21;
	v51 =	vld [tilespmem:s21+$0x11A0]  }
0x113: {  	v41 =	vmul.f32 v41, v30;
	v37 =	vmul.f32 v38, v21;
	v52 =	vld [tilespmem:s21+$0x11B0]  }
.Ltmp0:
0x114: {  	v43 =	vmul.f32 v44, v21;
	v38 =	vmul.f32 v34, v30;
	v48 =	vld [tilespmem:s21+$0x11F0];
	(pc) =	sbr.rel @p0 .LBB2_3-.Ltmp0, $4  }
0x115: {  	v45 =	vmul.f32 v33, v21;
	v46 =	vmul.f32 v42, v30;
	v34 =	vld [tilespmem:s21+$0x51E0]  }
0x116: {  	v39 =	vmul.f32 v39, v21;
	v49 =	vmul.f32 v29, v30;
	v38 =	vadd.f32 v36, v38;
	v36 =	vld [tilespmem:s21+$0x5180]  }
0x117: {  	s23 =	sadd.s32 $0x80, s23;
	s22 =	sadd.s32 $0x1, s22;
	v29 =	vmul.f32 v50, v21;
	v44 =	vld [tilespmem:s21+$0x9180];
	v33 =	vmul.f32 v51, v30  }
0x118: {  	s26 =	smov.u32 s29;
	s25 =	sadd.s32 $0x1, s25;
	s24 =	sadd.s32 $0x1, s24;
	v50 =	vmul.f32 v47, v21;
	v42 =	vmul.f32 v52, v30;
	v47 =	vld [tilespmem:s21+$0x11D0]  }
0x119: {  	v23 =	vmul.f32 v23, v30  }
0x11a: {  	v48 =	vmul.f32 v48, v30;
	v25 =	vmul.f32 v25, v30  }
0x11b: {  	v11 =	vmul.f32 v11, v30;
	v19 =	vmul.f32 v19, v21  }
0x11c: {  	v22 =	vmul.f32 v22, v30;
	v27 =	vmul.f32 v27, v30  }
0x11d: {  	v28 =	vmul.f32 v28, v30;
	v32 =	vmul.f32 v32, v15  }
0x11e: {  	v9 =	vmul.f32 v9, v21;
	v20 =	vmul.f32 v20, v15  }
0x11f: {  	v26 =	vmul.f32 v26, v15;
	v7 =	vmul.f32 v7, v21  }
0x120: {  	v16 =	vmul.f32 v16, v15;
	v3 =	vmul.f32 v3, v30  }
0x121: {  	v56 =	vmul.f32 v31, v15;
	v57 =	vadd.f32 v39, v41;
	v6 =	vmul.f32 v6, v15  }
0x122: {  	v49 =	vadd.f32 v50, v49;
	v50 =	vmul.f32 v35, v15;
	v45 =	vadd.f32 v45, v48  }
0x123: {  	v36 =	vmul.f32 v36, v21;
	v22 =	vadd.f32 v43, v22;
	v20 =	vadd.f32 v20, v38  }
0x124: {  	v4 =	vmul.f32 v4, v15;
	v27 =	vadd.f32 v37, v27;
	v6 =	vadd.f32 v6, v57  }
0x125: {  	v51 =	vld [tilespmem:s21+$0x8DC0];
	v14 =	vmul.f32 v14, v21;
	v48 =	vadd.f32 v36, v28;
	v28 =	vadd.f32 v50, v49;
	[tilespmem:s21+$0xCD80] =	vst v20  }
0x126: {  	v8 =	vmul.f32 v8, v15;
	v3 =	vadd.f32 v9, v3;
	v22 =	vadd.f32 v32, v22;
	[tilespmem:s21+$0xCDB0] =	vst v6  }
0x127: {  	v52 =	vld [tilespmem:s21+$0x51B0];
	v12 =	vmul.f32 v12, v15;
	v19 =	vadd.f32 v19, v25;
	v55 =	vadd.f32 v26, v27;
	[tilespmem:s21+$0xD1C0] =	vst v28  }
0x128: {  	v34 =	vmul.f32 v34, v21;
	v58 =	vadd.f32 v14, v33;
	v3 =	vadd.f32 v56, v3;
	[tilespmem:s21+$0xCDE0] =	vst v22  }
0x129: {  	v60 =	vmul.f32 v13, v15;
	v62 =	vmul.f32 v47, v30;
	v4 =	vadd.f32 v4, v19;
	[tilespmem:s21+$0xCDF0] =	vst v55  }
0x12a: {  	v34 =	vadd.f32 v34, v46;
	v63 =	vmul.f32 v51, v15;
	[tilespmem:s21+$0xCD90] =	vst v3;
	v3 =	vadd.f32 v8, v58  }
0x12b: {  	v51 =	vmul.f32 v44, v15;
	v54 =	vadd.f32 v40, v62;
	[tilespmem:s21+$0xCDD0] =	vst v4;
	v62 =	vadd.f32 v12, v45  }
0x12c: {  	v7 =	vadd.f32 v7, v23;
	v52 =	vmul.f32 v52, v21;
	v4 =	vadd.f32 v60, v34;
	[tilespmem:s21+$0xD1A0] =	vst v3  }
0x12d: {  	v10 =	vmul.f32 v10, v15;
	v5 =	vmul.f32 v5, v21;
	v25 =	vadd.f32 v51, v48;
	[tilespmem:s21+$0xD1F0] =	vst v62  }
0x12e: {  	v59 =	vmul.f32 v18, v30;
	v53 =	vadd.f32 v52, v42;
	v7 =	vadd.f32 v63, v7;
	[tilespmem:s21+$0xD1E0] =	vst v4  }
0x12f: {  	v5 =	vadd.f32 v5, v11;
	v63 =	vmul.f32 v17, v15;
	v10 =	vadd.f32 v10, v54;
	[tilespmem:s21+$0xD180] =	vst v25  }
0x130: {  	v61 =	vmul.f32 v24, v15;
	v16 =	vadd.f32 v16, v53;
	[tilespmem:s21+$0xCDC0] =	vst v7;
	v7 =	vadd.f32 v29, v59  }
0x131: {  	v5 =	vadd.f32 v63, v5;
	[tilespmem:s21+$0xD1D0] =	vst v10  }
0x132: {  	s20 =	sadd.s32 s3, s20;
	s19 =	sadd.s32 $0x1, s19;
	[tilespmem:s21+$0xD1B0] =	vst v16;
	v3 =	vadd.f32 v61, v7  }
0x133: {  	s20 =	sshll.u32 s20, $0x5;
	p0 =	sne.s32 s19, $0x8;
	[tilespmem:s21+$0xCDA0] =	vst v5  }
.Ltmp1:
0x134: {  	s20 =	sadd.s32 s5, s20;
	[tilespmem:s21+$0xD190] =	vst v3;
	(pc) =	sbr.rel @p0 .LBB2_2-.Ltmp1, $4  }
0x135: {  	[hbm4b:s20+s2] =	stream.linear.scatter [tilespmem:s12], [sflag:$0x2], $0x4000, $0x38;
	[tilespmem:$0x10D80] =	vst v63  }
0x136: {  	_ =	swait.ge [sflag:s13], $0x4000  }
0x137: {  	s18 =	sadd.s32 $0x40, s18;
	[sflag:s13] =	ssyncset.done $0x0  }
0x138: {  	s17 =	sadd.s32 $0x40, s17;
	s16 =	sadd.s32 $0x40, s16;
	[sflag:s13] =	ssyncadd.s32 $0xFFFFC000  }
0x139: {  	s17 =	rddreg [dreg:$0x9]  }
0x13a: {  	s16 =	rddreg [dreg:$0x8];
	s17 =	sadd.s32 $0x1, s17  }
0x13b: {  	p0 =	sne.s32 s17, s16  }
.Ltmp2:
0x13c: {  	_ = 	snop;
	(pc) =	sbr.rel @p0 .LBB2_1-.Ltmp2, $1  }
0x13d: {  	_ =	sdelay $0x3  }
0x13e: {  	_ =	sfence.sel $0x180000  }
0x13f: {  	[bflag:$0x0] =	sbarrier.arrive $0xFFFF  }
0x140: {  	_ =	strace $0x90000047  }
0x141: {  	s0 =	stileid.u32;
	[bflag:$0x2] =	sbarrier.arrive $0xFFFF  }
0x142: {  	p0 =	sne.s32 s0, $0x0;
	s0 =	rddreg [dreg:$0x1]  }
0x143: {  	s0 =	sadd.s32 @!p0 $0x100000, s0  }
0x144: {  	[sflag:s0] =	ssyncadd.tile.s32 @!p0 $0x1;
	_ =	shalt  }
.Lfunc_end2:
_tile_overlayer_lowered:
.L_overlay_start_2:
0x145: {  	(tag) =	ssettag $0x2  }
0x146: {  	s0 =	rddreg [dreg:$0x0];
	s2 =	stileid.u32  }
0x147: {  	s1 =	rddreg [dreg:$0x1];
	p0 =	sne.s32 s2, $0x0  }
0x148: {  	s3 =	rddreg [dreg:$0x2];
	[bflag:$0x3] =	sbarrier.arrive $0xFFFF;
	s2 =	simm.s32 @!p0 $0x1C02  }
0x149: {  	[timem:s3], [sflag:s2] =	dma.local @!p0 [hbm:s0], s1  }
0x14a: {  	s0 =	simm.s32 @!p0 $0x2  }
0x14b: {  	_ =	swait.ge @!p0 [sflag:s0], s1  }
0x14c: {  	s1 =	ssub.s32 @!p0 $0x0, s1;
	[sflag:s0] =	ssyncset.done @!p0 $0x0  }
0x14d: {  	[sflag:s0] =	ssyncadd.s32 @!p0 s1  }
0x14e: {  	[bflag:$0x3] =	sbarrier.arrive $0xFFFF  }
0x14f: {  	_ =	shalt  }

// kernel: kernel.15.cloned.1.call-start
scs
__scs_entry_jumppad:
0x0: {  	(pc) =	sbr.rel $0x88, $3  }
0x1: {  	(tag) =	ssettag $0x0;
	lr =	simm.s32 $0x1  }
0x2: {  	[smem:$0x3F97] =	sst lr;
	_ =	strace $0xD0000000  }
0x3: {  	_ = 	snop  }
0x4: {  	_ = 	snop  }
0x5: {  	_ = 	snop  }
0x6: {  	_ = 	snop  }
0x7: {  	_ = 	snop  }
__scs_overlays_trampoline_lowered:
0x8: {  	[smem:$0x3FA6] =	sst s0  }
0x9: {  	[smem:$0x3FA7] =	sst s1  }
0xa: {  	[smem:$0x3FA8] =	sst s2  }
0xb: {  	[smem:$0x3FA9] =	sst s3  }
0xc: {  	[smem:$0x3FAA] =	sst s4  }
0xd: {  	[smem:$0x3FAB] =	sst s5  }
0xe: {  	[smem:$0x3FAC] =	sst s6  }
0xf: {  	[smem:$0x3FAD] =	sst s7  }
0x10: {  	[smem:$0x3FAE] =	sst s8  }
0x11: {  	[smem:$0x3FAF] =	sst s9;
	s0 =	simm.s32 @!p0 $0x0  }
0x12: {  	s1 =	sld [smem:$0x3F95];
	s0 =	simm.s32 @p0 $0x1  }
0x13: {  	[smem:$0x3FB0] =	sst s0;
	s0 =	simm.s32 @!p1 $0x0  }
0x14: {  	s2 =	sld [smem:$0x3F94];
	s0 =	simm.s32 @p1 $0x1  }
0x15: {  	[smem:$0x3FB1] =	sst s0;
	s0 =	simm.s32 @!p2 $0x0  }
0x16: {  	s3 =	sld [smem:$0x3FDB];
	s0 =	simm.s32 @p2 $0x1  }
0x17: {  	s4 =	simm.s32 $0x1BF5;
	[smem:$0x3FB3] =	sst s0  }
0x18: {  	s0 =	sld [smem:$0x3F96];
	_ =	swait.ge [sflag:s4], $0x0  }
0x19: {  	s7 =	sld [smem:$0x3F97]  }
0x1a: {  	s8 =	sadd.s32 $0xFFFFE003, lr  }
0x1b: {  	s9 =	sadd.s32 $0xFFFFFEF7, lr;
	s5 =	simm.s32 $0xFFFFFFFF;
	p2 =	slt.u32 s8, $0xFFFFF086  }
0x1c: {  	p1 =	slt.u32 s9, $0xF7A;
	s5 =	simm.s32 @!p2 $0x0  }
0x1d: {  	s5 =	simm.s32 @p1 $0x1;
	p0 =	seq.s32 s7, s2  }
0x1e: {  	s7 =	smul.u32 @!p0 $0xF7A, s2;
	p2 =	seq.s32 @!p0 s5, $0x0  }
0x1f: {  	s9 =	smul.u32 $0xF7A, s1;
	s8 =	simm.s32 @!p0 $0x1BF5;
	p2 =	por !p2, p0  }
0x20: {  	[sflag:s8] =	ssyncset.s32 @!p0 $0xFFFFF086;
	s6 =	sadd.s32 @!p0 s3, s7;
	s7 =	simm.s32 @!p0 $0x108  }
0x21: {  	s3 =	sadd.s32 s3, s9;
	s6 =	sadd.s32 @!p0 $0x88, s6;
	s7 =	simm.s32 @p2 $0x1082  }
0x22: {  	[simem:s7], [sflag:s8] =	dma.local @!p0 [hbm:s6], $0xF7A  }
0x23: {  	s9 =	sor.u32 $0xD0000000, s2;
	s6 =	simm.s32 $0x108;
	_ =	swait.ge @!p0 [sflag:s8], $0x0  }
0x24: {  	s3 =	sadd.s32 $0x88, s3;
	s6 =	simm.s32 @!p1 $0x1082;
	[sflag:s4] =	ssyncset.s32 $0xFFFFF086  }
0x25: {  	[simem:s6], [sflag:s4] =	dma.local [hbm:s3], $0xF7A  }
0x26: {  	[smem:$0x3F97] =	sst s1;
	(tag) =	ssettag s2;
	_ =	strace s9  }
0x27: {  	s1 =	sld [smem:$0x3FA7]  }
0x28: {  	s2 =	sld [smem:$0x3FA8]  }
0x29: {  	s4 =	sld [smem:$0x3FAA]  }
0x2a: {  	p0 =	seq.s32 s5, $0x0;
	s5 =	sld [smem:$0x3FAB]  }
0x2b: {  	s6 =	sld [smem:$0x3FAC]  }
0x2c: {  	s7 =	sld [smem:$0x3FAD]  }
0x2d: {  	s3 =	simm.s32 $0x108;
	s8 =	sld [smem:$0x3FAE]  }
0x2e: {  	s3 =	simm.s32 @!p0 $0x1082;
	s9 =	sld [smem:$0x3FAF]  }
0x2f: {  	lr =	sadd.s32 s0, s3;
	s0 =	sld [smem:$0x3FA6]  }
0x30: {  	s3 =	sld [smem:$0x3FA9]  }
0x31: {  	[smem:$0x3FB2] =	sst s10  }
0x32: {  	s10 =	sld [smem:$0x3FB0];
	_ =	sdelay $0x3  }
0x33: {  	p0 =	seq.s32 s10, $0x1;
	s10 =	sld [smem:$0x3FB2];
	_ =	sdelay $0x3  }
0x34: {  	[smem:$0x3FB2] =	sst s10  }
0x35: {  	s10 =	sld [smem:$0x3FB1];
	_ =	sdelay $0x3  }
0x36: {  	p1 =	seq.s32 s10, $0x1;
	s10 =	sld [smem:$0x3FB2];
	_ =	sdelay $0x3  }
0x37: {  	[smem:$0x3FB2] =	sst s10  }
0x38: {  	s10 =	sld [smem:$0x3FB3]  }
0x39: {  	_ = 	snop;
	(pc) =	sbr.ind lr, $3  }
0x3a: {  	_ = 	snop  }
0x3b: {  	_ = 	snop  }
0x3c: {  	p2 =	seq.s32 s10, $0x1;
	s10 =	sld [smem:$0x3FB2]  }
0x3d: {  	_ =	shalt  }
0x3e: {  	_ =	shalt  }
0x3f: {  	_ =	shalt  }
0x40: {  	_ =	shalt  }
0x41: {  	_ =	shalt  }
0x42: {  	_ =	shalt  }
0x43: {  	_ =	shalt  }
0x44: {  	_ =	shalt  }
0x45: {  	_ =	shalt  }
0x46: {  	_ =	shalt  }
0x47: {  	_ =	shalt  }
0x48: {  	_ =	shalt  }
0x49: {  	_ =	shalt  }
0x4a: {  	_ =	shalt  }
0x4b: {  	_ =	shalt  }
0x4c: {  	_ =	shalt  }
0x4d: {  	_ =	shalt  }
0x4e: {  	_ =	shalt  }
0x4f: {  	_ =	shalt  }
0x50: {  	_ =	shalt  }
0x51: {  	_ =	shalt  }
0x52: {  	_ =	shalt  }
0x53: {  	_ =	shalt  }
0x54: {  	_ =	shalt  }
0x55: {  	_ =	shalt  }
0x56: {  	_ =	shalt  }
0x57: {  	_ =	shalt  }
0x58: {  	_ =	shalt  }
0x59: {  	_ =	shalt  }
0x5a: {  	_ =	shalt  }
0x5b: {  	_ =	shalt  }
0x5c: {  	_ =	shalt  }
0x5d: {  	_ =	shalt  }
0x5e: {  	_ =	shalt  }
0x5f: {  	_ =	shalt  }
0x60: {  	_ =	shalt  }
0x61: {  	_ =	shalt  }
0x62: {  	_ =	shalt  }
0x63: {  	_ =	shalt  }
0x64: {  	_ =	shalt  }
0x65: {  	_ =	shalt  }
0x66: {  	_ =	shalt  }
0x67: {  	_ =	shalt  }
0x68: {  	_ =	shalt  }
0x69: {  	_ =	shalt  }
0x6a: {  	_ =	shalt  }
0x6b: {  	_ =	shalt  }
0x6c: {  	_ =	shalt  }
0x6d: {  	_ =	shalt  }
0x6e: {  	_ =	shalt  }
0x6f: {  	_ =	shalt  }
0x70: {  	_ =	shalt  }
0x71: {  	_ =	shalt  }
0x72: {  	_ =	shalt  }
0x73: {  	_ =	shalt  }
0x74: {  	_ =	shalt  }
0x75: {  	_ =	shalt  }
0x76: {  	_ =	shalt  }
0x77: {  	_ =	shalt  }
0x78: {  	_ =	shalt  }
0x79: {  	_ =	shalt  }
0x7a: {  	_ =	shalt  }
0x7b: {  	_ =	shalt  }
0x7c: {  	_ =	shalt  }
0x7d: {  	_ =	shalt  }
0x7e: {  	_ =	shalt  }
0x7f: {  	_ =	shalt  }
0x80: {  	_ =	shalt  }
0x81: {  	_ =	shalt  }
0x82: {  	_ =	shalt  }
0x83: {  	_ =	shalt  }
0x84: {  	_ =	shalt  }
0x85: {  	_ =	shalt  }
0x86: {  	_ =	shalt  }
0x87: {  	_ =	shalt  }
.Lfunc_end0:
.L_simem_size_0:
called_computation.1_lowered:
.L_overlay_start_0:
0x88: {  	s2 =	sld [smem:$0x3FD9]  }
0x89: {  	s3 =	sld [smem:$0x3FFE];
	_ =	sdelay $0x1  }
0x8a: {  	s1 =	srdreg.scid  }
0x8b: {  	s0 =	sand.u32 $0x1, s1  }
0x8c: {  	s17 =	sshll.u32 s0, $0xA;
	s2 =	sadd.s32 s3, s2  }
0x8d: {  	s2 =	sadd.s32 s2, s17  }
0x8e: {  	[smem:$0x3FBE] =	sst s2  }
0x8f: {  	_ = 	snop  }
0x90: {  	(tm) =	ssettm $0x1  }
0x91: {  	s18 =	sld [smem:$0x3FFB];
	_ =	sdelay $0x3  }
0x92: {  	_ =	strace s18  }
0x93: {  	s2 =	sld [smem:$0x3FFC];
	_ =	sdelay $0x3  }
0x94: {  	_ =	strace s2  }
0x95: {  	s2 =	sld [smem:$0x3FFD];
	_ =	sdelay $0x3  }
0x96: {  	_ =	strace s2  }
0x97: {  	_ =	strace $0x8FFFFFFF  }
0x98: {  	s19 =	sld [smem:$0x3FDB];
	_ =	sdelay $0x1  }
0x99: {  	s20 =	simm.s32 $_scs_section_size  }
0x9a: {  	s4 =	simm.s32 $_size__tile_overlayer_lowered;
	s5 =	simm.s32 $_tile_overlayer_lowered  }
0x9b: {  	s6 =	simm.s32 $0x1BFF;
	s21 =	sshll.u32 s5, $0x1;
	s3 =	sadd.s32 s20, s19  }
0x9c: {  	s22 =	simm.s32 $0x0;
	s4 =	sshll.u32 s4, $0x1;
	s5 =	sadd.s32 s21, s3  }
0x9d: {  	[timem:s22], [sflag:s6] =	dma.local [hbm:s5], s4  }
0x9e: {  	_ =	swait.ge [sflag:s6], s4  }
0x9f: {  	s4 =	ssub.s32 $0x0, s4;
	[sflag:s6] =	ssyncset.done $0x0  }
0xa0: {  	[sflag:s6] =	ssyncadd.s32 s4;
	_ =	sdelay $0x1  }
0xa1: {  	s23 =	simm.s32 $0x1B8B  }
0xa2: {  	_ =	swait.ge [sflag:s23], $0x1  }
0xa3: {  	[sflag:s23] =	ssyncset.done $0x0  }
0xa4: {  	[sflag:s23] =	ssyncadd.s32 $0xFFFFFFFF  }
0xa5: {  	s4 =	sld [smem:$0x0]  }
0xa6: {  	s5 =	sand.u32 $0xFFFFFFFE, s1  }
0xa7: {  	p0 =	sne.s32 s1, s5  }
0xa8: {  	s5 =	sshll.u32 @p0 s5, $0xE  }
0xa9: {  	s5 =	sadd.s32 @p0 $0x11B8D, s5;
	s6 =	sshll.u32 @p0 s4, $0x11  }
0xaa: {  	s5 =	sor.u32 @p0 s6, s5  }
0xab: {  	[sflag:s5] =	ssyncadd.remote.s32 @p0 $0x1;
	_ =	sdelay $0x1  }
0xac: {  	s5 =	simm.s32 @p0 $0x1B8D  }
0xad: {  	_ =	swait.eq @p0 [sflag:s5], $0x1  }
0xae: {  	[sflag:s5] =	ssyncadd.s32 @p0 $0xFFFFFFFF  }
0xaf: {  	s6 =	sshll.u32 @!p0 s1, $0xE  }
0xb0: {  	s6 =	sor.u32 @!p0 $0x4000, s6;
	s5 =	simm.s32 @!p0 $0x1B8D  }
0xb1: {  	s4 =	sshll.u32 @!p0 s4, $0x11;
	s6 =	sadd.s32 @!p0 $0x11B8D, s6;
	_ =	swait.eq @!p0 [sflag:s5], $0x1  }
0xb2: {  	s4 =	sor.u32 @!p0 s4, s6;
	[sflag:s5] =	ssyncadd.s32 @!p0 $0xFFFFFFFF  }
0xb3: {  	s25 =	simm.s32 $0x1B8E;
	s24 =	sld [smem:$0x3FFE];
	[sflag:s4] =	ssyncadd.remote.s32 @!p0 $0x1  }
0xb4: {  	s26 =	simm.s32 $execute0_lowered;
	[smem:$0x3FD2] =	sst s25  }
0xb5: {  	s5 =	sshll.u32 s26, $0x1;
	_ =	strace $0x80000049;
	[dreg:$0x1] =	wrdreg $0xFFFFFFFF  }
0xb6: {  	s28 =	simm.s32 $_size_execute0_lowered;
	s3 =	sadd.s32 s3, s5;
	[dreg:$0x0] =	wrdreg $0x0  }
0xb7: {  	s5 =	sshll.u32 s28, $0x1;
	[dreg:$0x2] =	wrdreg s3  }
0xb8: {  	[dreg:$0x3] =	wrdreg s5  }
0xb9: {  	[dreg:$0x4] =	wrdreg $0xC0  }
0xba: {  	_ =	task [dreg:s22], $0x5FFFF  }
0xbb: {  	[dreg:$0x1] =	wrdreg $0xFFFFFFFF  }
0xbc: {  	[dreg:$0x0] =	wrdreg $0x60  }
0xbd: {  	[dreg:$0x2] =	wrdreg s24  }
0xbe: {  	[dreg:$0x3] =	wrdreg $0xA  }
0xbf: {  	_ =	task.clear_ibuf [dreg:s22], $0x4FFFF;
	_ =	strace $0x90000049  }
0xc0: {  	s29 =	simm.s32 $0xA;
	_ =	strace $0x8000004B  }
0xc1: {  	_ =	swait.ge [sflag:s29], $0x1  }
0xc2: {  	[sflag:s29] =	ssyncadd.s32 $0xFFFFFFFF  }
0xc3: {  	_ =	strace $0x9000004B  }
0xc4: {  	_ =	sfence  }
0xc5: {  	s30 =	sld [smem:$0x0];
	_ =	sdelay $0x2  }
0xc6: {  	s31 =	sshll.u32 s1, $0xD;
	s1 =	sshrl.u32 s1, $0x2  }
0xc7: {  	s4 =	sand.u32 $0x4000, s31;
	s1 =	sadd.s32 s1, s30  }
0xc8: {  	s0 =	sor.u32 s4, s0;
	s1 =	sshll.u32 s1, $0x11  }
0xc9: {  	s0 =	sor.u32 s1, s0  }
0xca: {  	s0 =	sadd.s32 $0x8F2B, s0  }
0xcb: {  	[sflag:s0] =	ssyncadd.remote.s32 $0x1  }
0xcc: {  	_ =	sfence.sel $0xFFFF  }
0xcd: {  	[dreg:$0x0] =	wrdreg $0xFFFFFFFF;
	(pc) =	sbr.abs _section_cstart, $3  }
0xce: {  	[dreg:$0x1] =	wrdreg $0xFFFFFFFF  }
0xcf: {  	_ =	task.clear_ibuf [dreg:s22], $0x2FFFF;
	_ =	strace $0x9FFFFFFF  }
0xd0: {  	(tm) =	ssettm $0x7FFFFFFF  }
0xd1: {  	_ =	shalt  }
tec
execute0_lowered:
.L_overlay_start_1:
0x0: {  	(tag) =	ssettag $0x1  }
0x1: {  	s0 =	rddreg [dreg:$0x0]  }
0x2: {  	s1 =	srdreg.scid;
	s3 =	stileid.u32  }
0x3: {  	s2 =	simm.s32 $0x0;
	s13 =	simm.s32 $0x2;
	s31 =	simm.s32 $0x7D80  }
0x4: {  	s14 =	simm.s32 $0x9580;
	s15 =	simm.s32 $0x9D80;
	s8 =	simm.s32 $0xB580  }
0x5: {  	s9 =	simm.s32 $0xBD80;
	s10 =	simm.s32 $0xC580;
	s1 =	sand.u32 $0x1, s1  }
0x6: {  	s3 =	sshll.u32 s3, $0xA;
	s4 =	sshll.u32 s1, $0x9;
	s1 =	ssub.s32 $0x2, s1  }
0x7: {  	[smem:$0x7FF] =	sst s2;
	s3 =	sor.u32 s4, s3;
	s7 =	sshrl.u32 s1, $0x1  }
0x8: {  	s5 =	sadd.s32 $0xCB000, s0;
	s4 =	sshrl.u32 s3, $0x3;
	s23 =	ssub.s32 s1, s7  }
0x9: {  	s6 =	sadd.s32 s4, s0;
	s4 =	sadd.s32 $0xA8000, s0;
	s0 =	smax.u32 s23, $0x1  }
0xa: {  	_ =	strace $0x8000004A;
	s24 =	sadd.s32 $0xC9800, s6;
	[dreg:$0x8] =	wrdreg s0  }
0xb: {  	s11 =	simm.s32 $0x1;
	s25 =	sadd.s32 $0xCA000, s6;
	[dreg:$0x2] =	wrdreg s24  }
0xc: {  	s12 =	simm.s32 $0xCD80;
	s26 =	sadd.s32 $0xCA800, s6;
	[dreg:$0x3] =	wrdreg s25  }
0xd: {  	s17 =	simm.s32 $0x0;
	s28 =	sadd.s32 $0xC8000, s6;
	[dreg:$0x4] =	wrdreg s26  }
0xe: {  	v2 =	vlaneseq.u32;
	s1 =	simm.s32 $0x8D80;
	s29 =	sadd.s32 $0xC8800, s6;
	[dreg:$0x5] =	wrdreg s28  }
0xf: {  	vm0 =	vmmov $0xffff;
	v1 =	vshrl.u32 v2, $0x3;
	s7 =	simm.s32 $0xAD80;
	s30 =	sadd.s32 $0xC9000, s6;
	[dreg:$0x6] =	wrdreg s29  }
0x10: {  	v0 =	vand.u32 $0x7, v2;
	v2 =	vor.u32 $0x8, v2;
	v1 =	vmul.u32 $0x8, v1;
	s0 =	simm.s32 $0x8580;
	s6 =	simm.s32 $0xA580;
	[dreg:$0x7] =	wrdreg s30  }
.LBB2_1:
0x11: {  	[dreg:$0x9] =	wrdreg s17  }
0x12: {  	s16 =	rddreg [dreg:$0x2]  }
0x13: {  	[tilespmem:s2], [sflag:$0x2] =	stream.linear.gather [hbm4b:s16+s2], $0x200, $0x38;
	[tilespmem:$0x10D80] =	vst v63  }
0x14: {  	_ =	swait.ge [sflag:s13], $0x200  }
0x15: {  	[sflag:s13] =	ssyncset.done $0x0  }
0x16: {  	s26 =	simm.s32 $0x200;
	s25 =	rddreg [dreg:$0x3];
	[sflag:s13] =	ssyncadd.s32 $0xFFFFFE00  }
0x17: {  	[tilespmem:s26], [sflag:$0x2] =	stream.linear.gather [hbm4b:s25+s2], $0x200, $0x38;
	[tilespmem:$0x10D80] =	vst v63  }
0x18: {  	_ =	swait.ge [sflag:s13], $0x200  }
0x19: {  	[sflag:s13] =	ssyncset.done $0x0  }
0x1a: {  	s29 =	simm.s32 $0x400;
	s28 =	rddreg [dreg:$0x4];
	[sflag:s13] =	ssyncadd.s32 $0xFFFFFE00  }
0x1b: {  	[tilespmem:s29], [sflag:$0x2] =	stream.linear.gather [hbm4b:s28+s2], $0x200, $0x38;
	[tilespmem:$0x10D80] =	vst v63  }
0x1c: {  	_ =	swait.ge [sflag:s13], $0x200  }
0x1d: {  	[sflag:s13] =	ssyncset.done $0x0  }
0x1e: {  	s16 =	simm.s32 $0x600;
	s30 =	rddreg [dreg:$0x5];
	[sflag:s13] =	ssyncadd.s32 $0xFFFFFE00  }
0x1f: {  	[tilespmem:s16], [sflag:$0x2] =	stream.linear.gather [hbm4b:s30+s2], $0x200, $0x38;
	[tilespmem:$0x10D80] =	vst v63  }
0x20: {  	_ =	swait.ge [sflag:s13], $0x200  }
0x21: {  	[sflag:s13] =	ssyncset.done $0x0  }
0x22: {  	s17 =	simm.s32 $0x880;
	s18 =	rddreg [dreg:$0x6];
	[sflag:s13] =	ssyncadd.s32 $0xFFFFFE00  }
0x23: {  	[tilespmem:s17], [sflag:$0x2] =	stream.linear.gather [hbm4b:s18+s2], $0x200, $0x38;
	[tilespmem:$0x10D80] =	vst v63  }
0x24: {  	_ =	swait.ge [sflag:s13], $0x200  }
0x25: {  	[sflag:s13] =	ssyncset.done $0x0  }
0x26: {  	s18 =	simm.s32 $0xB00;
	s19 =	rddreg [dreg:$0x7];
	[sflag:s13] =	ssyncadd.s32 $0xFFFFFE00  }
0x27: {  	[tilespmem:s18], [sflag:$0x2] =	stream.linear.gather [hbm4b:s19+s2], $0x200, $0x38;
	[tilespmem:$0x10D80] =	vst v63  }
0x28: {  	_ =	swait.ge [sflag:s13], $0x200  }
0x29: {  	[sflag:s13] =	ssyncset.done $0x0  }
0x2a: {  	s19 =	simm.s32 $0x0;
	[sflag:s13] =	ssyncadd.s32 $0xFFFFFE00  }
.LBB2_2:
0x2b: {  	s20 =	sshll.u32 s19, $0x6  }
0x2c: {  	v3 =	vld [tilespmem:s20+$0x0];
	_ =	sdelay $0x4  }
0x2d: {  	v4 =	vshll.u32 v3, $0x1  }
0x2e: {  	v3 =	vand.u32 $0x7, v3;
	v4 =	vand.u32 $0xFFFFFFF0, v4  }
0x2f: {  	v3 =	vor.u32 v3, v4  }
0x30: {  	v4 =	vperm.xlane v3, v0;
	_ =	sdelay $0x1  }
0x31: {  	v3 =	vperm.xlane v3, v2;
	v4 =	vadd.s32 v1, v4;
	_ =	sdelay $0x1  }
0x32: {  	v3 =	vadd.s32 v1, v3;
	_ =	sdelay $0x1  }
0x33: {  	s21 =	simm.s32 $0x0;
	s22 =	simm.s32 $0xD80  }
0x34: {  	[tilespmem:s22], [sflag:$0x1] =	stream.indirect_vreg.gather [hbm4b:s4+s21], $0x80, v4, vm0, $0xb8;
	[tilespmem:$0x10D80] =	vst v63  }
0x35: {  	s23 =	simm.s32 $0x1580  }
0x36: {  	[tilespmem:s23], [sflag:$0x1] =	stream.indirect_vreg.gather [hbm4b:s4+s21], $0x80, v3, vm0, $0xb8;
	[tilespmem:$0x10D80] =	vst v63  }
0x37: {  	v3 =	vld [tilespmem:s20+$0x10];
	_ =	sdelay $0x4  }
0x38: {  	v4 =	vshll.u32 v3, $0x1  }
0x39: {  	v3 =	vand.u32 $0x7, v3;
	v4 =	vand.u32 $0xFFFFFFF0, v4  }
0x3a: {  	v3 =	vor.u32 v3, v4  }
0x3b: {  	v4 =	vperm.xlane v3, v0;
	_ =	sdelay $0x1  }
0x3c: {  	v3 =	vperm.xlane v3, v2;
	v4 =	vadd.s32 v1, v4;
	_ =	sdelay $0x1  }
0x3d: {  	v3 =	vadd.s32 v1, v3;
	_ =	sdelay $0x1  }
0x3e: {  	s24 =	simm.s32 $0x1D80  }
0x3f: {  	[tilespmem:s24], [sflag:$0x1] =	stream.indirect_vreg.gather [hbm4b:s4+s21], $0x80, v4, vm0, $0xb8;
	[tilespmem:$0x10D80] =	vst v63  }
0x40: {  	s25 =	simm.s32 $0x2580  }
0x41: {  	[tilespmem:s25], [sflag:$0x1] =	stream.indirect_vreg.gather [hbm4b:s4+s21], $0x80, v3, vm0, $0xb8;
	[tilespmem:$0x10D80] =	vst v63  }
0x42: {  	v3 =	vld [tilespmem:s20+$0x20];
	_ =	sdelay $0x4  }
0x43: {  	v4 =	vshll.u32 v3, $0x1  }
0x44: {  	v3 =	vand.u32 $0x7, v3;
	v4 =	vand.u32 $0xFFFFFFF0, v4  }
0x45: {  	v3 =	vor.u32 v3, v4  }
0x46: {  	v4 =	vperm.xlane v3, v0;
	_ =	sdelay $0x1  }
0x47: {  	v3 =	vperm.xlane v3, v2;
	v4 =	vadd.s32 v1, v4;
	_ =	sdelay $0x1  }
0x48: {  	v3 =	vadd.s32 v1, v3;
	_ =	sdelay $0x1  }
0x49: {  	s26 =	simm.s32 $0x2D80  }
0x4a: {  	[tilespmem:s26], [sflag:$0x1] =	stream.indirect_vreg.gather [hbm4b:s4+s21], $0x80, v4, vm0, $0xb8;
	[tilespmem:$0x10D80] =	vst v63  }
0x4b: {  	s28 =	simm.s32 $0x3580  }
0x4c: {  	[tilespmem:s28], [sflag:$0x1] =	stream.indirect_vreg.gather [hbm4b:s4+s21], $0x80, v3, vm0, $0xb8;
	[tilespmem:$0x10D80] =	vst v63  }
0x4d: {  	v3 =	vld [tilespmem:s20+$0x30];
	_ =	sdelay $0x4  }
0x4e: {  	v4 =	vshll.u32 v3, $0x1  }
0x4f: {  	v3 =	vand.u32 $0x7, v3;
	v4 =	vand.u32 $0xFFFFFFF0, v4  }
0x50: {  	v3 =	vor.u32 v3, v4  }
0x51: {  	v4 =	vperm.xlane v3, v0;
	_ =	sdelay $0x1  }
0x52: {  	v3 =	vperm.xlane v3, v2;
	v4 =	vadd.s32 v1, v4;
	_ =	sdelay $0x1  }
0x53: {  	v3 =	vadd.s32 v1, v3;
	_ =	sdelay $0x1  }
0x54: {  	s29 =	simm.s32 $0x3D80  }
0x55: {  	[tilespmem:s29], [sflag:$0x1] =	stream.indirect_vreg.gather [hbm4b:s4+s21], $0x80, v4, vm0, $0xb8;
	[tilespmem:$0x10D80] =	vst v63  }
0x56: {  	s30 =	simm.s32 $0x4580  }
0x57: {  	[tilespmem:s30], [sflag:$0x1] =	stream.indirect_vreg.gather [hbm4b:s4+s21], $0x80, v3, vm0, $0xb8;
	[tilespmem:$0x10D80] =	vst v63  }
0x58: {  	v3 =	vld [tilespmem:s20+$0x200];
	_ =	sdelay $0x4  }
0x59: {  	v4 =	vshll.u32 v3, $0x1  }
0x5a: {  	v3 =	vand.u32 $0x7, v3;
	v4 =	vand.u32 $0xFFFFFFF0, v4  }
0x5b: {  	v3 =	vor.u32 v3, v4  }
0x5c: {  	v4 =	vperm.xlane v3, v0;
	_ =	sdelay $0x1  }
0x5d: {  	v3 =	vperm.xlane v3, v2;
	v4 =	vadd.s32 v1, v4;
	_ =	sdelay $0x1  }
0x5e: {  	v3 =	vadd.s32 v1, v3;
	_ =	sdelay $0x1  }
0x5f: {  	s23 =	simm.s32 $0x4D80  }
0x60: {  	[tilespmem:s23], [sflag:$0x1] =	stream.indirect_vreg.gather [hbm4b:s4+s21], $0x80, v4, vm0, $0xb8;
	[tilespmem:$0x10D80] =	vst v63  }
0x61: {  	s24 =	simm.s32 $0x5580  }
0x62: {  	[tilespmem:s24], [sflag:$0x1] =	stream.indirect_vreg.gather [hbm4b:s4+s21], $0x80, v3, vm0, $0xb8;
	[tilespmem:$0x10D80] =	vst v63  }
0x63: {  	v3 =	vld [tilespmem:s20+$0x210];
	_ =	sdelay $0x4  }
0x64: {  	v4 =	vshll.u32 v3, $0x1  }
0x65: {  	v3 =	vand.u32 $0x7, v3;
	v4 =	vand.u32 $0xFFFFFFF0, v4  }
0x66: {  	v3 =	vor.u32 v3, v4  }
0x67: {  	v4 =	vperm.xlane v3, v0;
	_ =	sdelay $0x1  }
0x68: {  	v3 =	vperm.xlane v3, v2;
	v4 =	vadd.s32 v1, v4;
	_ =	sdelay $0x1  }
0x69: {  	v3 =	vadd.s32 v1, v3;
	_ =	sdelay $0x1  }
0x6a: {  	s25 =	simm.s32 $0x5D80  }
0x6b: {  	[tilespmem:s25], [sflag:$0x1] =	stream.indirect_vreg.gather [hbm4b:s4+s21], $0x80, v4, vm0, $0xb8;
	[tilespmem:$0x10D80] =	vst v63  }
0x6c: {  	s26 =	simm.s32 $0x6580  }
0x6d: {  	[tilespmem:s26], [sflag:$0x1] =	stream.indirect_vreg.gather [hbm4b:s4+s21], $0x80, v3, vm0, $0xb8;
	[tilespmem:$0x10D80] =	vst v63  }
0x6e: {  	v3 =	vld [tilespmem:s20+$0x220];
	_ =	sdelay $0x4  }
0x6f: {  	v4 =	vshll.u32 v3, $0x1  }
0x70: {  	v3 =	vand.u32 $0x7, v3;
	v4 =	vand.u32 $0xFFFFFFF0, v4  }
0x71: {  	v3 =	vor.u32 v3, v4  }
0x72: {  	v4 =	vperm.xlane v3, v0;
	_ =	sdelay $0x1  }
0x73: {  	v3 =	vperm.xlane v3, v2;
	v4 =	vadd.s32 v1, v4;
	_ =	sdelay $0x1  }
0x74: {  	v3 =	vadd.s32 v1, v3;
	_ =	sdelay $0x1  }
0x75: {  	s28 =	simm.s32 $0x6D80  }
0x76: {  	[tilespmem:s28], [sflag:$0x1] =	stream.indirect_vreg.gather [hbm4b:s4+s21], $0x80, v4, vm0, $0xb8;
	[tilespmem:$0x10D80] =	vst v63  }
0x77: {  	s29 =	simm.s32 $0x7580  }
0x78: {  	[tilespmem:s29], [sflag:$0x1] =	stream.indirect_vreg.gather [hbm4b:s4+s21], $0x80, v3, vm0, $0xb8;
	[tilespmem:$0x10D80] =	vst v63  }
0x79: {  	v3 =	vld [tilespmem:s20+$0x230];
	_ =	sdelay $0x4  }
0x7a: {  	v4 =	vshll.u32 v3, $0x1  }
0x7b: {  	v3 =	vand.u32 $0x7, v3;
	v4 =	vand.u32 $0xFFFFFFF0, v4  }
0x7c: {  	v3 =	vor.u32 v3, v4  }
0x7d: {  	v4 =	vperm.xlane v3, v0;
	_ =	sdelay $0x1  }
0x7e: {  	v3 =	vperm.xlane v3, v2;
	v4 =	vadd.s32 v1, v4;
	_ =	sdelay $0x1  }
0x7f: {  	v3 =	vadd.s32 v1, v3;
	_ =	sdelay $0x2  }
0x80: {  	[tilespmem:s31], [sflag:$0x1] =	stream.indirect_vreg.gather [hbm4b:s4+s21], $0x80, v4, vm0, $0xb8;
	[tilespmem:$0x10D80] =	vst v63  }
0x81: {  	_ = 	snop  }
0x82: {  	[tilespmem:s0], [sflag:$0x1] =	stream.indirect_vreg.gather [hbm4b:s4+s21], $0x80, v3, vm0, $0xb8;
	[tilespmem:$0x10D80] =	vst v63  }
0x83: {  	v3 =	vld [tilespmem:s20+$0x400];
	_ =	sdelay $0x4  }
0x84: {  	v4 =	vshll.u32 v3, $0x1  }
0x85: {  	v3 =	vand.u32 $0x7, v3;
	v4 =	vand.u32 $0xFFFFFFF0, v4  }
0x86: {  	v3 =	vor.u32 v3, v4  }
0x87: {  	v4 =	vperm.xlane v3, v0;
	_ =	sdelay $0x1  }
0x88: {  	v3 =	vperm.xlane v3, v2;
	v4 =	vadd.s32 v1, v4;
	_ =	sdelay $0x1  }
0x89: {  	v3 =	vadd.s32 v1, v3;
	_ =	sdelay $0x2  }
0x8a: {  	[tilespmem:s1], [sflag:$0x1] =	stream.indirect_vreg.gather [hbm4b:s4+s21], $0x80, v4, vm0, $0xb8;
	[tilespmem:$0x10D80] =	vst v63  }
0x8b: {  	_ = 	snop  }
0x8c: {  	[tilespmem:s14], [sflag:$0x1] =	stream.indirect_vreg.gather [hbm4b:s4+s21], $0x80, v3, vm0, $0xb8;
	[tilespmem:$0x10D80] =	vst v63  }
0x8d: {  	v3 =	vld [tilespmem:s20+$0x410];
	_ =	sdelay $0x4  }
0x8e: {  	v4 =	vshll.u32 v3, $0x1  }
0x8f: {  	v3 =	vand.u32 $0x7, v3;
	v4 =	vand.u32 $0xFFFFFFF0, v4  }
0x90: {  	v3 =	vor.u32 v3, v4  }
0x91: {  	v4 =	vperm.xlane v3, v0;
	_ =	sdelay $0x1  }
0x92: {  	v3 =	vperm.xlane v3, v2;
	v4 =	vadd.s32 v1, v4;
	_ =	sdelay $0x1  }
0x93: {  	v3 =	vadd.s32 v1, v3;
	_ =	sdelay $0x2  }
0x94: {  	[tilespmem:s15], [sflag:$0x1] =	stream.indirect_vreg.gather [hbm4b:s4+s21], $0x80, v4, vm0, $0xb8;
	[tilespmem:$0x10D80] =	vst v63  }
0x95: {  	_ = 	snop  }
0x96: {  	[tilespmem:s6], [sflag:$0x1] =	stream.indirect_vreg.gather [hbm4b:s4+s21], $0x80, v3, vm0, $0xb8;
	[tilespmem:$0x10D80] =	vst v63  }
0x97: {  	v3 =	vld [tilespmem:s20+$0x420];
	_ =	sdelay $0x4  }
0x98: {  	v4 =	vshll.u32 v3, $0x1  }
0x99: {  	v3 =	vand.u32 $0x7, v3;
	v4 =	vand.u32 $0xFFFFFFF0, v4  }
0x9a: {  	v3 =	vor.u32 v3, v4  }
0x9b: {  	v4 =	vperm.xlane v3, v0;
	_ =	sdelay $0x1  }
0x9c: {  	v3 =	vperm.xlane v3, v2;
	v4 =	vadd.s32 v1, v4;
	_ =	sdelay $0x1  }
0x9d: {  	v3 =	vadd.s32 v1, v3;
	_ =	sdelay $0x2  }
0x9e: {  	[tilespmem:s7], [sflag:$0x1] =	stream.indirect_vreg.gather [hbm4b:s4+s21], $0x80, v4, vm0, $0xb8;
	[tilespmem:$0x10D80] =	vst v63  }
0x9f: {  	_ = 	snop  }
0xa0: {  	[tilespmem:s8], [sflag:$0x1] =	stream.indirect_vreg.gather [hbm4b:s4+s21], $0x80, v3, vm0, $0xb8;
	[tilespmem:$0x10D80] =	vst v63  }
0xa1: {  	v3 =	vld [tilespmem:s20+$0x430];
	_ =	sdelay $0x4  }
0xa2: {  	v4 =	vshll.u32 v3, $0x1  }
0xa3: {  	v3 =	vand.u32 $0x7, v3;
	v4 =	vand.u32 $0xFFFFFFF0, v4  }
0xa4: {  	v3 =	vor.u32 v3, v4  }
0xa5: {  	v4 =	vperm.xlane v3, v0;
	_ =	sdelay $0x1  }
0xa6: {  	v3 =	vperm.xlane v3, v2;
	v4 =	vadd.s32 v1, v4;
	_ =	sdelay $0x1  }
0xa7: {  	v3 =	vadd.s32 v1, v3;
	_ =	sdelay $0x2  }
0xa8: {  	[tilespmem:s9], [sflag:$0x1] =	stream.indirect_vreg.gather [hbm4b:s4+s21], $0x80, v4, vm0, $0xb8;
	[tilespmem:$0x10D80] =	vst v63  }
0xa9: {  	_ = 	snop  }
0xaa: {  	[tilespmem:s10], [sflag:$0x1] =	stream.indirect_vreg.gather [hbm4b:s4+s21], $0x80, v3, vm0, $0xb8;
	[tilespmem:$0x10D80] =	vst v63  }
0xab: {  	_ =	swait.ge [sflag:s11], $0x4000  }
0xac: {  	[sflag:s11] =	ssyncset.done $0x0  }
0xad: {  	[sflag:s11] =	ssyncadd.s32 $0xFFFFC000  }
0xae: {  	_ =	swait.ge [sflag:s11], $0x4000  }
0xaf: {  	[sflag:s11] =	ssyncset.done $0x0  }
0xb0: {  	[sflag:s11] =	ssyncadd.s32 $0xFFFFC000  }
0xb1: {  	_ =	swait.ge [sflag:s11], $0x4000  }
0xb2: {  	s30 =	sand.u32 $0x3800, s21;
	s21 =	sand.u32 $0x380, s21;
	[sflag:s11] =	ssyncset.done $0x0  }
0xb3: {  	s21 =	sor.u32 s21, s30;
	[sflag:s11] =	ssyncadd.s32 $0xFFFFC000  }
0xb4: {  	v29 =	vld [tilespmem:s21+$0xD80]  }
0xb5: {  	v33 =	vld [tilespmem:s21+$0x4D80]  }
0xb6: {  	v3 =	vld [tilespmem:s21+$0xD90]  }
0xb7: {  	v9 =	vld [tilespmem:s21+$0x4D90]  }
0xb8: {  	v11 =	vld [tilespmem:s21+$0xDA0]  }
0xb9: {  	v5 =	vld [tilespmem:s21+$0x4DA0]  }
0xba: {  	v34 =	vld [tilespmem:s21+$0xDB0]  }
0xbb: {  	v36 =	vld [tilespmem:s21+$0x4DB0]  }
0xbc: {  	v23 =	vld [tilespmem:s21+$0xDC0]  }
0xbd: {  	v7 =	vld [tilespmem:s21+$0x4DC0]  }
0xbe: {  	v25 =	vld [tilespmem:s21+$0xDD0]  }
0xbf: {  	v19 =	vld [tilespmem:s21+$0x4DD0]  }
0xc0: {  	v22 =	vld [tilespmem:s21+$0xDE0]  }
0xc1: {  	v38 =	vld [tilespmem:s21+$0x4DE0]  }
0xc2: {  	v27 =	vld [tilespmem:s21+$0xDF0]  }
0xc3: {  	v28 =	vld [tilespmem:s21+$0x1180]  }
0xc4: {  	v13 =	vld [tilespmem:s21+$0x91E0]  }
0xc5: {  	v4 =	vld [tilespmem:s21+$0x8DD0]  }
0xc6: {  	v6 =	vld [tilespmem:s21+$0x8DB0]  }
0xc7: {  	v10 =	vld [tilespmem:s21+$0x91D0]  }
0xc8: {  	v8 =	vld [tilespmem:s21+$0x91A0]  }
0xc9: {  	v16 =	vld [tilespmem:s21+$0x91B0]  }
0xca: {  	v14 =	vld [tilespmem:s21+$0x51A0]  }
0xcb: {  	v20 =	vld [tilespmem:s21+$0x8D80]  }
0xcc: {  	v26 =	vld [tilespmem:s21+$0x8DF0]  }
0xcd: {  	v18 =	vld [tilespmem:s21+$0x1190]  }
0xce: {  	v17 =	vld [tilespmem:s21+$0x8DA0]  }
0xcf: {  	v32 =	vld [tilespmem:s21+$0x8DE0]  }
0xd0: {  	v24 =	vld [tilespmem:s21+$0x9190]  }
0xd1: {  	v31 =	vld [tilespmem:s21+$0x8D90]  }
0xd2: {  	v35 =	vld [tilespmem:s21+$0x91C0]  }
0xd3: {  	v47 =	vld [tilespmem:s21+$0x51C0]  }
0xd4: {  	v12 =	vld [tilespmem:s21+$0x91F0]  }
0xd5: {  	v42 =	vld [tilespmem:s21+$0x11C0]  }
0xd6: {  	v39 =	vld [tilespmem:s21+$0x51F0]  }
0xd7: {  	v37 =	vld [tilespmem:s21+$0x51D0]  }
0xd8: {  	v21 =	vld.msk [tilespmem:s17+$0x0 ss:$0x0], $0xffff  }
0xd9: {  	v30 =	vld.msk [tilespmem:s16+$0x0 ss:$0x0], $0xffff  }
0xda: {  	v43 =	vld [tilespmem:s21+$0x4DF0]  }
0xdb: {  	v44 =	vld [tilespmem:s21+$0x11E0]  }
0xdc: {  	v15 =	vld.msk [tilespmem:s18+$0x0 ss:$0x0], $0xffff  }
0xdd: {  	v50 =	vld [tilespmem:s21+$0x5190]  }
0xde: {  	v63 =	vld [tilespmem:s21+$0x11A0];
	v51 =	vmul.f32 v33, v21;
	v40 =	vmul.f32 v37, v21  }
0xdf: {  	v52 =	vld [tilespmem:s21+$0x11B0];
	v41 =	vmul.f32 v34, v30;
	v37 =	vmul.f32 v43, v21  }
0xe0: {  	v48 =	vld [tilespmem:s21+$0x11F0];
	v53 =	vmul.f32 v29, v30;
	v43 =	vmul.f32 v38, v21  }
0xe1: {  	v46 =	vmul.f32 v44, v30;
	v34 =	vld [tilespmem:s21+$0x51E0];
	v45 =	vmul.f32 v39, v21  }
0xe2: {  	v39 =	vmul.f32 v36, v21;
	v36 =	vld [tilespmem:s21+$0x5180];
	v49 =	vmul.f32 v42, v30  }
0xe3: {  	s22 =	sadd.s32 $0x1, s16;
	s23 =	simm.s32 $0x80;
	v44 =	vld [tilespmem:s21+$0x9180];
	v29 =	vmul.f32 v50, v21;
	v33 =	vmul.f32 v63, v30  }
0xe4: {  	s24 =	sadd.s32 $0x1, s18;
	s25 =	sadd.s32 $0x1, s17;
	s26 =	simm.s32 $0x100;
	v42 =	vmul.f32 v52, v30;
	v50 =	vmul.f32 v47, v21;
	v47 =	vld [tilespmem:s21+$0x11D0];
	v38 =	vadd.f32 v51, v53  }
.LBB2_3:
0xe5: {  	s29 =	smov.u32 s26  }
0xe6: {  	s28 =	sand.u32 $0x3800, s26;
	s30 =	sand.u32 $0x380, s23;
	v51 =	vmul.f32 v23, v30;
	v23 =	vld [tilespmem:s21+$0x51B0];
	v48 =	vmul.f32 v48, v30;
	s29 =	sadd.s32 $0x100, s26  }
0xe7: {  	p0 =	sne.s32 s26, $0x3F00;
	v25 =	vmul.f32 v25, v30;
	s28 =	sor.u32 s30, s28;
	v49 =	vadd.f32 v50, v49;
	v50 =	vmul.f32 v34, v21;
	v52 =	vld [tilespmem:s21+$0x8DC0]  }
0xe8: {  	v53 =	vmul.f32 v11, v30;
	v54 =	vmul.f32 v36, v21;
	v34 =	vld [tilespmem:s28+$0xD80]  }
0xe9: {  	v19 =	vmul.f32 v19, v21;
	v22 =	vmul.f32 v22, v30;
	v46 =	vadd.f32 v50, v46;
	v36 =	vld [tilespmem:s28+$0x4D80]  }
0xea: {  	v27 =	vmul.f32 v27, v30;
	v45 =	vadd.f32 v45, v48;
	v47 =	vmul.f32 v47, v30;
	v50 =	vld [tilespmem:s28+$0xD90]  }
0xeb: {  	v55 =	vadd.f32 v39, v41;
	v28 =	vmul.f32 v28, v30;
	v56 =	vmul.f32 v13, v15;
	v48 =	vld [tilespmem:s28+$0x4D90]  }
0xec: {  	v57 =	vadd.f32 v19, v25;
	v13 =	vmul.f32 v23, v21;
	v11 =	vld [tilespmem:s28+$0xDA0];
	v52 =	vmul.f32 v52, v15  }
0xed: {  	v25 =	vmul.f32 v44, v15;
	v19 =	vadd.f32 v54, v28;
	v23 =	vmul.f32 v35, v15;
	v58 =	vld [tilespmem:s28+$0x4DA0]  }
0xee: {  	v31 =	vmul.f32 v31, v15;
	v28 =	vmul.f32 v9, v21;
	v35 =	vadd.f32 v40, v47;
	v41 =	vld [tilespmem:s28+$0xDB0]  }
0xef: {  	v5 =	vmul.f32 v5, v21;
	v24 =	vmul.f32 v24, v15;
	v47 =	vadd.f32 v23, v49;
	v39 =	vld [tilespmem:s28+$0x4DB0]  }
0xf0: {  	v32 =	vmul.f32 v32, v15;
	v22 =	vadd.f32 v43, v22;
	v40 =	vmul.f32 v3, v30;
	v3 =	vmovc v50;
	v23 =	vld [tilespmem:s28+$0xDC0]  }
0xf1: {  	v17 =	vmul.f32 v17, v15;
	v18 =	vmul.f32 v18, v30;
	v44 =	vadd.f32 v25, v19;
	v43 =	vld [tilespmem:s28+$0x4DC0];
	[tilespmem:s21+$0xD1C0] =	vst v47  }
0xf2: {  	v26 =	vmul.f32 v26, v15;
	v27 =	vadd.f32 v37, v27;
	v30 =	vadd.f32 v32, v22;
	v9 =	vmovc v48;
	v25 =	vld [tilespmem:s28+$0xDD0]  }
0xf3: {  	v20 =	vmul.f32 v20, v15;
	v14 =	vmul.f32 v14, v21;
	v32 =	vadd.f32 v5, v53;
	v19 =	vld [tilespmem:s28+$0x4DD0];
	[tilespmem:s21+$0xD180] =	vst v44  }
0xf4: {  	v16 =	vmul.f32 v16, v15;
	v47 =	vmul.f32 v7, v21;
	v21 =	vadd.f32 v26, v27;
	v22 =	vld [tilespmem:s28+$0xDE0];
	[tilespmem:s21+$0xCDE0] =	vst v30  }
0xf5: {  	v20 =	vadd.f32 v20, v38;
	v26 =	vmul.f32 v8, v15;
	v8 =	vadd.f32 v13, v42;
	v5 =	vmovc v58;
	v44 =	vld [tilespmem:s28+$0x4DE0]  }
0xf6: {  	v10 =	vmul.f32 v10, v15;
	v37 =	vadd.f32 v47, v51;
	v30 =	vadd.f32 v28, v40;
	v27 =	vld [tilespmem:s28+$0xDF0];
	v7 =	vmovc v43  }
0xf7: {  	v14 =	vadd.f32 v14, v33;
	v28 =	vld [tilespmem:s28+$0x1180];
	[tilespmem:s21+$0xCD80] =	vst v20;
	v20 =	vmul.f32 v6, v15;
	v6 =	vadd.f32 v16, v8  }
0xf8: {  	v10 =	vadd.f32 v10, v35;
	v30 =	vadd.f32 v31, v30;
	v8 =	vmul.f32 v4, v15;
	v13 =	vld [tilespmem:s28+$0x91E0];
	[tilespmem:s21+$0xCDF0] =	vst v21  }
0xf9: {  	v12 =	vmul.f32 v12, v15;
	v18 =	vadd.f32 v29, v18;
	v16 =	vadd.f32 v52, v37;
	v4 =	vld [tilespmem:s28+$0x8DD0];
	[tilespmem:s21+$0xD1B0] =	vst v6  }
0xfa: {  	v15 =	vadd.f32 v17, v32;
	v17 =	vadd.f32 v8, v57;
	v6 =	vld [tilespmem:s28+$0x8DB0];
	[tilespmem:s21+$0xD1D0] =	vst v10  }
0xfb: {  	v21 =	vadd.f32 v24, v18;
	v24 =	vadd.f32 v56, v46;
	v10 =	vld [tilespmem:s28+$0x91D0];
	[tilespmem:s21+$0xCDC0] =	vst v16  }
0xfc: {  	v12 =	vadd.f32 v12, v45;
	v18 =	vadd.f32 v20, v55;
	v8 =	vld [tilespmem:s28+$0x91A0];
	[tilespmem:s21+$0xCDD0] =	vst v17  }
0xfd: {  	v17 =	vadd.f32 v26, v14;
	v16 =	vld [tilespmem:s28+$0x91B0];
	[tilespmem:s21+$0xCD90] =	vst v30  }
0xfe: {  	v14 =	vld [tilespmem:s28+$0x51A0];
	[tilespmem:s21+$0xCDB0] =	vst v18  }
0xff: {  	v20 =	vld [tilespmem:s28+$0x8D80];
	[tilespmem:s21+$0xD1A0] =	vst v17  }
0x100: {  	v26 =	vld [tilespmem:s28+$0x8DF0];
	[tilespmem:s21+$0xD1F0] =	vst v12  }
0x101: {  	v18 =	vld [tilespmem:s28+$0x1190];
	[tilespmem:s21+$0xD1E0] =	vst v24  }
0x102: {  	v17 =	vld [tilespmem:s28+$0x8DA0];
	[tilespmem:s21+$0xD190] =	vst v21  }
0x103: {  	v32 =	vld [tilespmem:s28+$0x8DE0];
	[tilespmem:s21+$0xCDA0] =	vst v15;
	s21 =	smov.u32 s28  }
0x104: {  	v24 =	vld [tilespmem:s21+$0x9190]  }
0x105: {  	v31 =	vld [tilespmem:s21+$0x8D90]  }
0x106: {  	v35 =	vld [tilespmem:s21+$0x91C0]  }
0x107: {  	v47 =	vld [tilespmem:s21+$0x51C0]  }
0x108: {  	v12 =	vld [tilespmem:s21+$0x91F0]  }
0x109: {  	v29 =	vld [tilespmem:s21+$0x11C0]  }
0x10a: {  	v33 =	vld [tilespmem:s21+$0x51F0]  }
0x10b: {  	v37 =	vld [tilespmem:s21+$0x51D0]  }
0x10c: {  	v21 =	vld.msk [tilespmem:s25+$0x0 ss:$0x0], $0xffff  }
0x10d: {  	v30 =	vld.msk [tilespmem:s22+$0x0 ss:$0x0], $0xffff  }
0x10e: {  	v38 =	vld [tilespmem:s21+$0x4DF0]  }
0x10f: {  	v42 =	vld [tilespmem:s21+$0x11E0]  }
0x110: {  	v15 =	vld.msk [tilespmem:s24+$0x0 ss:$0x0], $0xffff  }
0x111: {  	v50 =	vld [tilespmem:s21+$0x5190]  }
0x112: {  	v36 =	vmul.f32 v36, v21;
	v40 =	vmul.f32 v37, v21;
	v51 =	vld [tilespmem:s21+$0x11A0]  }
0x113: {  	v41 =	vmul.f32 v41, v30;
	v37 =	vmul.f32 v38, v21;
	v52 =	vld [tilespmem:s21+$0x11B0]  }
.Ltmp0:
0x114: {  	v43 =	vmul.f32 v44, v21;
	v38 =	vmul.f32 v34, v30;
	v48 =	vld [tilespmem:s21+$0x11F0];
	(pc) =	sbr.rel @p0 .LBB2_3-.Ltmp0, $4  }
0x115: {  	v45 =	vmul.f32 v33, v21;
	v46 =	vmul.f32 v42, v30;
	v34 =	vld [tilespmem:s21+$0x51E0]  }
0x116: {  	v39 =	vmul.f32 v39, v21;
	v49 =	vmul.f32 v29, v30;
	v38 =	vadd.f32 v36, v38;
	v36 =	vld [tilespmem:s21+$0x5180]  }
0x117: {  	s23 =	sadd.s32 $0x80, s23;
	s22 =	sadd.s32 $0x1, s22;
	v29 =	vmul.f32 v50, v21;
	v44 =	vld [tilespmem:s21+$0x9180];
	v33 =	vmul.f32 v51, v30  }
0x118: {  	s26 =	smov.u32 s29;
	s25 =	sadd.s32 $0x1, s25;
	s24 =	sadd.s32 $0x1, s24;
	v50 =	vmul.f32 v47, v21;
	v42 =	vmul.f32 v52, v30;
	v47 =	vld [tilespmem:s21+$0x11D0]  }
0x119: {  	v23 =	vmul.f32 v23, v30  }
0x11a: {  	v48 =	vmul.f32 v48, v30;
	v25 =	vmul.f32 v25, v30  }
0x11b: {  	v11 =	vmul.f32 v11, v30;
	v19 =	vmul.f32 v19, v21  }
0x11c: {  	v22 =	vmul.f32 v22, v30;
	v27 =	vmul.f32 v27, v30  }
0x11d: {  	v28 =	vmul.f32 v28, v30;
	v32 =	vmul.f32 v32, v15  }
0x11e: {  	v9 =	vmul.f32 v9, v21;
	v20 =	vmul.f32 v20, v15  }
0x11f: {  	v26 =	vmul.f32 v26, v15;
	v7 =	vmul.f32 v7, v21  }
0x120: {  	v16 =	vmul.f32 v16, v15;
	v3 =	vmul.f32 v3, v30  }
0x121: {  	v56 =	vmul.f32 v31, v15;
	v57 =	vadd.f32 v39, v41;
	v6 =	vmul.f32 v6, v15  }
0x122: {  	v49 =	vadd.f32 v50, v49;
	v50 =	vmul.f32 v35, v15;
	v45 =	vadd.f32 v45, v48  }
0x123: {  	v36 =	vmul.f32 v36, v21;
	v22 =	vadd.f32 v43, v22;
	v20 =	vadd.f32 v20, v38  }
0x124: {  	v4 =	vmul.f32 v4, v15;
	v27 =	vadd.f32 v37, v27;
	v6 =	vadd.f32 v6, v57  }
0x125: {  	v51 =	vld [tilespmem:s21+$0x8DC0];
	v14 =	vmul.f32 v14, v21;
	v48 =	vadd.f32 v36, v28;
	v28 =	vadd.f32 v50, v49;
	[tilespmem:s21+$0xCD80] =	vst v20  }
0x126: {  	v8 =	vmul.f32 v8, v15;
	v3 =	vadd.f32 v9, v3;
	v22 =	vadd.f32 v32, v22;
	[tilespmem:s21+$0xCDB0] =	vst v6  }
0x127: {  	v52 =	vld [tilespmem:s21+$0x51B0];
	v12 =	vmul.f32 v12, v15;
	v19 =	vadd.f32 v19, v25;
	v55 =	vadd.f32 v26, v27;
	[tilespmem:s21+$0xD1C0] =	vst v28  }
0x128: {  	v34 =	vmul.f32 v34, v21;
	v58 =	vadd.f32 v14, v33;
	v3 =	vadd.f32 v56, v3;
	[tilespmem:s21+$0xCDE0] =	vst v22  }
0x129: {  	v60 =	vmul.f32 v13, v15;
	v62 =	vmul.f32 v47, v30;
	v4 =	vadd.f32 v4, v19;
	[tilespmem:s21+$0xCDF0] =	vst v55  }
0x12a: {  	v34 =	vadd.f32 v34, v46;
	v63 =	vmul.f32 v51, v15;
	[tilespmem:s21+$0xCD90] =	vst v3;
	v3 =	vadd.f32 v8, v58  }
0x12b: {  	v51 =	vmul.f32 v44, v15;
	v54 =	vadd.f32 v40, v62;
	[tilespmem:s21+$0xCDD0] =	vst v4;
	v62 =	vadd.f32 v12, v45  }
0x12c: {  	v7 =	vadd.f32 v7, v23;
	v52 =	vmul.f32 v52, v21;
	v4 =	vadd.f32 v60, v34;
	[tilespmem:s21+$0xD1A0] =	vst v3  }
0x12d: {  	v10 =	vmul.f32 v10, v15;
	v5 =	vmul.f32 v5, v21;
	v25 =	vadd.f32 v51, v48;
	[tilespmem:s21+$0xD1F0] =	vst v62  }
0x12e: {  	v59 =	vmul.f32 v18, v30;
	v53 =	vadd.f32 v52, v42;
	v7 =	vadd.f32 v63, v7;
	[tilespmem:s21+$0xD1E0] =	vst v4  }
0x12f: {  	v5 =	vadd.f32 v5, v11;
	v63 =	vmul.f32 v17, v15;
	v10 =	vadd.f32 v10, v54;
	[tilespmem:s21+$0xD180] =	vst v25  }
0x130: {  	v61 =	vmul.f32 v24, v15;
	v16 =	vadd.f32 v16, v53;
	[tilespmem:s21+$0xCDC0] =	vst v7;
	v7 =	vadd.f32 v29, v59  }
0x131: {  	v5 =	vadd.f32 v63, v5;
	[tilespmem:s21+$0xD1D0] =	vst v10  }
0x132: {  	s20 =	sadd.s32 s3, s20;
	s19 =	sadd.s32 $0x1, s19;
	[tilespmem:s21+$0xD1B0] =	vst v16;
	v3 =	vadd.f32 v61, v7  }
0x133: {  	s20 =	sshll.u32 s20, $0x5;
	p0 =	sne.s32 s19, $0x8;
	[tilespmem:s21+$0xCDA0] =	vst v5  }
.Ltmp1:
0x134: {  	s20 =	sadd.s32 s5, s20;
	[tilespmem:s21+$0xD190] =	vst v3;
	(pc) =	sbr.rel @p0 .LBB2_2-.Ltmp1, $4  }
0x135: {  	[hbm4b:s20+s2] =	stream.linear.scatter [tilespmem:s12], [sflag:$0x2], $0x4000, $0x38;
	[tilespmem:$0x10D80] =	vst v63  }
0x136: {  	_ =	swait.ge [sflag:s13], $0x4000  }
0x137: {  	s18 =	sadd.s32 $0x40, s18;
	[sflag:s13] =	ssyncset.done $0x0  }
0x138: {  	s17 =	sadd.s32 $0x40, s17;
	s16 =	sadd.s32 $0x40, s16;
	[sflag:s13] =	ssyncadd.s32 $0xFFFFC000  }
0x139: {  	s17 =	rddreg [dreg:$0x9]  }
0x13a: {  	s16 =	rddreg [dreg:$0x8];
	s17 =	sadd.s32 $0x1, s17  }
0x13b: {  	p0 =	sne.s32 s17, s16  }
.Ltmp2:
0x13c: {  	_ = 	snop;
	(pc) =	sbr.rel @p0 .LBB2_1-.Ltmp2, $1  }
0x13d: {  	_ =	sdelay $0x3  }
0x13e: {  	_ =	sfence.sel $0x180000  }
0x13f: {  	[bflag:$0x0] =	sbarrier.arrive $0xFFFF  }
0x140: {  	_ =	strace $0x9000004A  }
0x141: {  	s0 =	stileid.u32;
	[bflag:$0x2] =	sbarrier.arrive $0xFFFF  }
0x142: {  	p0 =	sne.s32 s0, $0x0;
	s0 =	rddreg [dreg:$0x1]  }
0x143: {  	s0 =	sadd.s32 @!p0 $0x100000, s0  }
0x144: {  	[sflag:s0] =	ssyncadd.tile.s32 @!p0 $0x1;
	_ =	shalt  }
.Lfunc_end2:
_tile_overlayer_lowered:
.L_overlay_start_2:
0x145: {  	(tag) =	ssettag $0x2  }
0x146: {  	s0 =	rddreg [dreg:$0x0];
	s2 =	stileid.u32  }
0x147: {  	s1 =	rddreg [dreg:$0x1];
	p0 =	sne.s32 s2, $0x0  }
0x148: {  	s3 =	rddreg [dreg:$0x2];
	[bflag:$0x3] =	sbarrier.arrive $0xFFFF;
	s2 =	simm.s32 @!p0 $0x1C02  }
0x149: {  	[timem:s3], [sflag:s2] =	dma.local @!p0 [hbm:s0], s1  }
0x14a: {  	s0 =	simm.s32 @!p0 $0x2  }
0x14b: {  	_ =	swait.ge @!p0 [sflag:s0], s1  }
0x14c: {  	s1 =	ssub.s32 @!p0 $0x0, s1;
	[sflag:s0] =	ssyncset.done @!p0 $0x0  }
0x14d: {  	[sflag:s0] =	ssyncadd.s32 @!p0 s1  }
0x14e: {  	[bflag:$0x3] =	sbarrier.arrive $0xFFFF  }
0x14f: {  	_ =	shalt  }

</sc_bundles>
